<compile_context>
chip_gen: v7x
topology: tpu7x:2x2x1
jax: 0.10.2.dev20260603
libtpu: 0.0.44.dev20260713+nightly
codegen_flags: <defaults>
</compile_context>

<pallas_src>
import functools

import jax
import jax.numpy as jnp
from jax import lax
from jax.experimental import pallas as pl
from jax.experimental.pallas import tpu as pltpu
from jax.experimental.pallas import tpu_sc as plsc

_B = 16384
_H = 50
_D = 64
_HP = 56
_DP = 128
_G = 8


@functools.cache
def _build(rows_per_w, nc):
    mesh = plsc.VectorSubcoreMesh(core_axis_name="c", subcore_axis_name="s")
    n2 = rows_per_w // _G // 2

    @functools.partial(
        pl.kernel,
        mesh=mesh,
        out_type=jax.ShapeDtypeStruct((_B, _HP, _DP), jnp.float32),
        compiler_params=pltpu.CompilerParams(use_tc_tiling_on_sc=False),
        scratch_types=[
            pltpu.VMEM((rows_per_w, _H), jnp.int32),
            pltpu.VMEM((_G, _H, _D), jnp.float32),
            pltpu.VMEM((_G, _H, _D), jnp.float32),
            pltpu.SemaphoreType.DMA,
            pltpu.SemaphoreType.DMA,
        ],
    )
    def gather_kernel(idx_hbm, table_hbm, out_hbm, idx_v, buf_a, buf_b, sem_a, sem_b):
        wid = lax.axis_index("s") * nc + lax.axis_index("c")
        row0 = wid * rows_per_w
        pltpu.sync_copy(idx_hbm.at[pl.ds(row0, rows_per_w)], idx_v)

        def gather(local_row, buf, sem):
            return pltpu.make_async_copy(
                table_hbm.at[idx_v.at[local_row]], buf, sem
            )

        def store(buf, row):
            pltpu.sync_copy(buf, out_hbm.at[row, pl.ds(0, _H), pl.ds(0, _D)])

        for j in range(_G):
            gather(j, buf_a.at[j], sem_a).start()

        def body(h, carry):
            g0 = 2 * h
            for j in range(_G):
                gather((g0 + 1) * _G + j, buf_b.at[j], sem_b).start()
            for j in range(_G):
                gather(g0 * _G + j, buf_a.at[j], sem_a).wait()
                store(buf_a.at[j], row0 + g0 * _G + j)
            @pl.when(h + 1 < n2)
            def _():
                for j in range(_G):
                    gather((g0 + 2) * _G + j, buf_a.at[j], sem_a).start()
            for j in range(_G):
                gather((g0 + 1) * _G + j, buf_b.at[j], sem_b).wait()
                store(buf_b.at[j], row0 + (g0 + 1) * _G + j)
            return carry

        lax.fori_loop(0, n2, body, 0)

    return gather_kernel


def kernel(input_, weight):
    info = plsc.get_sparse_core_info()
    nw = info.num_cores * info.num_subcores
    rows_per_w = _B // nw
    wpad = jnp.pad(weight, ((0, 0), (0, _D))).reshape(2 * 1000000, _D)
    idx2 = input_ * 2
    out_p = _build(rows_per_w, info.num_cores)(idx2, wpad)
    return out_p[:, :_H, :_D]

# --- scband reference (transcript-rebuilt; emitter-appended) ---
"""Pipeline reference for scband-vocab-parallel-embedding-19507741458776 (READ-ONLY COPY).

The authoritative reference and input builder live on the scoring server;
editing this copy changes nothing except your own understanding.
"""

import jax, jax.numpy as jnp
import numpy as np

NUM_EMBEDDINGS = 1000000
EMBEDDING_DIM = 64
BATCH = 16384
HIST = 50

def setup_inputs(seed: int = 0) -> dict:
    key = jax.random.key(seed)
    k_idx, k_w = jax.random.split(key)
    input_ = jax.random.randint(k_idx, (BATCH, HIST), 0, NUM_EMBEDDINGS, dtype=jnp.int64 if jax.config.jax_enable_x64 else jnp.int32)
    # xavier_normal_ on (num_embeddings, embedding_dim): std = sqrt(2/(fan_in+fan_out))
    std = float(np.sqrt(2.0 / (NUM_EMBEDDINGS + EMBEDDING_DIM)))
    weight = jax.random.normal(k_w, (NUM_EMBEDDINGS, EMBEDDING_DIM), dtype=jnp.float32) * std
    return {"input_": input_, "weight": weight}

def reference(input_, weight):
    # tensor_model_parallel_size == 1 path: plain embedding lookup
    # F.embedding(masked_input, weight) -> gather rows
    output = jnp.take(weight, input_, axis=0)
    return output

if __name__ == "__main__":
    import jax
    _d = setup_inputs()
    print(jax.jit(kernel)(*tuple(_d.values())))

</pallas_src>

<mosaic_0001>
#map = affine_map<(d0, d1) -> (0, 0)>
#map1 = affine_map<(d0, d1) -> (0, 0, 0)>
module attributes {stable_mosaic.version = 14 : i64} {
  func.func @gather_kernel(%arg0: i32, %arg1: i32, %arg2: memref<16384x50xi32, #tpu.memory_space<hbm>>, %arg3: memref<2000000x64xf32, #tpu.memory_space<hbm>>, %arg4: memref<16384x56x128xf32, #tpu.memory_space<hbm>>, %arg5: memref<512x50xi32, #tpu.memory_space<vmem>>, %arg6: memref<8x50x64xf32, #tpu.memory_space<vmem>>, %arg7: memref<8x50x64xf32, #tpu.memory_space<vmem>>, %arg8: memref<!tpu.dma_semaphore, #tpu.memory_space<semaphore_mem>>, %arg9: memref<!tpu.dma_semaphore, #tpu.memory_space<semaphore_mem>>) attributes {dimension_semantics = [#tpu.dimension_semantics<core_parallel>, #tpu.dimension_semantics<subcore_parallel>], iteration_bounds = array<i64: 2, 16>, scalar_prefetch = 0 : i64, scratch_operands = 5 : i64, tpu.core_type = #tpu.core_type<sc_vector_subcore>, window_params = [{transform_indices = #map}, {transform_indices = #map}, {transform_indices = #map1}]} {
    %mul3A = arith.constant 2 : i32
    %mul3A_0 = arith.muli %arg1, %mul3A : i32
    %add3A = arith.addi %mul3A_0, %arg0 : i32
    %mul3A_1 = arith.constant 512 : i32
    %mul3A_2 = arith.muli %add3A, %mul3A_1 : i32
    "tpu.region"() ({
      %run_scoped3A = tpu.sem_alloc : memref<!tpu.dma_semaphore, #tpu.memory_space<semaphore_mem>>
      %dma_start3A_103 = arith.constant 0 : i32
      %dma_start3A_104 = tpu.memref_slice %arg2[%mul3A_2, %dma_start3A_103] : memref<16384x50xi32, #tpu.memory_space<hbm>> -> memref<512x50xi32, #tpu.memory_space<hbm>>
      %dma_start3A_105 = arith.constant 0 : i32
      %dma_start3A_106 = tpu.memref_slice %arg2[%mul3A_2, %dma_start3A_105] : memref<16384x50xi32, #tpu.memory_space<hbm>> -> memref<512x50xi32, #tpu.memory_space<hbm>>
      tpu.enqueue_dma source(%dma_start3A_106 : memref<512x50xi32, #tpu.memory_space<hbm>>) target(%arg5 : memref<512x50xi32, #tpu.memory_space<vmem>>) target_semaphore(%run_scoped3A : memref<!tpu.dma_semaphore, #tpu.memory_space<semaphore_mem>>)
      %dma_wait3A = arith.constant 0 : i32
      %dma_wait3A_107 = tpu.memref_slice %arg2[%mul3A_2, %dma_wait3A] : memref<16384x50xi32, #tpu.memory_space<hbm>> -> memref<512x50xi32, #tpu.memory_space<hbm>>
      %dma_wait3A_108 = arith.constant 0 : i32
      %dma_wait3A_109 = tpu.memref_slice %arg2[%mul3A_2, %dma_wait3A_108] : memref<16384x50xi32, #tpu.memory_space<hbm>> -> memref<512x50xi32, #tpu.memory_space<hbm>>
      tpu.wait_dma2 semaphore(%run_scoped3A : memref<!tpu.dma_semaphore, #tpu.memory_space<semaphore_mem>>) src(%dma_wait3A_109 : memref<512x50xi32, #tpu.memory_space<hbm>>) dst(%arg5 : memref<512x50xi32, #tpu.memory_space<vmem>>)
      tpu.yield
    }) : () -> ()
    %dma_start3A = arith.constant 0 : i32
    %dma_start3A_3 = arith.constant 0 : i32
    %dma_start3A_4 = arith.constant 0 : i32
    %dma_start3A_5 = arith.constant 0 : i32
    %dma_start3A_6 = tpu.memref_slice %arg6[%dma_start3A_3, %dma_start3A_4, %dma_start3A_5] : memref<8x50x64xf32, #tpu.memory_space<vmem>> -> memref<1x50x64xf32, #tpu.memory_space<vmem>>
    %dma_start3A_7 = tpu.memref_squeeze %dma_start3A_6 : memref<1x50x64xf32, #tpu.memory_space<vmem>> -> memref<50x64xf32, #tpu.memory_space<vmem>>
    %dma_start3A_8 = arith.constant 0 : i32
    %dma_start3A_9 = tpu.memref_slice %arg5[%dma_start3A, %dma_start3A_8] : memref<512x50xi32, #tpu.memory_space<vmem>> -> memref<1x50xi32, #tpu.memory_space<vmem>>
    %dma_start3A_10 = tpu.memref_squeeze %dma_start3A_9 : memref<1x50xi32, #tpu.memory_space<vmem>> -> memref<50xi32, #tpu.memory_space<vmem>>
    %dma_start3A_11 = arith.constant 0 : i32
    %dma_start3A_12 = arith.constant 0 : i32
    %dma_start3A_13 = tpu.memref_slice %arg3[%dma_start3A_11, %dma_start3A_12] : memref<2000000x64xf32, #tpu.memory_space<hbm>> -> memref<2000000x64xf32, #tpu.memory_space<hbm>>
    tpu.enqueue_indirect_dma source(%dma_start3A_13 : memref<2000000x64xf32, #tpu.memory_space<hbm>>) target(%dma_start3A_7 : memref<50x64xf32, #tpu.memory_space<vmem>>) offsets(%dma_start3A_10 : memref<50xi32, #tpu.memory_space<vmem>>) semaphore(%arg8 : memref<!tpu.dma_semaphore, #tpu.memory_space<semaphore_mem>>)
    %dma_start3A_14 = arith.constant 1 : i32
    %dma_start3A_15 = arith.constant 1 : i32
    %dma_start3A_16 = arith.constant 0 : i32
    %dma_start3A_17 = arith.constant 0 : i32
    %dma_start3A_18 = tpu.memref_slice %arg6[%dma_start3A_15, %dma_start3A_16, %dma_start3A_17] : memref<8x50x64xf32, #tpu.memory_space<vmem>> -> memref<1x50x64xf32, #tpu.memory_space<vmem>>
    %dma_start3A_19 = tpu.memref_squeeze %dma_start3A_18 : memref<1x50x64xf32, #tpu.memory_space<vmem>> -> memref<50x64xf32, #tpu.memory_space<vmem>>
    %dma_start3A_20 = arith.constant 0 : i32
    %dma_start3A_21 = tpu.memref_slice %arg5[%dma_start3A_14, %dma_start3A_20] : memref<512x50xi32, #tpu.memory_space<vmem>> -> memref<1x50xi32, #tpu.memory_space<vmem>>
    %dma_start3A_22 = tpu.memref_squeeze %dma_start3A_21 : memref<1x50xi32, #tpu.memory_space<vmem>> -> memref<50xi32, #tpu.memory_space<vmem>>
    %dma_start3A_23 = arith.constant 0 : i32
    %dma_start3A_24 = arith.constant 0 : i32
    %dma_start3A_25 = tpu.memref_slice %arg3[%dma_start3A_23, %dma_start3A_24] : memref<2000000x64xf32, #tpu.memory_space<hbm>> -> memref<2000000x64xf32, #tpu.memory_space<hbm>>
    tpu.enqueue_indirect_dma source(%dma_start3A_25 : memref<2000000x64xf32, #tpu.memory_space<hbm>>) target(%dma_start3A_19 : memref<50x64xf32, #tpu.memory_space<vmem>>) offsets(%dma_start3A_22 : memref<50xi32, #tpu.memory_space<vmem>>) semaphore(%arg8 : memref<!tpu.dma_semaphore, #tpu.memory_space<semaphore_mem>>)
    %dma_start3A_26 = arith.constant 2 : i32
    %dma_start3A_27 = arith.constant 2 : i32
    %dma_start3A_28 = arith.constant 0 : i32
    %dma_start3A_29 = arith.constant 0 : i32
    %dma_start3A_30 = tpu.memref_slice %arg6[%dma_start3A_27, %dma_start3A_28, %dma_start3A_29] : memref<8x50x64xf32, #tpu.memory_space<vmem>> -> memref<1x50x64xf32, #tpu.memory_space<vmem>>
    %dma_start3A_31 = tpu.memref_squeeze %dma_start3A_30 : memref<1x50x64xf32, #tpu.memory_space<vmem>> -> memref<50x64xf32, #tpu.memory_space<vmem>>
    %dma_start3A_32 = arith.constant 0 : i32
    %dma_start3A_33 = tpu.memref_slice %arg5[%dma_start3A_26, %dma_start3A_32] : memref<512x50xi32, #tpu.memory_space<vmem>> -> memref<1x50xi32, #tpu.memory_space<vmem>>
    %dma_start3A_34 = tpu.memref_squeeze %dma_start3A_33 : memref<1x50xi32, #tpu.memory_space<vmem>> -> memref<50xi32, #tpu.memory_space<vmem>>
    %dma_start3A_35 = arith.constant 0 : i32
    %dma_start3A_36 = arith.constant 0 : i32
    %dma_start3A_37 = tpu.memref_slice %arg3[%dma_start3A_35, %dma_start3A_36] : memref<2000000x64xf32, #tpu.memory_space<hbm>> -> memref<2000000x64xf32, #tpu.memory_space<hbm>>
    tpu.enqueue_indirect_dma source(%dma_start3A_37 : memref<2000000x64xf32, #tpu.memory_space<hbm>>) target(%dma_start3A_31 : memref<50x64xf32, #tpu.memory_space<vmem>>) offsets(%dma_start3A_34 : memref<50xi32, #tpu.memory_space<vmem>>) semaphore(%arg8 : memref<!tpu.dma_semaphore, #tpu.memory_space<semaphore_mem>>)
    %dma_start3A_38 = arith.constant 3 : i32
    %dma_start3A_39 = arith.constant 3 : i32
    %dma_start3A_40 = arith.constant 0 : i32
    %dma_start3A_41 = arith.constant 0 : i32
    %dma_start3A_42 = tpu.memref_slice %arg6[%dma_start3A_39, %dma_start3A_40, %dma_start3A_41] : memref<8x50x64xf32, #tpu.memory_space<vmem>> -> memref<1x50x64xf32, #tpu.memory_space<vmem>>
    %dma_start3A_43 = tpu.memref_squeeze %dma_start3A_42 : memref<1x50x64xf32, #tpu.memory_space<vmem>> -> memref<50x64xf32, #tpu.memory_space<vmem>>
    %dma_start3A_44 = arith.constant 0 : i32
    %dma_start3A_45 = tpu.memref_slice %arg5[%dma_start3A_38, %dma_start3A_44] : memref<512x50xi32, #tpu.memory_space<vmem>> -> memref<1x50xi32, #tpu.memory_space<vmem>>
    %dma_start3A_46 = tpu.memref_squeeze %dma_start3A_45 : memref<1x50xi32, #tpu.memory_space<vmem>> -> memref<50xi32, #tpu.memory_space<vmem>>
    %dma_start3A_47 = arith.constant 0 : i32
    %dma_start3A_48 = arith.constant 0 : i32
    %dma_start3A_49 = tpu.memref_slice %arg3[%dma_start3A_47, %dma_start3A_48] : memref<2000000x64xf32, #tpu.memory_space<hbm>> -> memref<2000000x64xf32, #tpu.memory_space<hbm>>
    tpu.enqueue_indirect_dma source(%dma_start3A_49 : memref<2000000x64xf32, #tpu.memory_space<hbm>>) target(%dma_start3A_43 : memref<50x64xf32, #tpu.memory_space<vmem>>) offsets(%dma_start3A_46 : memref<50xi32, #tpu.memory_space<vmem>>) semaphore(%arg8 : memref<!tpu.dma_semaphore, #tpu.memory_space<semaphore_mem>>)
    %dma_start3A_50 = arith.constant 4 : i32
    %dma_start3A_51 = arith.constant 4 : i32
    %dma_start3A_52 = arith.constant 0 : i32
    %dma_start3A_53 = arith.constant 0 : i32
    %dma_start3A_54 = tpu.memref_slice %arg6[%dma_start3A_51, %dma_start3A_52, %dma_start3A_53] : memref<8x50x64xf32, #tpu.memory_space<vmem>> -> memref<1x50x64xf32, #tpu.memory_space<vmem>>
    %dma_start3A_55 = tpu.memref_squeeze %dma_start3A_54 : memref<1x50x64xf32, #tpu.memory_space<vmem>> -> memref<50x64xf32, #tpu.memory_space<vmem>>
    %dma_start3A_56 = arith.constant 0 : i32
    %dma_start3A_57 = tpu.memref_slice %arg5[%dma_start3A_50, %dma_start3A_56] : memref<512x50xi32, #tpu.memory_space<vmem>> -> memref<1x50xi32, #tpu.memory_space<vmem>>
    %dma_start3A_58 = tpu.memref_squeeze %dma_start3A_57 : memref<1x50xi32, #tpu.memory_space<vmem>> -> memref<50xi32, #tpu.memory_space<vmem>>
    %dma_start3A_59 = arith.constant 0 : i32
    %dma_start3A_60 = arith.constant 0 : i32
    %dma_start3A_61 = tpu.memref_slice %arg3[%dma_start3A_59, %dma_start3A_60] : memref<2000000x64xf32, #tpu.memory_space<hbm>> -> memref<2000000x64xf32, #tpu.memory_space<hbm>>
    tpu.enqueue_indirect_dma source(%dma_start3A_61 : memref<2000000x64xf32, #tpu.memory_space<hbm>>) target(%dma_start3A_55 : memref<50x64xf32, #tpu.memory_space<vmem>>) offsets(%dma_start3A_58 : memref<50xi32, #tpu.memory_space<vmem>>) semaphore(%arg8 : memref<!tpu.dma_semaphore, #tpu.memory_space<semaphore_mem>>)
    %dma_start3A_62 = arith.constant 5 : i32
    %dma_start3A_63 = arith.constant 5 : i32
    %dma_start3A_64 = arith.constant 0 : i32
    %dma_start3A_65 = arith.constant 0 : i32
    %dma_start3A_66 = tpu.memref_slice %arg6[%dma_start3A_63, %dma_start3A_64, %dma_start3A_65] : memref<8x50x64xf32, #tpu.memory_space<vmem>> -> memref<1x50x64xf32, #tpu.memory_space<vmem>>
    %dma_start3A_67 = tpu.memref_squeeze %dma_start3A_66 : memref<1x50x64xf32, #tpu.memory_space<vmem>> -> memref<50x64xf32, #tpu.memory_space<vmem>>
    %dma_start3A_68 = arith.constant 0 : i32
    %dma_start3A_69 = tpu.memref_slice %arg5[%dma_start3A_62, %dma_start3A_68] : memref<512x50xi32, #tpu.memory_space<vmem>> -> memref<1x50xi32, #tpu.memory_space<vmem>>
    %dma_start3A_70 = tpu.memref_squeeze %dma_start3A_69 : memref<1x50xi32, #tpu.memory_space<vmem>> -> memref<50xi32, #tpu.memory_space<vmem>>
    %dma_start3A_71 = arith.constant 0 : i32
    %dma_start3A_72 = arith.constant 0 : i32
    %dma_start3A_73 = tpu.memref_slice %arg3[%dma_start3A_71, %dma_start3A_72] : memref<2000000x64xf32, #tpu.memory_space<hbm>> -> memref<2000000x64xf32, #tpu.memory_space<hbm>>
    tpu.enqueue_indirect_dma source(%dma_start3A_73 : memref<2000000x64xf32, #tpu.memory_space<hbm>>) target(%dma_start3A_67 : memref<50x64xf32, #tpu.memory_space<vmem>>) offsets(%dma_start3A_70 : memref<50xi32, #tpu.memory_space<vmem>>) semaphore(%arg8 : memref<!tpu.dma_semaphore, #tpu.memory_space<semaphore_mem>>)
    %dma_start3A_74 = arith.constant 6 : i32
    %dma_start3A_75 = arith.constant 6 : i32
    %dma_start3A_76 = arith.constant 0 : i32
    %dma_start3A_77 = arith.constant 0 : i32
    %dma_start3A_78 = tpu.memref_slice %arg6[%dma_start3A_75, %dma_start3A_76, %dma_start3A_77] : memref<8x50x64xf32, #tpu.memory_space<vmem>> -> memref<1x50x64xf32, #tpu.memory_space<vmem>>
    %dma_start3A_79 = tpu.memref_squeeze %dma_start3A_78 : memref<1x50x64xf32, #tpu.memory_space<vmem>> -> memref<50x64xf32, #tpu.memory_space<vmem>>
    %dma_start3A_80 = arith.constant 0 : i32
    %dma_start3A_81 = tpu.memref_slice %arg5[%dma_start3A_74, %dma_start3A_80] : memref<512x50xi32, #tpu.memory_space<vmem>> -> memref<1x50xi32, #tpu.memory_space<vmem>>
    %dma_start3A_82 = tpu.memref_squeeze %dma_start3A_81 : memref<1x50xi32, #tpu.memory_space<vmem>> -> memref<50xi32, #tpu.memory_space<vmem>>
    %dma_start3A_83 = arith.constant 0 : i32
    %dma_start3A_84 = arith.constant 0 : i32
    %dma_start3A_85 = tpu.memref_slice %arg3[%dma_start3A_83, %dma_start3A_84] : memref<2000000x64xf32, #tpu.memory_space<hbm>> -> memref<2000000x64xf32, #tpu.memory_space<hbm>>
    tpu.enqueue_indirect_dma source(%dma_start3A_85 : memref<2000000x64xf32, #tpu.memory_space<hbm>>) target(%dma_start3A_79 : memref<50x64xf32, #tpu.memory_space<vmem>>) offsets(%dma_start3A_82 : memref<50xi32, #tpu.memory_space<vmem>>) semaphore(%arg8 : memref<!tpu.dma_semaphore, #tpu.memory_space<semaphore_mem>>)
    %dma_start3A_86 = arith.constant 7 : i32
    %dma_start3A_87 = arith.constant 7 : i32
    %dma_start3A_88 = arith.constant 0 : i32
    %dma_start3A_89 = arith.constant 0 : i32
    %dma_start3A_90 = tpu.memref_slice %arg6[%dma_start3A_87, %dma_start3A_88, %dma_start3A_89] : memref<8x50x64xf32, #tpu.memory_space<vmem>> -> memref<1x50x64xf32, #tpu.memory_space<vmem>>
    %dma_start3A_91 = tpu.memref_squeeze %dma_start3A_90 : memref<1x50x64xf32, #tpu.memory_space<vmem>> -> memref<50x64xf32, #tpu.memory_space<vmem>>
    %dma_start3A_92 = arith.constant 0 : i32
    %dma_start3A_93 = tpu.memref_slice %arg5[%dma_start3A_86, %dma_start3A_92] : memref<512x50xi32, #tpu.memory_space<vmem>> -> memref<1x50xi32, #tpu.memory_space<vmem>>
    %dma_start3A_94 = tpu.memref_squeeze %dma_start3A_93 : memref<1x50xi32, #tpu.memory_space<vmem>> -> memref<50xi32, #tpu.memory_space<vmem>>
    %dma_start3A_95 = arith.constant 0 : i32
    %dma_start3A_96 = arith.constant 0 : i32
    %dma_start3A_97 = tpu.memref_slice %arg3[%dma_start3A_95, %dma_start3A_96] : memref<2000000x64xf32, #tpu.memory_space<hbm>> -> memref<2000000x64xf32, #tpu.memory_space<hbm>>
    tpu.enqueue_indirect_dma source(%dma_start3A_97 : memref<2000000x64xf32, #tpu.memory_space<hbm>>) target(%dma_start3A_91 : memref<50x64xf32, #tpu.memory_space<vmem>>) offsets(%dma_start3A_94 : memref<50xi32, #tpu.memory_space<vmem>>) semaphore(%arg8 : memref<!tpu.dma_semaphore, #tpu.memory_space<semaphore_mem>>)
    %scan3A = arith.constant 0 : i32
    %scan3A_98 = arith.constant 0 : i32
    %scan3A_99 = arith.constant 32 : i32
    %scan3A_100 = arith.addi %scan3A_98, %scan3A_99 : i32
    %scan3A_101 = arith.constant 1 : i32
    scf.for %scan3A_103 = %scan3A_98 to %scan3A_100 step %scan3A_101  : i32 {
      %mul3A_104 = arith.constant 2 : i32
      %mul3A_105 = arith.muli %mul3A_104, %scan3A_103 : i32
      %add3A_106 = arith.constant 1 : i32
      %add3A_107 = arith.addi %mul3A_105, %add3A_106 : i32
      %mul3A_108 = arith.constant 8 : i32
      %mul3A_109 = arith.muli %add3A_107, %mul3A_108 : i32
      %add3A_110 = arith.constant 0 : i32
      %add3A_111 = arith.addi %mul3A_109, %add3A_110 : i32
      %dma_start3A_112 = arith.constant 0 : i32
      %dma_start3A_113 = arith.constant 0 : i32
      %dma_start3A_114 = arith.constant 0 : i32
      %dma_start3A_115 = tpu.memref_slice %arg7[%dma_start3A_112, %dma_start3A_113, %dma_start3A_114] : memref<8x50x64xf32, #tpu.memory_space<vmem>> -> memref<1x50x64xf32, #tpu.memory_space<vmem>>
      %dma_start3A_116 = tpu.memref_squeeze %dma_start3A_115 : memref<1x50x64xf32, #tpu.memory_space<vmem>> -> memref<50x64xf32, #tpu.memory_space<vmem>>
      %dma_start3A_117 = arith.constant 0 : i32
      %dma_start3A_118 = tpu.memref_slice %arg5[%add3A_111, %dma_start3A_117] : memref<512x50xi32, #tpu.memory_space<vmem>> -> memref<1x50xi32, #tpu.memory_space<vmem>>
      %dma_start3A_119 = tpu.memref_squeeze %dma_start3A_118 : memref<1x50xi32, #tpu.memory_space<vmem>> -> memref<50xi32, #tpu.memory_space<vmem>>
      %dma_start3A_120 = arith.constant 0 : i32
      %dma_start3A_121 = arith.constant 0 : i32
      %dma_start3A_122 = tpu.memref_slice %arg3[%dma_start3A_120, %dma_start3A_121] : memref<2000000x64xf32, #tpu.memory_space<hbm>> -> memref<2000000x64xf32, #tpu.memory_space<hbm>>
      tpu.enqueue_indirect_dma source(%dma_start3A_122 : memref<2000000x64xf32, #tpu.memory_space<hbm>>) target(%dma_start3A_116 : memref<50x64xf32, #tpu.memory_space<vmem>>) offsets(%dma_start3A_119 : memref<50xi32, #tpu.memory_space<vmem>>) semaphore(%arg9 : memref<!tpu.dma_semaphore, #tpu.memory_space<semaphore_mem>>)
      %add3A_123 = arith.constant 1 : i32
      %add3A_124 = arith.addi %mul3A_105, %add3A_123 : i32
      %mul3A_125 = arith.constant 8 : i32
      %mul3A_126 = arith.muli %add3A_124, %mul3A_125 : i32
      %add3A_127 = arith.constant 1 : i32
      %add3A_128 = arith.addi %mul3A_126, %add3A_127 : i32
      %dma_start3A_129 = arith.constant 1 : i32
      %dma_start3A_130 = arith.constant 0 : i32
      %dma_start3A_131 = arith.constant 0 : i32
      %dma_start3A_132 = tpu.memref_slice %arg7[%dma_start3A_129, %dma_start3A_130, %dma_start3A_131] : memref<8x50x64xf32, #tpu.memory_space<vmem>> -> memref<1x50x64xf32, #tpu.memory_space<vmem>>
      %dma_start3A_133 = tpu.memref_squeeze %dma_start3A_132 : memref<1x50x64xf32, #tpu.memory_space<vmem>> -> memref<50x64xf32, #tpu.memory_space<vmem>>
      %dma_start3A_134 = arith.constant 0 : i32
      %dma_start3A_135 = tpu.memref_slice %arg5[%add3A_128, %dma_start3A_134] : memref<512x50xi32, #tpu.memory_space<vmem>> -> memref<1x50xi32, #tpu.memory_space<vmem>>
      %dma_start3A_136 = tpu.memref_squeeze %dma_start3A_135 : memref<1x50xi32, #tpu.memory_space<vmem>> -> memref<50xi32, #tpu.memory_space<vmem>>
      %dma_start3A_137 = arith.constant 0 : i32
      %dma_start3A_138 = arith.constant 0 : i32
      %dma_start3A_139 = tpu.memref_slice %arg3[%dma_start3A_137, %dma_start3A_138] : memref<2000000x64xf32, #tpu.memory_space<hbm>> -> memref<2000000x64xf32, #tpu.memory_space<hbm>>
      tpu.enqueue_indirect_dma source(%dma_start3A_139 : memref<2000000x64xf32, #tpu.memory_space<hbm>>) target(%dma_start3A_133 : memref<50x64xf32, #tpu.memory_space<vmem>>) offsets(%dma_start3A_136 : memref<50xi32, #tpu.memory_space<vmem>>) semaphore(%arg9 : memref<!tpu.dma_semaphore, #tpu.memory_space<semaphore_mem>>)
      %add3A_140 = arith.constant 1 : i32
      %add3A_141 = arith.addi %mul3A_105, %add3A_140 : i32
      %mul3A_142 = arith.constant 8 : i32
      %mul3A_143 = arith.muli %add3A_141, %mul3A_142 : i32
      %add3A_144 = arith.constant 2 : i32
      %add3A_145 = arith.addi %mul3A_143, %add3A_144 : i32
      %dma_start3A_146 = arith.constant 2 : i32
      %dma_start3A_147 = arith.constant 0 : i32
      %dma_start3A_148 = arith.constant 0 : i32
      %dma_start3A_149 = tpu.memref_slice %arg7[%dma_start3A_146, %dma_start3A_147, %dma_start3A_148] : memref<8x50x64xf32, #tpu.memory_space<vmem>> -> memref<1x50x64xf32, #tpu.memory_space<vmem>>
      %dma_start3A_150 = tpu.memref_squeeze %dma_start3A_149 : memref<1x50x64xf32, #tpu.memory_space<vmem>> -> memref<50x64xf32, #tpu.memory_space<vmem>>
      %dma_start3A_151 = arith.constant 0 : i32
      %dma_start3A_152 = tpu.memref_slice %arg5[%add3A_145, %dma_start3A_151] : memref<512x50xi32, #tpu.memory_space<vmem>> -> memref<1x50xi32, #tpu.memory_space<vmem>>
      %dma_start3A_153 = tpu.memref_squeeze %dma_start3A_152 : memref<1x50xi32, #tpu.memory_space<vmem>> -> memref<50xi32, #tpu.memory_space<vmem>>
      %dma_start3A_154 = arith.constant 0 : i32
      %dma_start3A_155 = arith.constant 0 : i32
      %dma_start3A_156 = tpu.memref_slice %arg3[%dma_start3A_154, %dma_start3A_155] : memref<2000000x64xf32, #tpu.memory_space<hbm>> -> memref<2000000x64xf32, #tpu.memory_space<hbm>>
      tpu.enqueue_indirect_dma source(%dma_start3A_156 : memref<2000000x64xf32, #tpu.memory_space<hbm>>) target(%dma_start3A_150 : memref<50x64xf32, #tpu.memory_space<vmem>>) offsets(%dma_start3A_153 : memref<50xi32, #tpu.memory_space<vmem>>) semaphore(%arg9 : memref<!tpu.dma_semaphore, #tpu.memory_space<semaphore_mem>>)
      %add3A_157 = arith.constant 1 : i32
      %add3A_158 = arith.addi %mul3A_105, %add3A_157 : i32
      %mul3A_159 = arith.constant 8 : i32
      %mul3A_160 = arith.muli %add3A_158, %mul3A_159 : i32
      %add3A_161 = arith.constant 3 : i32
      %add3A_162 = arith.addi %mul3A_160, %add3A_161 : i32
      %dma_start3A_163 = arith.constant 3 : i32
      %dma_start3A_164 = arith.constant 0 : i32
      %dma_start3A_165 = arith.constant 0 : i32
      %dma_start3A_166 = tpu.memref_slice %arg7[%dma_start3A_163, %dma_start3A_164, %dma_start3A_165] : memref<8x50x64xf32, #tpu.memory_space<vmem>> -> memref<1x50x64xf32, #tpu.memory_space<vmem>>
      %dma_start3A_167 = tpu.memref_squeeze %dma_start3A_166 : memref<1x50x64xf32, #tpu.memory_space<vmem>> -> memref<50x64xf32, #tpu.memory_space<vmem>>
      %dma_start3A_168 = arith.constant 0 : i32
      %dma_start3A_169 = tpu.memref_slice %arg5[%add3A_162, %dma_start3A_168] : memref<512x50xi32, #tpu.memory_space<vmem>> -> memref<1x50xi32, #tpu.memory_space<vmem>>
      %dma_start3A_170 = tpu.memref_squeeze %dma_start3A_169 : memref<1x50xi32, #tpu.memory_space<vmem>> -> memref<50xi32, #tpu.memory_space<vmem>>
      %dma_start3A_171 = arith.constant 0 : i32
      %dma_start3A_172 = arith.constant 0 : i32
      %dma_start3A_173 = tpu.memref_slice %arg3[%dma_start3A_171, %dma_start3A_172] : memref<2000000x64xf32, #tpu.memory_space<hbm>> -> memref<2000000x64xf32, #tpu.memory_space<hbm>>
      tpu.enqueue_indirect_dma source(%dma_start3A_173 : memref<2000000x64xf32, #tpu.memory_space<hbm>>) target(%dma_start3A_167 : memref<50x64xf32, #tpu.memory_space<vmem>>) offsets(%dma_start3A_170 : memref<50xi32, #tpu.memory_space<vmem>>) semaphore(%arg9 : memref<!tpu.dma_semaphore, #tpu.memory_space<semaphore_mem>>)
      %add3A_174 = arith.constant 1 : i32
      %add3A_175 = arith.addi %mul3A_105, %add3A_174 : i32
      %mul3A_176 = arith.constant 8 : i32
      %mul3A_177 = arith.muli %add3A_175, %mul3A_176 : i32
      %add3A_178 = arith.constant 4 : i32
      %add3A_179 = arith.addi %mul3A_177, %add3A_178 : i32
      %dma_start3A_180 = arith.constant 4 : i32
      %dma_start3A_181 = arith.constant 0 : i32
      %dma_start3A_182 = arith.constant 0 : i32
      %dma_start3A_183 = tpu.memref_slice %arg7[%dma_start3A_180, %dma_start3A_181, %dma_start3A_182] : memref<8x50x64xf32, #tpu.memory_space<vmem>> -> memref<1x50x64xf32, #tpu.memory_space<vmem>>
      %dma_start3A_184 = tpu.memref_squeeze %dma_start3A_183 : memref<1x50x64xf32, #tpu.memory_space<vmem>> -> memref<50x64xf32, #tpu.memory_space<vmem>>
      %dma_start3A_185 = arith.constant 0 : i32
      %dma_start3A_186 = tpu.memref_slice %arg5[%add3A_179, %dma_start3A_185] : memref<512x50xi32, #tpu.memory_space<vmem>> -> memref<1x50xi32, #tpu.memory_space<vmem>>
      %dma_start3A_187 = tpu.memref_squeeze %dma_start3A_186 : memref<1x50xi32, #tpu.memory_space<vmem>> -> memref<50xi32, #tpu.memory_space<vmem>>
      %dma_start3A_188 = arith.constant 0 : i32
      %dma_start3A_189 = arith.constant 0 : i32
      %dma_start3A_190 = tpu.memref_slice %arg3[%dma_start3A_188, %dma_start3A_189] : memref<2000000x64xf32, #tpu.memory_space<hbm>> -> memref<2000000x64xf32, #tpu.memory_space<hbm>>
      tpu.enqueue_indirect_dma source(%dma_start3A_190 : memref<2000000x64xf32, #tpu.memory_space<hbm>>) target(%dma_start3A_184 : memref<50x64xf32, #tpu.memory_space<vmem>>) offsets(%dma_start3A_187 : memref<50xi32, #tpu.memory_space<vmem>>) semaphore(%arg9 : memref<!tpu.dma_semaphore, #tpu.memory_space<semaphore_mem>>)
      %add3A_191 = arith.constant 1 : i32
      %add3A_192 = arith.addi %mul3A_105, %add3A_191 : i32
      %mul3A_193 = arith.constant 8 : i32
      %mul3A_194 = arith.muli %add3A_192, %mul3A_193 : i32
      %add3A_195 = arith.constant 5 : i32
      %add3A_196 = arith.addi %mul3A_194, %add3A_195 : i32
      %dma_start3A_197 = arith.constant 5 : i32
      %dma_start3A_198 = arith.constant 0 : i32
      %dma_start3A_199 = arith.constant 0 : i32
      %dma_start3A_200 = tpu.memref_slice %arg7[%dma_start3A_197, %dma_start3A_198, %dma_start3A_199] : memref<8x50x64xf32, #tpu.memory_space<vmem>> -> memref<1x50x64xf32, #tpu.memory_space<vmem>>
      %dma_start3A_201 = tpu.memref_squeeze %dma_start3A_200 : memref<1x50x64xf32, #tpu.memory_space<vmem>> -> memref<50x64xf32, #tpu.memory_space<vmem>>
      %dma_start3A_202 = arith.constant 0 : i32
      %dma_start3A_203 = tpu.memref_slice %arg5[%add3A_196, %dma_start3A_202] : memref<512x50xi32, #tpu.memory_space<vmem>> -> memref<1x50xi32, #tpu.memory_space<vmem>>
      %dma_start3A_204 = tpu.memref_squeeze %dma_start3A_203 : memref<1x50xi32, #tpu.memory_space<vmem>> -> memref<50xi32, #tpu.memory_space<vmem>>
      %dma_start3A_205 = arith.constant 0 : i32
      %dma_start3A_206 = arith.constant 0 : i32
      %dma_start3A_207 = tpu.memref_slice %arg3[%dma_start3A_205, %dma_start3A_206] : memref<2000000x64xf32, #tpu.memory_space<hbm>> -> memref<2000000x64xf32, #tpu.memory_space<hbm>>
      tpu.enqueue_indirect_dma source(%dma_start3A_207 : memref<2000000x64xf32, #tpu.memory_space<hbm>>) target(%dma_start3A_201 : memref<50x64xf32, #tpu.memory_space<vmem>>) offsets(%dma_start3A_204 : memref<50xi32, #tpu.memory_space<vmem>>) semaphore(%arg9 : memref<!tpu.dma_semaphore, #tpu.memory_space<semaphore_mem>>)
      %add3A_208 = arith.constant 1 : i32
      %add3A_209 = arith.addi %mul3A_105, %add3A_208 : i32
      %mul3A_210 = arith.constant 8 : i32
      %mul3A_211 = arith.muli %add3A_209, %mul3A_210 : i32
      %add3A_212 = arith.constant 6 : i32
      %add3A_213 = arith.addi %mul3A_211, %add3A_212 : i32
      %dma_start3A_214 = arith.constant 6 : i32
      %dma_start3A_215 = arith.constant 0 : i32
      %dma_start3A_216 = arith.constant 0 : i32
      %dma_start3A_217 = tpu.memref_slice %arg7[%dma_start3A_214, %dma_start3A_215, %dma_start3A_216] : memref<8x50x64xf32, #tpu.memory_space<vmem>> -> memref<1x50x64xf32, #tpu.memory_space<vmem>>
      %dma_start3A_218 = tpu.memref_squeeze %dma_start3A_217 : memref<1x50x64xf32, #tpu.memory_space<vmem>> -> memref<50x64xf32, #tpu.memory_space<vmem>>
      %dma_start3A_219 = arith.constant 0 : i32
      %dma_start3A_220 = tpu.memref_slice %arg5[%add3A_213, %dma_start3A_219] : memref<512x50xi32, #tpu.memory_space<vmem>> -> memref<1x50xi32, #tpu.memory_space<vmem>>
      %dma_start3A_221 = tpu.memref_squeeze %dma_start3A_220 : memref<1x50xi32, #tpu.memory_space<vmem>> -> memref<50xi32, #tpu.memory_space<vmem>>
      %dma_start3A_222 = arith.constant 0 : i32
      %dma_start3A_223 = arith.constant 0 : i32
      %dma_start3A_224 = tpu.memref_slice %arg3[%dma_start3A_222, %dma_start3A_223] : memref<2000000x64xf32, #tpu.memory_space<hbm>> -> memref<2000000x64xf32, #tpu.memory_space<hbm>>
      tpu.enqueue_indirect_dma source(%dma_start3A_224 : memref<2000000x64xf32, #tpu.memory_space<hbm>>) target(%dma_start3A_218 : memref<50x64xf32, #tpu.memory_space<vmem>>) offsets(%dma_start3A_221 : memref<50xi32, #tpu.memory_space<vmem>>) semaphore(%arg9 : memref<!tpu.dma_semaphore, #tpu.memory_space<semaphore_mem>>)
      %add3A_225 = arith.constant 1 : i32
      %add3A_226 = arith.addi %mul3A_105, %add3A_225 : i32
      %mul3A_227 = arith.constant 8 : i32
      %mul3A_228 = arith.muli %add3A_226, %mul3A_227 : i32
      %add3A_229 = arith.constant 7 : i32
      %add3A_230 = arith.addi %mul3A_228, %add3A_229 : i32
      %dma_start3A_231 = arith.constant 7 : i32
      %dma_start3A_232 = arith.constant 0 : i32
      %dma_start3A_233 = arith.constant 0 : i32
      %dma_start3A_234 = tpu.memref_slice %arg7[%dma_start3A_231, %dma_start3A_232, %dma_start3A_233] : memref<8x50x64xf32, #tpu.memory_space<vmem>> -> memref<1x50x64xf32, #tpu.memory_space<vmem>>
      %dma_start3A_235 = tpu.memref_squeeze %dma_start3A_234 : memref<1x50x64xf32, #tpu.memory_space<vmem>> -> memref<50x64xf32, #tpu.memory_space<vmem>>
      %dma_start3A_236 = arith.constant 0 : i32
      %dma_start3A_237 = tpu.memref_slice %arg5[%add3A_230, %dma_start3A_236] : memref<512x50xi32, #tpu.memory_space<vmem>> -> memref<1x50xi32, #tpu.memory_space<vmem>>
      %dma_start3A_238 = tpu.memref_squeeze %dma_start3A_237 : memref<1x50xi32, #tpu.memory_space<vmem>> -> memref<50xi32, #tpu.memory_space<vmem>>
      %dma_start3A_239 = arith.constant 0 : i32
      %dma_start3A_240 = arith.constant 0 : i32
      %dma_start3A_241 = tpu.memref_slice %arg3[%dma_start3A_239, %dma_start3A_240] : memref<2000000x64xf32, #tpu.memory_space<hbm>> -> memref<2000000x64xf32, #tpu.memory_space<hbm>>
      tpu.enqueue_indirect_dma source(%dma_start3A_241 : memref<2000000x64xf32, #tpu.memory_space<hbm>>) target(%dma_start3A_235 : memref<50x64xf32, #tpu.memory_space<vmem>>) offsets(%dma_start3A_238 : memref<50xi32, #tpu.memory_space<vmem>>) semaphore(%arg9 : memref<!tpu.dma_semaphore, #tpu.memory_space<semaphore_mem>>)
      %mul3A_242 = arith.constant 8 : i32
      %mul3A_243 = arith.muli %mul3A_105, %mul3A_242 : i32
      %add3A_244 = arith.constant 0 : i32
      %add3A_245 = arith.addi %mul3A_243, %add3A_244 : i32
      %dma_wait3A = arith.constant 0 : i32
      %dma_wait3A_246 = arith.constant 0 : i32
      %dma_wait3A_247 = arith.constant 0 : i32
      %dma_wait3A_248 = tpu.memref_slice %arg6[%dma_wait3A, %dma_wait3A_246, %dma_wait3A_247] : memref<8x50x64xf32, #tpu.memory_space<vmem>> -> memref<1x50x64xf32, #tpu.memory_space<vmem>>
      %dma_wait3A_249 = tpu.memref_squeeze %dma_wait3A_248 : memref<1x50x64xf32, #tpu.memory_space<vmem>> -> memref<50x64xf32, #tpu.memory_space<vmem>>
      %dma_wait3A_250 = arith.constant 0 : i32
      %dma_wait3A_251 = tpu.memref_slice %arg5[%add3A_245, %dma_wait3A_250] : memref<512x50xi32, #tpu.memory_space<vmem>> -> memref<1x50xi32, #tpu.memory_space<vmem>>
      %dma_wait3A_252 = tpu.memref_squeeze %dma_wait3A_251 : memref<1x50xi32, #tpu.memory_space<vmem>> -> memref<50xi32, #tpu.memory_space<vmem>>
      %dma_wait3A_253 = arith.constant 0 : i32
      %dma_wait3A_254 = arith.constant 0 : i32
      %dma_wait3A_255 = tpu.memref_slice %arg3[%dma_wait3A_253, %dma_wait3A_254] : memref<2000000x64xf32, #tpu.memory_space<hbm>> -> memref<2000000x64xf32, #tpu.memory_space<hbm>>
      tpu.wait_indirect_dma semaphore(%arg8 : memref<!tpu.dma_semaphore, #tpu.memory_space<semaphore_mem>>) src(%dma_wait3A_255 : memref<2000000x64xf32, #tpu.memory_space<hbm>>) dst(%dma_wait3A_249 : memref<50x64xf32, #tpu.memory_space<vmem>>)
      %mul3A_256 = arith.constant 8 : i32
      %mul3A_257 = arith.muli %mul3A_105, %mul3A_256 : i32
      %add3A_258 = arith.addi %mul3A_2, %mul3A_257 : i32
      %add3A_259 = arith.constant 0 : i32
      %add3A_260 = arith.addi %add3A_258, %add3A_259 : i32
      %run_scoped3A = arith.constant 0 : i32
      "tpu.region"() ({
        %run_scoped3A_612 = tpu.sem_alloc : memref<!tpu.dma_semaphore, #tpu.memory_space<semaphore_mem>>
        %dma_start3A_613 = arith.constant 0 : i32
        %dma_start3A_614 = arith.constant 0 : i32
        %dma_start3A_615 = tpu.memref_slice %arg6[%run_scoped3A, %dma_start3A_613, %dma_start3A_614] : memref<8x50x64xf32, #tpu.memory_space<vmem>> -> memref<1x50x64xf32, #tpu.memory_space<vmem>>
        %dma_start3A_616 = tpu.memref_squeeze %dma_start3A_615 : memref<1x50x64xf32, #tpu.memory_space<vmem>> -> memref<50x64xf32, #tpu.memory_space<vmem>>
        %dma_start3A_617 = arith.constant 0 : i32
        %dma_start3A_618 = arith.constant 0 : i32
        %dma_start3A_619 = tpu.memref_slice %arg4[%add3A_260, %dma_start3A_617, %dma_start3A_618] : memref<16384x56x128xf32, #tpu.memory_space<hbm>> -> memref<1x50x64xf32, #tpu.memory_space<hbm>>
        %dma_start3A_620 = tpu.memref_squeeze %dma_start3A_619 : memref<1x50x64xf32, #tpu.memory_space<hbm>> -> memref<50x64xf32, #tpu.memory_space<hbm>>
        %dma_start3A_621 = arith.constant 0 : i32
        %dma_start3A_622 = arith.constant 0 : i32
        %dma_start3A_623 = tpu.memref_slice %arg4[%add3A_260, %dma_start3A_621, %dma_start3A_622] : memref<16384x56x128xf32, #tpu.memory_space<hbm>> -> memref<1x50x64xf32, #tpu.memory_space<hbm>>
        %dma_start3A_624 = tpu.memref_squeeze %dma_start3A_623 : memref<1x50x64xf32, #tpu.memory_space<hbm>> -> memref<50x64xf32, #tpu.memory_space<hbm>>
        %dma_start3A_625 = arith.constant 0 : i32
        %dma_start3A_626 = arith.constant 0 : i32
        %dma_start3A_627 = tpu.memref_slice %arg6[%run_scoped3A, %dma_start3A_625, %dma_start3A_626] : memref<8x50x64xf32, #tpu.memory_space<vmem>> -> memref<1x50x64xf32, #tpu.memory_space<vmem>>
        %dma_start3A_628 = tpu.memref_squeeze %dma_start3A_627 : memref<1x50x64xf32, #tpu.memory_space<vmem>> -> memref<50x64xf32, #tpu.memory_space<vmem>>
        tpu.enqueue_dma source(%dma_start3A_628 : memref<50x64xf32, #tpu.memory_space<vmem>>) target(%dma_start3A_624 : memref<50x64xf32, #tpu.memory_space<hbm>>) target_semaphore(%run_scoped3A_612 : memref<!tpu.dma_semaphore, #tpu.memory_space<semaphore_mem>>)
        %dma_wait3A_629 = arith.constant 0 : i32
        %dma_wait3A_630 = arith.constant 0 : i32
        %dma_wait3A_631 = tpu.memref_slice %arg6[%run_scoped3A, %dma_wait3A_629, %dma_wait3A_630] : memref<8x50x64xf32, #tpu.memory_space<vmem>> -> memref<1x50x64xf32, #tpu.memory_space<vmem>>
        %dma_wait3A_632 = tpu.memref_squeeze %dma_wait3A_631 : memref<1x50x64xf32, #tpu.memory_space<vmem>> -> memref<50x64xf32, #tpu.memory_space<vmem>>
        %dma_wait3A_633 = arith.constant 0 : i32
        %dma_wait3A_634 = arith.constant 0 : i32
        %dma_wait3A_635 = tpu.memref_slice %arg4[%add3A_260, %dma_wait3A_633, %dma_wait3A_634] : memref<16384x56x128xf32, #tpu.memory_space<hbm>> -> memref<1x50x64xf32, #tpu.memory_space<hbm>>
        %dma_wait3A_636 = tpu.memref_squeeze %dma_wait3A_635 : memref<1x50x64xf32, #tpu.memory_space<hbm>> -> memref<50x64xf32, #tpu.memory_space<hbm>>
        %dma_wait3A_637 = arith.constant 0 : i32
        %dma_wait3A_638 = arith.constant 0 : i32
        %dma_wait3A_639 = tpu.memref_slice %arg4[%add3A_260, %dma_wait3A_637, %dma_wait3A_638] : memref<16384x56x128xf32, #tpu.memory_space<hbm>> -> memref<1x50x64xf32, #tpu.memory_space<hbm>>
        %dma_wait3A_640 = tpu.memref_squeeze %dma_wait3A_639 : memref<1x50x64xf32, #tpu.memory_space<hbm>> -> memref<50x64xf32, #tpu.memory_space<hbm>>
        %dma_wait3A_641 = arith.constant 0 : i32
        %dma_wait3A_642 = arith.constant 0 : i32
        %dma_wait3A_643 = tpu.memref_slice %arg6[%run_scoped3A, %dma_wait3A_641, %dma_wait3A_642] : memref<8x50x64xf32, #tpu.memory_space<vmem>> -> memref<1x50x64xf32, #tpu.memory_space<vmem>>
        %dma_wait3A_644 = tpu.memref_squeeze %dma_wait3A_643 : memref<1x50x64xf32, #tpu.memory_space<vmem>> -> memref<50x64xf32, #tpu.memory_space<vmem>>
        tpu.wait_dma2 semaphore(%run_scoped3A_612 : memref<!tpu.dma_semaphore, #tpu.memory_space<semaphore_mem>>) src(%dma_wait3A_644 : memref<50x64xf32, #tpu.memory_space<vmem>>) dst(%dma_wait3A_640 : memref<50x64xf32, #tpu.memory_space<hbm>>)
        tpu.yield
      }) : () -> ()
      %mul3A_261 = arith.constant 8 : i32
      %mul3A_262 = arith.muli %mul3A_105, %mul3A_261 : i32
      %add3A_263 = arith.constant 1 : i32
      %add3A_264 = arith.addi %mul3A_262, %add3A_263 : i32
      %dma_wait3A_265 = arith.constant 1 : i32
      %dma_wait3A_266 = arith.constant 0 : i32
      %dma_wait3A_267 = arith.constant 0 : i32
      %dma_wait3A_268 = tpu.memref_slice %arg6[%dma_wait3A_265, %dma_wait3A_266, %dma_wait3A_267] : memref<8x50x64xf32, #tpu.memory_space<vmem>> -> memref<1x50x64xf32, #tpu.memory_space<vmem>>
      %dma_wait3A_269 = tpu.memref_squeeze %dma_wait3A_268 : memref<1x50x64xf32, #tpu.memory_space<vmem>> -> memref<50x64xf32, #tpu.memory_space<vmem>>
      %dma_wait3A_270 = arith.constant 0 : i32
      %dma_wait3A_271 = tpu.memref_slice %arg5[%add3A_264, %dma_wait3A_270] : memref<512x50xi32, #tpu.memory_space<vmem>> -> memref<1x50xi32, #tpu.memory_space<vmem>>
      %dma_wait3A_272 = tpu.memref_squeeze %dma_wait3A_271 : memref<1x50xi32, #tpu.memory_space<vmem>> -> memref<50xi32, #tpu.memory_space<vmem>>
      %dma_wait3A_273 = arith.constant 0 : i32
      %dma_wait3A_274 = arith.constant 0 : i32
      %dma_wait3A_275 = tpu.memref_slice %arg3[%dma_wait3A_273, %dma_wait3A_274] : memref<2000000x64xf32, #tpu.memory_space<hbm>> -> memref<2000000x64xf32, #tpu.memory_space<hbm>>
      tpu.wait_indirect_dma semaphore(%arg8 : memref<!tpu.dma_semaphore, #tpu.memory_space<semaphore_mem>>) src(%dma_wait3A_275 : memref<2000000x64xf32, #tpu.memory_space<hbm>>) dst(%dma_wait3A_269 : memref<50x64xf32, #tpu.memory_space<vmem>>)
      %mul3A_276 = arith.constant 8 : i32
      %mul3A_277 = arith.muli %mul3A_105, %mul3A_276 : i32
      %add3A_278 = arith.addi %mul3A_2, %mul3A_277 : i32
      %add3A_279 = arith.constant 1 : i32
      %add3A_280 = arith.addi %add3A_278, %add3A_279 : i32
      %run_scoped3A_281 = arith.constant 1 : i32
      "tpu.region"() ({
        %run_scoped3A_612 = tpu.sem_alloc : memref<!tpu.dma_semaphore, #tpu.memory_space<semaphore_mem>>
        %dma_start3A_613 = arith.constant 0 : i32
        %dma_start3A_614 = arith.constant 0 : i32
        %dma_start3A_615 = tpu.memref_slice %arg6[%run_scoped3A_281, %dma_start3A_613, %dma_start3A_614] : memref<8x50x64xf32, #tpu.memory_space<vmem>> -> memref<1x50x64xf32, #tpu.memory_space<vmem>>
        %dma_start3A_616 = tpu.memref_squeeze %dma_start3A_615 : memref<1x50x64xf32, #tpu.memory_space<vmem>> -> memref<50x64xf32, #tpu.memory_space<vmem>>
        %dma_start3A_617 = arith.constant 0 : i32
        %dma_start3A_618 = arith.constant 0 : i32
        %dma_start3A_619 = tpu.memref_slice %arg4[%add3A_280, %dma_start3A_617, %dma_start3A_618] : memref<16384x56x128xf32, #tpu.memory_space<hbm>> -> memref<1x50x64xf32, #tpu.memory_space<hbm>>
        %dma_start3A_620 = tpu.memref_squeeze %dma_start3A_619 : memref<1x50x64xf32, #tpu.memory_space<hbm>> -> memref<50x64xf32, #tpu.memory_space<hbm>>
        %dma_start3A_621 = arith.constant 0 : i32
        %dma_start3A_622 = arith.constant 0 : i32
        %dma_start3A_623 = tpu.memref_slice %arg4[%add3A_280, %dma_start3A_621, %dma_start3A_622] : memref<16384x56x128xf32, #tpu.memory_space<hbm>> -> memref<1x50x64xf32, #tpu.memory_space<hbm>>
        %dma_start3A_624 = tpu.memref_squeeze %dma_start3A_623 : memref<1x50x64xf32, #tpu.memory_space<hbm>> -> memref<50x64xf32, #tpu.memory_space<hbm>>
        %dma_start3A_625 = arith.constant 0 : i32
        %dma_start3A_626 = arith.constant 0 : i32
        %dma_start3A_627 = tpu.memref_slice %arg6[%run_scoped3A_281, %dma_start3A_625, %dma_start3A_626] : memref<8x50x64xf32, #tpu.memory_space<vmem>> -> memref<1x50x64xf32, #tpu.memory_space<vmem>>
        %dma_start3A_628 = tpu.memref_squeeze %dma_start3A_627 : memref<1x50x64xf32, #tpu.memory_space<vmem>> -> memref<50x64xf32, #tpu.memory_space<vmem>>
        tpu.enqueue_dma source(%dma_start3A_628 : memref<50x64xf32, #tpu.memory_space<vmem>>) target(%dma_start3A_624 : memref<50x64xf32, #tpu.memory_space<hbm>>) target_semaphore(%run_scoped3A_612 : memref<!tpu.dma_semaphore, #tpu.memory_space<semaphore_mem>>)
        %dma_wait3A_629 = arith.constant 0 : i32
        %dma_wait3A_630 = arith.constant 0 : i32
        %dma_wait3A_631 = tpu.memref_slice %arg6[%run_scoped3A_281, %dma_wait3A_629, %dma_wait3A_630] : memref<8x50x64xf32, #tpu.memory_space<vmem>> -> memref<1x50x64xf32, #tpu.memory_space<vmem>>
        %dma_wait3A_632 = tpu.memref_squeeze %dma_wait3A_631 : memref<1x50x64xf32, #tpu.memory_space<vmem>> -> memref<50x64xf32, #tpu.memory_space<vmem>>
        %dma_wait3A_633 = arith.constant 0 : i32
        %dma_wait3A_634 = arith.constant 0 : i32
        %dma_wait3A_635 = tpu.memref_slice %arg4[%add3A_280, %dma_wait3A_633, %dma_wait3A_634] : memref<16384x56x128xf32, #tpu.memory_space<hbm>> -> memref<1x50x64xf32, #tpu.memory_space<hbm>>
        %dma_wait3A_636 = tpu.memref_squeeze %dma_wait3A_635 : memref<1x50x64xf32, #tpu.memory_space<hbm>> -> memref<50x64xf32, #tpu.memory_space<hbm>>
        %dma_wait3A_637 = arith.constant 0 : i32
        %dma_wait3A_638 = arith.constant 0 : i32
        %dma_wait3A_639 = tpu.memref_slice %arg4[%add3A_280, %dma_wait3A_637, %dma_wait3A_638] : memref<16384x56x128xf32, #tpu.memory_space<hbm>> -> memref<1x50x64xf32, #tpu.memory_space<hbm>>
        %dma_wait3A_640 = tpu.memref_squeeze %dma_wait3A_639 : memref<1x50x64xf32, #tpu.memory_space<hbm>> -> memref<50x64xf32, #tpu.memory_space<hbm>>
        %dma_wait3A_641 = arith.constant 0 : i32
        %dma_wait3A_642 = arith.constant 0 : i32
        %dma_wait3A_643 = tpu.memref_slice %arg6[%run_scoped3A_281, %dma_wait3A_641, %dma_wait3A_642] : memref<8x50x64xf32, #tpu.memory_space<vmem>> -> memref<1x50x64xf32, #tpu.memory_space<vmem>>
        %dma_wait3A_644 = tpu.memref_squeeze %dma_wait3A_643 : memref<1x50x64xf32, #tpu.memory_space<vmem>> -> memref<50x64xf32, #tpu.memory_space<vmem>>
        tpu.wait_dma2 semaphore(%run_scoped3A_612 : memref<!tpu.dma_semaphore, #tpu.memory_space<semaphore_mem>>) src(%dma_wait3A_644 : memref<50x64xf32, #tpu.memory_space<vmem>>) dst(%dma_wait3A_640 : memref<50x64xf32, #tpu.memory_space<hbm>>)
        tpu.yield
      }) : () -> ()
      %mul3A_282 = arith.constant 8 : i32
      %mul3A_283 = arith.muli %mul3A_105, %mul3A_282 : i32
      %add3A_284 = arith.constant 2 : i32
      %add3A_285 = arith.addi %mul3A_283, %add3A_284 : i32
      %dma_wait3A_286 = arith.constant 2 : i32
      %dma_wait3A_287 = arith.constant 0 : i32
      %dma_wait3A_288 = arith.constant 0 : i32
      %dma_wait3A_289 = tpu.memref_slice %arg6[%dma_wait3A_286, %dma_wait3A_287, %dma_wait3A_288] : memref<8x50x64xf32, #tpu.memory_space<vmem>> -> memref<1x50x64xf32, #tpu.memory_space<vmem>>
      %dma_wait3A_290 = tpu.memref_squeeze %dma_wait3A_289 : memref<1x50x64xf32, #tpu.memory_space<vmem>> -> memref<50x64xf32, #tpu.memory_space<vmem>>
      %dma_wait3A_291 = arith.constant 0 : i32
      %dma_wait3A_292 = tpu.memref_slice %arg5[%add3A_285, %dma_wait3A_291] : memref<512x50xi32, #tpu.memory_space<vmem>> -> memref<1x50xi32, #tpu.memory_space<vmem>>
      %dma_wait3A_293 = tpu.memref_squeeze %dma_wait3A_292 : memref<1x50xi32, #tpu.memory_space<vmem>> -> memref<50xi32, #tpu.memory_space<vmem>>
      %dma_wait3A_294 = arith.constant 0 : i32
      %dma_wait3A_295 = arith.constant 0 : i32
      %dma_wait3A_296 = tpu.memref_slice %arg3[%dma_wait3A_294, %dma_wait3A_295] : memref<2000000x64xf32, #tpu.memory_space<hbm>> -> memref<2000000x64xf32, #tpu.memory_space<hbm>>
      tpu.wait_indirect_dma semaphore(%arg8 : memref<!tpu.dma_semaphore, #tpu.memory_space<semaphore_mem>>) src(%dma_wait3A_296 : memref<2000000x64xf32, #tpu.memory_space<hbm>>) dst(%dma_wait3A_290 : memref<50x64xf32, #tpu.memory_space<vmem>>)
      %mul3A_297 = arith.constant 8 : i32
      %mul3A_298 = arith.muli %mul3A_105, %mul3A_297 : i32
      %add3A_299 = arith.addi %mul3A_2, %mul3A_298 : i32
      %add3A_300 = arith.constant 2 : i32
      %add3A_301 = arith.addi %add3A_299, %add3A_300 : i32
      %run_scoped3A_302 = arith.constant 2 : i32
      "tpu.region"() ({
        %run_scoped3A_612 = tpu.sem_alloc : memref<!tpu.dma_semaphore, #tpu.memory_space<semaphore_mem>>
        %dma_start3A_613 = arith.constant 0 : i32
        %dma_start3A_614 = arith.constant 0 : i32
        %dma_start3A_615 = tpu.memref_slice %arg6[%run_scoped3A_302, %dma_start3A_613, %dma_start3A_614] : memref<8x50x64xf32, #tpu.memory_space<vmem>> -> memref<1x50x64xf32, #tpu.memory_space<vmem>>
        %dma_start3A_616 = tpu.memref_squeeze %dma_start3A_615 : memref<1x50x64xf32, #tpu.memory_space<vmem>> -> memref<50x64xf32, #tpu.memory_space<vmem>>
        %dma_start3A_617 = arith.constant 0 : i32
        %dma_start3A_618 = arith.constant 0 : i32
        %dma_start3A_619 = tpu.memref_slice %arg4[%add3A_301, %dma_start3A_617, %dma_start3A_618] : memref<16384x56x128xf32, #tpu.memory_space<hbm>> -> memref<1x50x64xf32, #tpu.memory_space<hbm>>
        %dma_start3A_620 = tpu.memref_squeeze %dma_start3A_619 : memref<1x50x64xf32, #tpu.memory_space<hbm>> -> memref<50x64xf32, #tpu.memory_space<hbm>>
        %dma_start3A_621 = arith.constant 0 : i32
        %dma_start3A_622 = arith.constant 0 : i32
        %dma_start3A_623 = tpu.memref_slice %arg4[%add3A_301, %dma_start3A_621, %dma_start3A_622] : memref<16384x56x128xf32, #tpu.memory_space<hbm>> -> memref<1x50x64xf32, #tpu.memory_space<hbm>>
        %dma_start3A_624 = tpu.memref_squeeze %dma_start3A_623 : memref<1x50x64xf32, #tpu.memory_space<hbm>> -> memref<50x64xf32, #tpu.memory_space<hbm>>
        %dma_start3A_625 = arith.constant 0 : i32
        %dma_start3A_626 = arith.constant 0 : i32
        %dma_start3A_627 = tpu.memref_slice %arg6[%run_scoped3A_302, %dma_start3A_625, %dma_start3A_626] : memref<8x50x64xf32, #tpu.memory_space<vmem>> -> memref<1x50x64xf32, #tpu.memory_space<vmem>>
        %dma_start3A_628 = tpu.memref_squeeze %dma_start3A_627 : memref<1x50x64xf32, #tpu.memory_space<vmem>> -> memref<50x64xf32, #tpu.memory_space<vmem>>
        tpu.enqueue_dma source(%dma_start3A_628 : memref<50x64xf32, #tpu.memory_space<vmem>>) target(%dma_start3A_624 : memref<50x64xf32, #tpu.memory_space<hbm>>) target_semaphore(%run_scoped3A_612 : memref<!tpu.dma_semaphore, #tpu.memory_space<semaphore_mem>>)
        %dma_wait3A_629 = arith.constant 0 : i32
        %dma_wait3A_630 = arith.constant 0 : i32
        %dma_wait3A_631 = tpu.memref_slice %arg6[%run_scoped3A_302, %dma_wait3A_629, %dma_wait3A_630] : memref<8x50x64xf32, #tpu.memory_space<vmem>> -> memref<1x50x64xf32, #tpu.memory_space<vmem>>
        %dma_wait3A_632 = tpu.memref_squeeze %dma_wait3A_631 : memref<1x50x64xf32, #tpu.memory_space<vmem>> -> memref<50x64xf32, #tpu.memory_space<vmem>>
        %dma_wait3A_633 = arith.constant 0 : i32
        %dma_wait3A_634 = arith.constant 0 : i32
        %dma_wait3A_635 = tpu.memref_slice %arg4[%add3A_301, %dma_wait3A_633, %dma_wait3A_634] : memref<16384x56x128xf32, #tpu.memory_space<hbm>> -> memref<1x50x64xf32, #tpu.memory_space<hbm>>
        %dma_wait3A_636 = tpu.memref_squeeze %dma_wait3A_635 : memref<1x50x64xf32, #tpu.memory_space<hbm>> -> memref<50x64xf32, #tpu.memory_space<hbm>>
        %dma_wait3A_637 = arith.constant 0 : i32
        %dma_wait3A_638 = arith.constant 0 : i32
        %dma_wait3A_639 = tpu.memref_slice %arg4[%add3A_301, %dma_wait3A_637, %dma_wait3A_638] : memref<16384x56x128xf32, #tpu.memory_space<hbm>> -> memref<1x50x64xf32, #tpu.memory_space<hbm>>
        %dma_wait3A_640 = tpu.memref_squeeze %dma_wait3A_639 : memref<1x50x64xf32, #tpu.memory_space<hbm>> -> memref<50x64xf32, #tpu.memory_space<hbm>>
        %dma_wait3A_641 = arith.constant 0 : i32
        %dma_wait3A_642 = arith.constant 0 : i32
        %dma_wait3A_643 = tpu.memref_slice %arg6[%run_scoped3A_302, %dma_wait3A_641, %dma_wait3A_642] : memref<8x50x64xf32, #tpu.memory_space<vmem>> -> memref<1x50x64xf32, #tpu.memory_space<vmem>>
        %dma_wait3A_644 = tpu.memref_squeeze %dma_wait3A_643 : memref<1x50x64xf32, #tpu.memory_space<vmem>> -> memref<50x64xf32, #tpu.memory_space<vmem>>
        tpu.wait_dma2 semaphore(%run_scoped3A_612 : memref<!tpu.dma_semaphore, #tpu.memory_space<semaphore_mem>>) src(%dma_wait3A_644 : memref<50x64xf32, #tpu.memory_space<vmem>>) dst(%dma_wait3A_640 : memref<50x64xf32, #tpu.memory_space<hbm>>)
        tpu.yield
      }) : () -> ()
      %mul3A_303 = arith.constant 8 : i32
      %mul3A_304 = arith.muli %mul3A_105, %mul3A_303 : i32
      %add3A_305 = arith.constant 3 : i32
      %add3A_306 = arith.addi %mul3A_304, %add3A_305 : i32
      %dma_wait3A_307 = arith.constant 3 : i32
      %dma_wait3A_308 = arith.constant 0 : i32
      %dma_wait3A_309 = arith.constant 0 : i32
      %dma_wait3A_310 = tpu.memref_slice %arg6[%dma_wait3A_307, %dma_wait3A_308, %dma_wait3A_309] : memref<8x50x64xf32, #tpu.memory_space<vmem>> -> memref<1x50x64xf32, #tpu.memory_space<vmem>>
      %dma_wait3A_311 = tpu.memref_squeeze %dma_wait3A_310 : memref<1x50x64xf32, #tpu.memory_space<vmem>> -> memref<50x64xf32, #tpu.memory_space<vmem>>
      %dma_wait3A_312 = arith.constant 0 : i32
      %dma_wait3A_313 = tpu.memref_slice %arg5[%add3A_306, %dma_wait3A_312] : memref<512x50xi32, #tpu.memory_space<vmem>> -> memref<1x50xi32, #tpu.memory_space<vmem>>
      %dma_wait3A_314 = tpu.memref_squeeze %dma_wait3A_313 : memref<1x50xi32, #tpu.memory_space<vmem>> -> memref<50xi32, #tpu.memory_space<vmem>>
      %dma_wait3A_315 = arith.constant 0 : i32
      %dma_wait3A_316 = arith.constant 0 : i32
      %dma_wait3A_317 = tpu.memref_slice %arg3[%dma_wait3A_315, %dma_wait3A_316] : memref<2000000x64xf32, #tpu.memory_space<hbm>> -> memref<2000000x64xf32, #tpu.memory_space<hbm>>
      tpu.wait_indirect_dma semaphore(%arg8 : memref<!tpu.dma_semaphore, #tpu.memory_space<semaphore_mem>>) src(%dma_wait3A_317 : memref<2000000x64xf32, #tpu.memory_space<hbm>>) dst(%dma_wait3A_311 : memref<50x64xf32, #tpu.memory_space<vmem>>)
      %mul3A_318 = arith.constant 8 : i32
      %mul3A_319 = arith.muli %mul3A_105, %mul3A_318 : i32
      %add3A_320 = arith.addi %mul3A_2, %mul3A_319 : i32
      %add3A_321 = arith.constant 3 : i32
      %add3A_322 = arith.addi %add3A_320, %add3A_321 : i32
      %run_scoped3A_323 = arith.constant 3 : i32
      "tpu.region"() ({
        %run_scoped3A_612 = tpu.sem_alloc : memref<!tpu.dma_semaphore, #tpu.memory_space<semaphore_mem>>
        %dma_start3A_613 = arith.constant 0 : i32
        %dma_start3A_614 = arith.constant 0 : i32
        %dma_start3A_615 = tpu.memref_slice %arg6[%run_scoped3A_323, %dma_start3A_613, %dma_start3A_614] : memref<8x50x64xf32, #tpu.memory_space<vmem>> -> memref<1x50x64xf32, #tpu.memory_space<vmem>>
        %dma_start3A_616 = tpu.memref_squeeze %dma_start3A_615 : memref<1x50x64xf32, #tpu.memory_space<vmem>> -> memref<50x64xf32, #tpu.memory_space<vmem>>
        %dma_start3A_617 = arith.constant 0 : i32
        %dma_start3A_618 = arith.constant 0 : i32
        %dma_start3A_619 = tpu.memref_slice %arg4[%add3A_322, %dma_start3A_617, %dma_start3A_618] : memref<16384x56x128xf32, #tpu.memory_space<hbm>> -> memref<1x50x64xf32, #tpu.memory_space<hbm>>
        %dma_start3A_620 = tpu.memref_squeeze %dma_start3A_619 : memref<1x50x64xf32, #tpu.memory_space<hbm>> -> memref<50x64xf32, #tpu.memory_space<hbm>>
        %dma_start3A_621 = arith.constant 0 : i32
        %dma_start3A_622 = arith.constant 0 : i32
        %dma_start3A_623 = tpu.memref_slice %arg4[%add3A_322, %dma_start3A_621, %dma_start3A_622] : memref<16384x56x128xf32, #tpu.memory_space<hbm>> -> memref<1x50x64xf32, #tpu.memory_space<hbm>>
        %dma_start3A_624 = tpu.memref_squeeze %dma_start3A_623 : memref<1x50x64xf32, #tpu.memory_space<hbm>> -> memref<50x64xf32, #tpu.memory_space<hbm>>
        %dma_start3A_625 = arith.constant 0 : i32
        %dma_start3A_626 = arith.constant 0 : i32
        %dma_start3A_627 = tpu.memref_slice %arg6[%run_scoped3A_323, %dma_start3A_625, %dma_start3A_626] : memref<8x50x64xf32, #tpu.memory_space<vmem>> -> memref<1x50x64xf32, #tpu.memory_space<vmem>>
        %dma_start3A_628 = tpu.memref_squeeze %dma_start3A_627 : memref<1x50x64xf32, #tpu.memory_space<vmem>> -> memref<50x64xf32, #tpu.memory_space<vmem>>
        tpu.enqueue_dma source(%dma_start3A_628 : memref<50x64xf32, #tpu.memory_space<vmem>>) target(%dma_start3A_624 : memref<50x64xf32, #tpu.memory_space<hbm>>) target_semaphore(%run_scoped3A_612 : memref<!tpu.dma_semaphore, #tpu.memory_space<semaphore_mem>>)
        %dma_wait3A_629 = arith.constant 0 : i32
        %dma_wait3A_630 = arith.constant 0 : i32
        %dma_wait3A_631 = tpu.memref_slice %arg6[%run_scoped3A_323, %dma_wait3A_629, %dma_wait3A_630] : memref<8x50x64xf32, #tpu.memory_space<vmem>> -> memref<1x50x64xf32, #tpu.memory_space<vmem>>
        %dma_wait3A_632 = tpu.memref_squeeze %dma_wait3A_631 : memref<1x50x64xf32, #tpu.memory_space<vmem>> -> memref<50x64xf32, #tpu.memory_space<vmem>>
        %dma_wait3A_633 = arith.constant 0 : i32
        %dma_wait3A_634 = arith.constant 0 : i32
        %dma_wait3A_635 = tpu.memref_slice %arg4[%add3A_322, %dma_wait3A_633, %dma_wait3A_634] : memref<16384x56x128xf32, #tpu.memory_space<hbm>> -> memref<1x50x64xf32, #tpu.memory_space<hbm>>
        %dma_wait3A_636 = tpu.memref_squeeze %dma_wait3A_635 : memref<1x50x64xf32, #tpu.memory_space<hbm>> -> memref<50x64xf32, #tpu.memory_space<hbm>>
        %dma_wait3A_637 = arith.constant 0 : i32
        %dma_wait3A_638 = arith.constant 0 : i32
        %dma_wait3A_639 = tpu.memref_slice %arg4[%add3A_322, %dma_wait3A_637, %dma_wait3A_638] : memref<16384x56x128xf32, #tpu.memory_space<hbm>> -> memref<1x50x64xf32, #tpu.memory_space<hbm>>
        %dma_wait3A_640 = tpu.memref_squeeze %dma_wait3A_639 : memref<1x50x64xf32, #tpu.memory_space<hbm>> -> memref<50x64xf32, #tpu.memory_space<hbm>>
        %dma_wait3A_641 = arith.constant 0 : i32
        %dma_wait3A_642 = arith.constant 0 : i32
        %dma_wait3A_643 = tpu.memref_slice %arg6[%run_scoped3A_323, %dma_wait3A_641, %dma_wait3A_642] : memref<8x50x64xf32, #tpu.memory_space<vmem>> -> memref<1x50x64xf32, #tpu.memory_space<vmem>>
        %dma_wait3A_644 = tpu.memref_squeeze %dma_wait3A_643 : memref<1x50x64xf32, #tpu.memory_space<vmem>> -> memref<50x64xf32, #tpu.memory_space<vmem>>
        tpu.wait_dma2 semaphore(%run_scoped3A_612 : memref<!tpu.dma_semaphore, #tpu.memory_space<semaphore_mem>>) src(%dma_wait3A_644 : memref<50x64xf32, #tpu.memory_space<vmem>>) dst(%dma_wait3A_640 : memref<50x64xf32, #tpu.memory_space<hbm>>)
        tpu.yield
      }) : () -> ()
      %mul3A_324 = arith.constant 8 : i32
      %mul3A_325 = arith.muli %mul3A_105, %mul3A_324 : i32
      %add3A_326 = arith.constant 4 : i32
      %add3A_327 = arith.addi %mul3A_325, %add3A_326 : i32
      %dma_wait3A_328 = arith.constant 4 : i32
      %dma_wait3A_329 = arith.constant 0 : i32
      %dma_wait3A_330 = arith.constant 0 : i32
      %dma_wait3A_331 = tpu.memref_slice %arg6[%dma_wait3A_328, %dma_wait3A_329, %dma_wait3A_330] : memref<8x50x64xf32, #tpu.memory_space<vmem>> -> memref<1x50x64xf32, #tpu.memory_space<vmem>>
      %dma_wait3A_332 = tpu.memref_squeeze %dma_wait3A_331 : memref<1x50x64xf32, #tpu.memory_space<vmem>> -> memref<50x64xf32, #tpu.memory_space<vmem>>
      %dma_wait3A_333 = arith.constant 0 : i32
      %dma_wait3A_334 = tpu.memref_slice %arg5[%add3A_327, %dma_wait3A_333] : memref<512x50xi32, #tpu.memory_space<vmem>> -> memref<1x50xi32, #tpu.memory_space<vmem>>
      %dma_wait3A_335 = tpu.memref_squeeze %dma_wait3A_334 : memref<1x50xi32, #tpu.memory_space<vmem>> -> memref<50xi32, #tpu.memory_space<vmem>>
      %dma_wait3A_336 = arith.constant 0 : i32
      %dma_wait3A_337 = arith.constant 0 : i32
      %dma_wait3A_338 = tpu.memref_slice %arg3[%dma_wait3A_336, %dma_wait3A_337] : memref<2000000x64xf32, #tpu.memory_space<hbm>> -> memref<2000000x64xf32, #tpu.memory_space<hbm>>
      tpu.wait_indirect_dma semaphore(%arg8 : memref<!tpu.dma_semaphore, #tpu.memory_space<semaphore_mem>>) src(%dma_wait3A_338 : memref<2000000x64xf32, #tpu.memory_space<hbm>>) dst(%dma_wait3A_332 : memref<50x64xf32, #tpu.memory_space<vmem>>)
      %mul3A_339 = arith.constant 8 : i32
      %mul3A_340 = arith.muli %mul3A_105, %mul3A_339 : i32
      %add3A_341 = arith.addi %mul3A_2, %mul3A_340 : i32
      %add3A_342 = arith.constant 4 : i32
      %add3A_343 = arith.addi %add3A_341, %add3A_342 : i32
      %run_scoped3A_344 = arith.constant 4 : i32
      "tpu.region"() ({
        %run_scoped3A_612 = tpu.sem_alloc : memref<!tpu.dma_semaphore, #tpu.memory_space<semaphore_mem>>
        %dma_start3A_613 = arith.constant 0 : i32
        %dma_start3A_614 = arith.constant 0 : i32
        %dma_start3A_615 = tpu.memref_slice %arg6[%run_scoped3A_344, %dma_start3A_613, %dma_start3A_614] : memref<8x50x64xf32, #tpu.memory_space<vmem>> -> memref<1x50x64xf32, #tpu.memory_space<vmem>>
        %dma_start3A_616 = tpu.memref_squeeze %dma_start3A_615 : memref<1x50x64xf32, #tpu.memory_space<vmem>> -> memref<50x64xf32, #tpu.memory_space<vmem>>
        %dma_start3A_617 = arith.constant 0 : i32
        %dma_start3A_618 = arith.constant 0 : i32
        %dma_start3A_619 = tpu.memref_slice %arg4[%add3A_343, %dma_start3A_617, %dma_start3A_618] : memref<16384x56x128xf32, #tpu.memory_space<hbm>> -> memref<1x50x64xf32, #tpu.memory_space<hbm>>
        %dma_start3A_620 = tpu.memref_squeeze %dma_start3A_619 : memref<1x50x64xf32, #tpu.memory_space<hbm>> -> memref<50x64xf32, #tpu.memory_space<hbm>>
        %dma_start3A_621 = arith.constant 0 : i32
        %dma_start3A_622 = arith.constant 0 : i32
        %dma_start3A_623 = tpu.memref_slice %arg4[%add3A_343, %dma_start3A_621, %dma_start3A_622] : memref<16384x56x128xf32, #tpu.memory_space<hbm>> -> memref<1x50x64xf32, #tpu.memory_space<hbm>>
        %dma_start3A_624 = tpu.memref_squeeze %dma_start3A_623 : memref<1x50x64xf32, #tpu.memory_space<hbm>> -> memref<50x64xf32, #tpu.memory_space<hbm>>
        %dma_start3A_625 = arith.constant 0 : i32
        %dma_start3A_626 = arith.constant 0 : i32
        %dma_start3A_627 = tpu.memref_slice %arg6[%run_scoped3A_344, %dma_start3A_625, %dma_start3A_626] : memref<8x50x64xf32, #tpu.memory_space<vmem>> -> memref<1x50x64xf32, #tpu.memory_space<vmem>>
        %dma_start3A_628 = tpu.memref_squeeze %dma_start3A_627 : memref<1x50x64xf32, #tpu.memory_space<vmem>> -> memref<50x64xf32, #tpu.memory_space<vmem>>
        tpu.enqueue_dma source(%dma_start3A_628 : memref<50x64xf32, #tpu.memory_space<vmem>>) target(%dma_start3A_624 : memref<50x64xf32, #tpu.memory_space<hbm>>) target_semaphore(%run_scoped3A_612 : memref<!tpu.dma_semaphore, #tpu.memory_space<semaphore_mem>>)
        %dma_wait3A_629 = arith.constant 0 : i32
        %dma_wait3A_630 = arith.constant 0 : i32
        %dma_wait3A_631 = tpu.memref_slice %arg6[%run_scoped3A_344, %dma_wait3A_629, %dma_wait3A_630] : memref<8x50x64xf32, #tpu.memory_space<vmem>> -> memref<1x50x64xf32, #tpu.memory_space<vmem>>
        %dma_wait3A_632 = tpu.memref_squeeze %dma_wait3A_631 : memref<1x50x64xf32, #tpu.memory_space<vmem>> -> memref<50x64xf32, #tpu.memory_space<vmem>>
        %dma_wait3A_633 = arith.constant 0 : i32
        %dma_wait3A_634 = arith.constant 0 : i32
        %dma_wait3A_635 = tpu.memref_slice %arg4[%add3A_343, %dma_wait3A_633, %dma_wait3A_634] : memref<16384x56x128xf32, #tpu.memory_space<hbm>> -> memref<1x50x64xf32, #tpu.memory_space<hbm>>
        %dma_wait3A_636 = tpu.memref_squeeze %dma_wait3A_635 : memref<1x50x64xf32, #tpu.memory_space<hbm>> -> memref<50x64xf32, #tpu.memory_space<hbm>>
        %dma_wait3A_637 = arith.constant 0 : i32
        %dma_wait3A_638 = arith.constant 0 : i32
        %dma_wait3A_639 = tpu.memref_slice %arg4[%add3A_343, %dma_wait3A_637, %dma_wait3A_638] : memref<16384x56x128xf32, #tpu.memory_space<hbm>> -> memref<1x50x64xf32, #tpu.memory_space<hbm>>
        %dma_wait3A_640 = tpu.memref_squeeze %dma_wait3A_639 : memref<1x50x64xf32, #tpu.memory_space<hbm>> -> memref<50x64xf32, #tpu.memory_space<hbm>>
        %dma_wait3A_641 = arith.constant 0 : i32
        %dma_wait3A_642 = arith.constant 0 : i32
        %dma_wait3A_643 = tpu.memref_slice %arg6[%run_scoped3A_344, %dma_wait3A_641, %dma_wait3A_642] : memref<8x50x64xf32, #tpu.memory_space<vmem>> -> memref<1x50x64xf32, #tpu.memory_space<vmem>>
        %dma_wait3A_644 = tpu.memref_squeeze %dma_wait3A_643 : memref<1x50x64xf32, #tpu.memory_space<vmem>> -> memref<50x64xf32, #tpu.memory_space<vmem>>
        tpu.wait_dma2 semaphore(%run_scoped3A_612 : memref<!tpu.dma_semaphore, #tpu.memory_space<semaphore_mem>>) src(%dma_wait3A_644 : memref<50x64xf32, #tpu.memory_space<vmem>>) dst(%dma_wait3A_640 : memref<50x64xf32, #tpu.memory_space<hbm>>)
        tpu.yield
      }) : () -> ()
      %mul3A_345 = arith.constant 8 : i32
      %mul3A_346 = arith.muli %mul3A_105, %mul3A_345 : i32
      %add3A_347 = arith.constant 5 : i32
      %add3A_348 = arith.addi %mul3A_346, %add3A_347 : i32
      %dma_wait3A_349 = arith.constant 5 : i32
      %dma_wait3A_350 = arith.constant 0 : i32
      %dma_wait3A_351 = arith.constant 0 : i32
      %dma_wait3A_352 = tpu.memref_slice %arg6[%dma_wait3A_349, %dma_wait3A_350, %dma_wait3A_351] : memref<8x50x64xf32, #tpu.memory_space<vmem>> -> memref<1x50x64xf32, #tpu.memory_space<vmem>>
      %dma_wait3A_353 = tpu.memref_squeeze %dma_wait3A_352 : memref<1x50x64xf32, #tpu.memory_space<vmem>> -> memref<50x64xf32, #tpu.memory_space<vmem>>
      %dma_wait3A_354 = arith.constant 0 : i32
      %dma_wait3A_355 = tpu.memref_slice %arg5[%add3A_348, %dma_wait3A_354] : memref<512x50xi32, #tpu.memory_space<vmem>> -> memref<1x50xi32, #tpu.memory_space<vmem>>
      %dma_wait3A_356 = tpu.memref_squeeze %dma_wait3A_355 : memref<1x50xi32, #tpu.memory_space<vmem>> -> memref<50xi32, #tpu.memory_space<vmem>>
      %dma_wait3A_357 = arith.constant 0 : i32
      %dma_wait3A_358 = arith.constant 0 : i32
      %dma_wait3A_359 = tpu.memref_slice %arg3[%dma_wait3A_357, %dma_wait3A_358] : memref<2000000x64xf32, #tpu.memory_space<hbm>> -> memref<2000000x64xf32, #tpu.memory_space<hbm>>
      tpu.wait_indirect_dma semaphore(%arg8 : memref<!tpu.dma_semaphore, #tpu.memory_space<semaphore_mem>>) src(%dma_wait3A_359 : memref<2000000x64xf32, #tpu.memory_space<hbm>>) dst(%dma_wait3A_353 : memref<50x64xf32, #tpu.memory_space<vmem>>)
      %mul3A_360 = arith.constant 8 : i32
      %mul3A_361 = arith.muli %mul3A_105, %mul3A_360 : i32
      %add3A_362 = arith.addi %mul3A_2, %mul3A_361 : i32
      %add3A_363 = arith.constant 5 : i32
      %add3A_364 = arith.addi %add3A_362, %add3A_363 : i32
      %run_scoped3A_365 = arith.constant 5 : i32
      "tpu.region"() ({
        %run_scoped3A_612 = tpu.sem_alloc : memref<!tpu.dma_semaphore, #tpu.memory_space<semaphore_mem>>
        %dma_start3A_613 = arith.constant 0 : i32
        %dma_start3A_614 = arith.constant 0 : i32
        %dma_start3A_615 = tpu.memref_slice %arg6[%run_scoped3A_365, %dma_start3A_613, %dma_start3A_614] : memref<8x50x64xf32, #tpu.memory_space<vmem>> -> memref<1x50x64xf32, #tpu.memory_space<vmem>>
        %dma_start3A_616 = tpu.memref_squeeze %dma_start3A_615 : memref<1x50x64xf32, #tpu.memory_space<vmem>> -> memref<50x64xf32, #tpu.memory_space<vmem>>
        %dma_start3A_617 = arith.constant 0 : i32
        %dma_start3A_618 = arith.constant 0 : i32
        %dma_start3A_619 = tpu.memref_slice %arg4[%add3A_364, %dma_start3A_617, %dma_start3A_618] : memref<16384x56x128xf32, #tpu.memory_space<hbm>> -> memref<1x50x64xf32, #tpu.memory_space<hbm>>
        %dma_start3A_620 = tpu.memref_squeeze %dma_start3A_619 : memref<1x50x64xf32, #tpu.memory_space<hbm>> -> memref<50x64xf32, #tpu.memory_space<hbm>>
        %dma_start3A_621 = arith.constant 0 : i32
        %dma_start3A_622 = arith.constant 0 : i32
        %dma_start3A_623 = tpu.memref_slice %arg4[%add3A_364, %dma_start3A_621, %dma_start3A_622] : memref<16384x56x128xf32, #tpu.memory_space<hbm>> -> memref<1x50x64xf32, #tpu.memory_space<hbm>>
        %dma_start3A_624 = tpu.memref_squeeze %dma_start3A_623 : memref<1x50x64xf32, #tpu.memory_space<hbm>> -> memref<50x64xf32, #tpu.memory_space<hbm>>
        %dma_start3A_625 = arith.constant 0 : i32
        %dma_start3A_626 = arith.constant 0 : i32
        %dma_start3A_627 = tpu.memref_slice %arg6[%run_scoped3A_365, %dma_start3A_625, %dma_start3A_626] : memref<8x50x64xf32, #tpu.memory_space<vmem>> -> memref<1x50x64xf32, #tpu.memory_space<vmem>>
        %dma_start3A_628 = tpu.memref_squeeze %dma_start3A_627 : memref<1x50x64xf32, #tpu.memory_space<vmem>> -> memref<50x64xf32, #tpu.memory_space<vmem>>
        tpu.enqueue_dma source(%dma_start3A_628 : memref<50x64xf32, #tpu.memory_space<vmem>>) target(%dma_start3A_624 : memref<50x64xf32, #tpu.memory_space<hbm>>) target_semaphore(%run_scoped3A_612 : memref<!tpu.dma_semaphore, #tpu.memory_space<semaphore_mem>>)
        %dma_wait3A_629 = arith.constant 0 : i32
        %dma_wait3A_630 = arith.constant 0 : i32
        %dma_wait3A_631 = tpu.memref_slice %arg6[%run_scoped3A_365, %dma_wait3A_629, %dma_wait3A_630] : memref<8x50x64xf32, #tpu.memory_space<vmem>> -> memref<1x50x64xf32, #tpu.memory_space<vmem>>
        %dma_wait3A_632 = tpu.memref_squeeze %dma_wait3A_631 : memref<1x50x64xf32, #tpu.memory_space<vmem>> -> memref<50x64xf32, #tpu.memory_space<vmem>>
        %dma_wait3A_633 = arith.constant 0 : i32
        %dma_wait3A_634 = arith.constant 0 : i32
        %dma_wait3A_635 = tpu.memref_slice %arg4[%add3A_364, %dma_wait3A_633, %dma_wait3A_634] : memref<16384x56x128xf32, #tpu.memory_space<hbm>> -> memref<1x50x64xf32, #tpu.memory_space<hbm>>
        %dma_wait3A_636 = tpu.memref_squeeze %dma_wait3A_635 : memref<1x50x64xf32, #tpu.memory_space<hbm>> -> memref<50x64xf32, #tpu.memory_space<hbm>>
        %dma_wait3A_637 = arith.constant 0 : i32
        %dma_wait3A_638 = arith.constant 0 : i32
        %dma_wait3A_639 = tpu.memref_slice %arg4[%add3A_364, %dma_wait3A_637, %dma_wait3A_638] : memref<16384x56x128xf32, #tpu.memory_space<hbm>> -> memref<1x50x64xf32, #tpu.memory_space<hbm>>
        %dma_wait3A_640 = tpu.memref_squeeze %dma_wait3A_639 : memref<1x50x64xf32, #tpu.memory_space<hbm>> -> memref<50x64xf32, #tpu.memory_space<hbm>>
        %dma_wait3A_641 = arith.constant 0 : i32
        %dma_wait3A_642 = arith.constant 0 : i32
        %dma_wait3A_643 = tpu.memref_slice %arg6[%run_scoped3A_365, %dma_wait3A_641, %dma_wait3A_642] : memref<8x50x64xf32, #tpu.memory_space<vmem>> -> memref<1x50x64xf32, #tpu.memory_space<vmem>>
        %dma_wait3A_644 = tpu.memref_squeeze %dma_wait3A_643 : memref<1x50x64xf32, #tpu.memory_space<vmem>> -> memref<50x64xf32, #tpu.memory_space<vmem>>
        tpu.wait_dma2 semaphore(%run_scoped3A_612 : memref<!tpu.dma_semaphore, #tpu.memory_space<semaphore_mem>>) src(%dma_wait3A_644 : memref<50x64xf32, #tpu.memory_space<vmem>>) dst(%dma_wait3A_640 : memref<50x64xf32, #tpu.memory_space<hbm>>)
        tpu.yield
      }) : () -> ()
      %mul3A_366 = arith.constant 8 : i32
      %mul3A_367 = arith.muli %mul3A_105, %mul3A_366 : i32
      %add3A_368 = arith.constant 6 : i32
      %add3A_369 = arith.addi %mul3A_367, %add3A_368 : i32
      %dma_wait3A_370 = arith.constant 6 : i32
      %dma_wait3A_371 = arith.constant 0 : i32
      %dma_wait3A_372 = arith.constant 0 : i32
      %dma_wait3A_373 = tpu.memref_slice %arg6[%dma_wait3A_370, %dma_wait3A_371, %dma_wait3A_372] : memref<8x50x64xf32, #tpu.memory_space<vmem>> -> memref<1x50x64xf32, #tpu.memory_space<vmem>>
      %dma_wait3A_374 = tpu.memref_squeeze %dma_wait3A_373 : memref<1x50x64xf32, #tpu.memory_space<vmem>> -> memref<50x64xf32, #tpu.memory_space<vmem>>
      %dma_wait3A_375 = arith.constant 0 : i32
      %dma_wait3A_376 = tpu.memref_slice %arg5[%add3A_369, %dma_wait3A_375] : memref<512x50xi32, #tpu.memory_space<vmem>> -> memref<1x50xi32, #tpu.memory_space<vmem>>
      %dma_wait3A_377 = tpu.memref_squeeze %dma_wait3A_376 : memref<1x50xi32, #tpu.memory_space<vmem>> -> memref<50xi32, #tpu.memory_space<vmem>>
      %dma_wait3A_378 = arith.constant 0 : i32
      %dma_wait3A_379 = arith.constant 0 : i32
      %dma_wait3A_380 = tpu.memref_slice %arg3[%dma_wait3A_378, %dma_wait3A_379] : memref<2000000x64xf32, #tpu.memory_space<hbm>> -> memref<2000000x64xf32, #tpu.memory_space<hbm>>
      tpu.wait_indirect_dma semaphore(%arg8 : memref<!tpu.dma_semaphore, #tpu.memory_space<semaphore_mem>>) src(%dma_wait3A_380 : memref<2000000x64xf32, #tpu.memory_space<hbm>>) dst(%dma_wait3A_374 : memref<50x64xf32, #tpu.memory_space<vmem>>)
      %mul3A_381 = arith.constant 8 : i32
      %mul3A_382 = arith.muli %mul3A_105, %mul3A_381 : i32
      %add3A_383 = arith.addi %mul3A_2, %mul3A_382 : i32
      %add3A_384 = arith.constant 6 : i32
      %add3A_385 = arith.addi %add3A_383, %add3A_384 : i32
      %run_scoped3A_386 = arith.constant 6 : i32
      "tpu.region"() ({
        %run_scoped3A_612 = tpu.sem_alloc : memref<!tpu.dma_semaphore, #tpu.memory_space<semaphore_mem>>
        %dma_start3A_613 = arith.constant 0 : i32
        %dma_start3A_614 = arith.constant 0 : i32
        %dma_start3A_615 = tpu.memref_slice %arg6[%run_scoped3A_386, %dma_start3A_613, %dma_start3A_614] : memref<8x50x64xf32, #tpu.memory_space<vmem>> -> memref<1x50x64xf32, #tpu.memory_space<vmem>>
        %dma_start3A_616 = tpu.memref_squeeze %dma_start3A_615 : memref<1x50x64xf32, #tpu.memory_space<vmem>> -> memref<50x64xf32, #tpu.memory_space<vmem>>
        %dma_start3A_617 = arith.constant 0 : i32
        %dma_start3A_618 = arith.constant 0 : i32
        %dma_start3A_619 = tpu.memref_slice %arg4[%add3A_385, %dma_start3A_617, %dma_start3A_618] : memref<16384x56x128xf32, #tpu.memory_space<hbm>> -> memref<1x50x64xf32, #tpu.memory_space<hbm>>
        %dma_start3A_620 = tpu.memref_squeeze %dma_start3A_619 : memref<1x50x64xf32, #tpu.memory_space<hbm>> -> memref<50x64xf32, #tpu.memory_space<hbm>>
        %dma_start3A_621 = arith.constant 0 : i32
        %dma_start3A_622 = arith.constant 0 : i32
        %dma_start3A_623 = tpu.memref_slice %arg4[%add3A_385, %dma_start3A_621, %dma_start3A_622] : memref<16384x56x128xf32, #tpu.memory_space<hbm>> -> memref<1x50x64xf32, #tpu.memory_space<hbm>>
        %dma_start3A_624 = tpu.memref_squeeze %dma_start3A_623 : memref<1x50x64xf32, #tpu.memory_space<hbm>> -> memref<50x64xf32, #tpu.memory_space<hbm>>
        %dma_start3A_625 = arith.constant 0 : i32
        %dma_start3A_626 = arith.constant 0 : i32
        %dma_start3A_627 = tpu.memref_slice %arg6[%run_scoped3A_386, %dma_start3A_625, %dma_start3A_626] : memref<8x50x64xf32, #tpu.memory_space<vmem>> -> memref<1x50x64xf32, #tpu.memory_space<vmem>>
        %dma_start3A_628 = tpu.memref_squeeze %dma_start3A_627 : memref<1x50x64xf32, #tpu.memory_space<vmem>> -> memref<50x64xf32, #tpu.memory_space<vmem>>
        tpu.enqueue_dma source(%dma_start3A_628 : memref<50x64xf32, #tpu.memory_space<vmem>>) target(%dma_start3A_624 : memref<50x64xf32, #tpu.memory_space<hbm>>) target_semaphore(%run_scoped3A_612 : memref<!tpu.dma_semaphore, #tpu.memory_space<semaphore_mem>>)
        %dma_wait3A_629 = arith.constant 0 : i32
        %dma_wait3A_630 = arith.constant 0 : i32
        %dma_wait3A_631 = tpu.memref_slice %arg6[%run_scoped3A_386, %dma_wait3A_629, %dma_wait3A_630] : memref<8x50x64xf32, #tpu.memory_space<vmem>> -> memref<1x50x64xf32, #tpu.memory_space<vmem>>
        %dma_wait3A_632 = tpu.memref_squeeze %dma_wait3A_631 : memref<1x50x64xf32, #tpu.memory_space<vmem>> -> memref<50x64xf32, #tpu.memory_space<vmem>>
        %dma_wait3A_633 = arith.constant 0 : i32
        %dma_wait3A_634 = arith.constant 0 : i32
        %dma_wait3A_635 = tpu.memref_slice %arg4[%add3A_385, %dma_wait3A_633, %dma_wait3A_634] : memref<16384x56x128xf32, #tpu.memory_space<hbm>> -> memref<1x50x64xf32, #tpu.memory_space<hbm>>
        %dma_wait3A_636 = tpu.memref_squeeze %dma_wait3A_635 : memref<1x50x64xf32, #tpu.memory_space<hbm>> -> memref<50x64xf32, #tpu.memory_space<hbm>>
        %dma_wait3A_637 = arith.constant 0 : i32
        %dma_wait3A_638 = arith.constant 0 : i32
        %dma_wait3A_639 = tpu.memref_slice %arg4[%add3A_385, %dma_wait3A_637, %dma_wait3A_638] : memref<16384x56x128xf32, #tpu.memory_space<hbm>> -> memref<1x50x64xf32, #tpu.memory_space<hbm>>
        %dma_wait3A_640 = tpu.memref_squeeze %dma_wait3A_639 : memref<1x50x64xf32, #tpu.memory_space<hbm>> -> memref<50x64xf32, #tpu.memory_space<hbm>>
        %dma_wait3A_641 = arith.constant 0 : i32
        %dma_wait3A_642 = arith.constant 0 : i32
        %dma_wait3A_643 = tpu.memref_slice %arg6[%run_scoped3A_386, %dma_wait3A_641, %dma_wait3A_642] : memref<8x50x64xf32, #tpu.memory_space<vmem>> -> memref<1x50x64xf32, #tpu.memory_space<vmem>>
        %dma_wait3A_644 = tpu.memref_squeeze %dma_wait3A_643 : memref<1x50x64xf32, #tpu.memory_space<vmem>> -> memref<50x64xf32, #tpu.memory_space<vmem>>
        tpu.wait_dma2 semaphore(%run_scoped3A_612 : memref<!tpu.dma_semaphore, #tpu.memory_space<semaphore_mem>>) src(%dma_wait3A_644 : memref<50x64xf32, #tpu.memory_space<vmem>>) dst(%dma_wait3A_640 : memref<50x64xf32, #tpu.memory_space<hbm>>)
        tpu.yield
      }) : () -> ()
      %mul3A_387 = arith.constant 8 : i32
      %mul3A_388 = arith.muli %mul3A_105, %mul3A_387 : i32
      %add3A_389 = arith.constant 7 : i32
      %add3A_390 = arith.addi %mul3A_388, %add3A_389 : i32
      %dma_wait3A_391 = arith.constant 7 : i32
      %dma_wait3A_392 = arith.constant 0 : i32
      %dma_wait3A_393 = arith.constant 0 : i32
      %dma_wait3A_394 = tpu.memref_slice %arg6[%dma_wait3A_391, %dma_wait3A_392, %dma_wait3A_393] : memref<8x50x64xf32, #tpu.memory_space<vmem>> -> memref<1x50x64xf32, #tpu.memory_space<vmem>>
      %dma_wait3A_395 = tpu.memref_squeeze %dma_wait3A_394 : memref<1x50x64xf32, #tpu.memory_space<vmem>> -> memref<50x64xf32, #tpu.memory_space<vmem>>
      %dma_wait3A_396 = arith.constant 0 : i32
      %dma_wait3A_397 = tpu.memref_slice %arg5[%add3A_390, %dma_wait3A_396] : memref<512x50xi32, #tpu.memory_space<vmem>> -> memref<1x50xi32, #tpu.memory_space<vmem>>
      %dma_wait3A_398 = tpu.memref_squeeze %dma_wait3A_397 : memref<1x50xi32, #tpu.memory_space<vmem>> -> memref<50xi32, #tpu.memory_space<vmem>>
      %dma_wait3A_399 = arith.constant 0 : i32
      %dma_wait3A_400 = arith.constant 0 : i32
      %dma_wait3A_401 = tpu.memref_slice %arg3[%dma_wait3A_399, %dma_wait3A_400] : memref<2000000x64xf32, #tpu.memory_space<hbm>> -> memref<2000000x64xf32, #tpu.memory_space<hbm>>
      tpu.wait_indirect_dma semaphore(%arg8 : memref<!tpu.dma_semaphore, #tpu.memory_space<semaphore_mem>>) src(%dma_wait3A_401 : memref<2000000x64xf32, #tpu.memory_space<hbm>>) dst(%dma_wait3A_395 : memref<50x64xf32, #tpu.memory_space<vmem>>)
      %mul3A_402 = arith.constant 8 : i32
      %mul3A_403 = arith.muli %mul3A_105, %mul3A_402 : i32
      %add3A_404 = arith.addi %mul3A_2, %mul3A_403 : i32
      %add3A_405 = arith.constant 7 : i32
      %add3A_406 = arith.addi %add3A_404, %add3A_405 : i32
      %run_scoped3A_407 = arith.constant 7 : i32
      "tpu.region"() ({
        %run_scoped3A_612 = tpu.sem_alloc : memref<!tpu.dma_semaphore, #tpu.memory_space<semaphore_mem>>
        %dma_start3A_613 = arith.constant 0 : i32
        %dma_start3A_614 = arith.constant 0 : i32
        %dma_start3A_615 = tpu.memref_slice %arg6[%run_scoped3A_407, %dma_start3A_613, %dma_start3A_614] : memref<8x50x64xf32, #tpu.memory_space<vmem>> -> memref<1x50x64xf32, #tpu.memory_space<vmem>>
        %dma_start3A_616 = tpu.memref_squeeze %dma_start3A_615 : memref<1x50x64xf32, #tpu.memory_space<vmem>> -> memref<50x64xf32, #tpu.memory_space<vmem>>
        %dma_start3A_617 = arith.constant 0 : i32
        %dma_start3A_618 = arith.constant 0 : i32
        %dma_start3A_619 = tpu.memref_slice %arg4[%add3A_406, %dma_start3A_617, %dma_start3A_618] : memref<16384x56x128xf32, #tpu.memory_space<hbm>> -> memref<1x50x64xf32, #tpu.memory_space<hbm>>
        %dma_start3A_620 = tpu.memref_squeeze %dma_start3A_619 : memref<1x50x64xf32, #tpu.memory_space<hbm>> -> memref<50x64xf32, #tpu.memory_space<hbm>>
        %dma_start3A_621 = arith.constant 0 : i32
        %dma_start3A_622 = arith.constant 0 : i32
        %dma_start3A_623 = tpu.memref_slice %arg4[%add3A_406, %dma_start3A_621, %dma_start3A_622] : memref<16384x56x128xf32, #tpu.memory_space<hbm>> -> memref<1x50x64xf32, #tpu.memory_space<hbm>>
        %dma_start3A_624 = tpu.memref_squeeze %dma_start3A_623 : memref<1x50x64xf32, #tpu.memory_space<hbm>> -> memref<50x64xf32, #tpu.memory_space<hbm>>
        %dma_start3A_625 = arith.constant 0 : i32
        %dma_start3A_626 = arith.constant 0 : i32
        %dma_start3A_627 = tpu.memref_slice %arg6[%run_scoped3A_407, %dma_start3A_625, %dma_start3A_626] : memref<8x50x64xf32, #tpu.memory_space<vmem>> -> memref<1x50x64xf32, #tpu.memory_space<vmem>>
        %dma_start3A_628 = tpu.memref_squeeze %dma_start3A_627 : memref<1x50x64xf32, #tpu.memory_space<vmem>> -> memref<50x64xf32, #tpu.memory_space<vmem>>
        tpu.enqueue_dma source(%dma_start3A_628 : memref<50x64xf32, #tpu.memory_space<vmem>>) target(%dma_start3A_624 : memref<50x64xf32, #tpu.memory_space<hbm>>) target_semaphore(%run_scoped3A_612 : memref<!tpu.dma_semaphore, #tpu.memory_space<semaphore_mem>>)
        %dma_wait3A_629 = arith.constant 0 : i32
        %dma_wait3A_630 = arith.constant 0 : i32
        %dma_wait3A_631 = tpu.memref_slice %arg6[%run_scoped3A_407, %dma_wait3A_629, %dma_wait3A_630] : memref<8x50x64xf32, #tpu.memory_space<vmem>> -> memref<1x50x64xf32, #tpu.memory_space<vmem>>
        %dma_wait3A_632 = tpu.memref_squeeze %dma_wait3A_631 : memref<1x50x64xf32, #tpu.memory_space<vmem>> -> memref<50x64xf32, #tpu.memory_space<vmem>>
        %dma_wait3A_633 = arith.constant 0 : i32
        %dma_wait3A_634 = arith.constant 0 : i32
        %dma_wait3A_635 = tpu.memref_slice %arg4[%add3A_406, %dma_wait3A_633, %dma_wait3A_634] : memref<16384x56x128xf32, #tpu.memory_space<hbm>> -> memref<1x50x64xf32, #tpu.memory_space<hbm>>
        %dma_wait3A_636 = tpu.memref_squeeze %dma_wait3A_635 : memref<1x50x64xf32, #tpu.memory_space<hbm>> -> memref<50x64xf32, #tpu.memory_space<hbm>>
        %dma_wait3A_637 = arith.constant 0 : i32
        %dma_wait3A_638 = arith.constant 0 : i32
        %dma_wait3A_639 = tpu.memref_slice %arg4[%add3A_406, %dma_wait3A_637, %dma_wait3A_638] : memref<16384x56x128xf32, #tpu.memory_space<hbm>> -> memref<1x50x64xf32, #tpu.memory_space<hbm>>
        %dma_wait3A_640 = tpu.memref_squeeze %dma_wait3A_639 : memref<1x50x64xf32, #tpu.memory_space<hbm>> -> memref<50x64xf32, #tpu.memory_space<hbm>>
        %dma_wait3A_641 = arith.constant 0 : i32
        %dma_wait3A_642 = arith.constant 0 : i32
        %dma_wait3A_643 = tpu.memref_slice %arg6[%run_scoped3A_407, %dma_wait3A_641, %dma_wait3A_642] : memref<8x50x64xf32, #tpu.memory_space<vmem>> -> memref<1x50x64xf32, #tpu.memory_space<vmem>>
        %dma_wait3A_644 = tpu.memref_squeeze %dma_wait3A_643 : memref<1x50x64xf32, #tpu.memory_space<vmem>> -> memref<50x64xf32, #tpu.memory_space<vmem>>
        tpu.wait_dma2 semaphore(%run_scoped3A_612 : memref<!tpu.dma_semaphore, #tpu.memory_space<semaphore_mem>>) src(%dma_wait3A_644 : memref<50x64xf32, #tpu.memory_space<vmem>>) dst(%dma_wait3A_640 : memref<50x64xf32, #tpu.memory_space<hbm>>)
        tpu.yield
      }) : () -> ()
      %add3A_408 = arith.constant 1 : i32
      %add3A_409 = arith.addi %scan3A_103, %add3A_408 : i32
      %lt3A = arith.constant 32 : i32
      %lt3A_410 = arith.cmpi slt, %add3A_409, %lt3A : i32
      %convert_element_type3A = arith.extui %lt3A_410 : i1 to i32
      %cond3A = arith.constant 0 : i32
      %cond3A_411 = arith.cmpi ne, %convert_element_type3A, %cond3A : i32
      scf.if %cond3A_411 {
        %add3A_612 = arith.constant 2 : i32
        %add3A_613 = arith.addi %mul3A_105, %add3A_612 : i32
        %mul3A_614 = arith.constant 8 : i32
        %mul3A_615 = arith.muli %add3A_613, %mul3A_614 : i32
        %add3A_616 = arith.constant 0 : i32
        %add3A_617 = arith.addi %mul3A_615, %add3A_616 : i32
        %dma_start3A_618 = arith.constant 0 : i32
        %dma_start3A_619 = arith.constant 0 : i32
        %dma_start3A_620 = arith.constant 0 : i32
        %dma_start3A_621 = tpu.memref_slice %arg6[%dma_start3A_618, %dma_start3A_619, %dma_start3A_620] : memref<8x50x64xf32, #tpu.memory_space<vmem>> -> memref<1x50x64xf32, #tpu.memory_space<vmem>>
        %dma_start3A_622 = tpu.memref_squeeze %dma_start3A_621 : memref<1x50x64xf32, #tpu.memory_space<vmem>> -> memref<50x64xf32, #tpu.memory_space<vmem>>
        %dma_start3A_623 = arith.constant 0 : i32
        %dma_start3A_624 = tpu.memref_slice %arg5[%add3A_617, %dma_start3A_623] : memref<512x50xi32, #tpu.memory_space<vmem>> -> memref<1x50xi32, #tpu.memory_space<vmem>>
        %dma_start3A_625 = tpu.memref_squeeze %dma_start3A_624 : memref<1x50xi32, #tpu.memory_space<vmem>> -> memref<50xi32, #tpu.memory_space<vmem>>
        %dma_start3A_626 = arith.constant 0 : i32
        %dma_start3A_627 = arith.constant 0 : i32
        %dma_start3A_628 = tpu.memref_slice %arg3[%dma_start3A_626, %dma_start3A_627] : memref<2000000x64xf32, #tpu.memory_space<hbm>> -> memref<2000000x64xf32, #tpu.memory_space<hbm>>
        tpu.enqueue_indirect_dma source(%dma_start3A_628 : memref<2000000x64xf32, #tpu.memory_space<hbm>>) target(%dma_start3A_622 : memref<50x64xf32, #tpu.memory_space<vmem>>) offsets(%dma_start3A_625 : memref<50xi32, #tpu.memory_space<vmem>>) semaphore(%arg8 : memref<!tpu.dma_semaphore, #tpu.memory_space<semaphore_mem>>)
        %add3A_629 = arith.constant 2 : i32
        %add3A_630 = arith.addi %mul3A_105, %add3A_629 : i32
        %mul3A_631 = arith.constant 8 : i32
        %mul3A_632 = arith.muli %add3A_630, %mul3A_631 : i32
        %add3A_633 = arith.constant 1 : i32
        %add3A_634 = arith.addi %mul3A_632, %add3A_633 : i32
        %dma_start3A_635 = arith.constant 1 : i32
        %dma_start3A_636 = arith.constant 0 : i32
        %dma_start3A_637 = arith.constant 0 : i32
        %dma_start3A_638 = tpu.memref_slice %arg6[%dma_start3A_635, %dma_start3A_636, %dma_start3A_637] : memref<8x50x64xf32, #tpu.memory_space<vmem>> -> memref<1x50x64xf32, #tpu.memory_space<vmem>>
        %dma_start3A_639 = tpu.memref_squeeze %dma_start3A_638 : memref<1x50x64xf32, #tpu.memory_space<vmem>> -> memref<50x64xf32, #tpu.memory_space<vmem>>
        %dma_start3A_640 = arith.constant 0 : i32
        %dma_start3A_641 = tpu.memref_slice %arg5[%add3A_634, %dma_start3A_640] : memref<512x50xi32, #tpu.memory_space<vmem>> -> memref<1x50xi32, #tpu.memory_space<vmem>>
        %dma_start3A_642 = tpu.memref_squeeze %dma_start3A_641 : memref<1x50xi32, #tpu.memory_space<vmem>> -> memref<50xi32, #tpu.memory_space<vmem>>
        %dma_start3A_643 = arith.constant 0 : i32
        %dma_start3A_644 = arith.constant 0 : i32
        %dma_start3A_645 = tpu.memref_slice %arg3[%dma_start3A_643, %dma_start3A_644] : memref<2000000x64xf32, #tpu.memory_space<hbm>> -> memref<2000000x64xf32, #tpu.memory_space<hbm>>
        tpu.enqueue_indirect_dma source(%dma_start3A_645 : memref<2000000x64xf32, #tpu.memory_space<hbm>>) target(%dma_start3A_639 : memref<50x64xf32, #tpu.memory_space<vmem>>) offsets(%dma_start3A_642 : memref<50xi32, #tpu.memory_space<vmem>>) semaphore(%arg8 : memref<!tpu.dma_semaphore, #tpu.memory_space<semaphore_mem>>)
        %add3A_646 = arith.constant 2 : i32
        %add3A_647 = arith.addi %mul3A_105, %add3A_646 : i32
        %mul3A_648 = arith.constant 8 : i32
        %mul3A_649 = arith.muli %add3A_647, %mul3A_648 : i32
        %add3A_650 = arith.constant 2 : i32
        %add3A_651 = arith.addi %mul3A_649, %add3A_650 : i32
        %dma_start3A_652 = arith.constant 2 : i32
        %dma_start3A_653 = arith.constant 0 : i32
        %dma_start3A_654 = arith.constant 0 : i32
        %dma_start3A_655 = tpu.memref_slice %arg6[%dma_start3A_652, %dma_start3A_653, %dma_start3A_654] : memref<8x50x64xf32, #tpu.memory_space<vmem>> -> memref<1x50x64xf32, #tpu.memory_space<vmem>>
        %dma_start3A_656 = tpu.memref_squeeze %dma_start3A_655 : memref<1x50x64xf32, #tpu.memory_space<vmem>> -> memref<50x64xf32, #tpu.memory_space<vmem>>
        %dma_start3A_657 = arith.constant 0 : i32
        %dma_start3A_658 = tpu.memref_slice %arg5[%add3A_651, %dma_start3A_657] : memref<512x50xi32, #tpu.memory_space<vmem>> -> memref<1x50xi32, #tpu.memory_space<vmem>>
        %dma_start3A_659 = tpu.memref_squeeze %dma_start3A_658 : memref<1x50xi32, #tpu.memory_space<vmem>> -> memref<50xi32, #tpu.memory_space<vmem>>
        %dma_start3A_660 = arith.constant 0 : i32
        %dma_start3A_661 = arith.constant 0 : i32
        %dma_start3A_662 = tpu.memref_slice %arg3[%dma_start3A_660, %dma_start3A_661] : memref<2000000x64xf32, #tpu.memory_space<hbm>> -> memref<2000000x64xf32, #tpu.memory_space<hbm>>
        tpu.enqueue_indirect_dma source(%dma_start3A_662 : memref<2000000x64xf32, #tpu.memory_space<hbm>>) target(%dma_start3A_656 : memref<50x64xf32, #tpu.memory_space<vmem>>) offsets(%dma_start3A_659 : memref<50xi32, #tpu.memory_space<vmem>>) semaphore(%arg8 : memref<!tpu.dma_semaphore, #tpu.memory_space<semaphore_mem>>)
        %add3A_663 = arith.constant 2 : i32
        %add3A_664 = arith.addi %mul3A_105, %add3A_663 : i32
        %mul3A_665 = arith.constant 8 : i32
        %mul3A_666 = arith.muli %add3A_664, %mul3A_665 : i32
        %add3A_667 = arith.constant 3 : i32
        %add3A_668 = arith.addi %mul3A_666, %add3A_667 : i32
        %dma_start3A_669 = arith.constant 3 : i32
        %dma_start3A_670 = arith.constant 0 : i32
        %dma_start3A_671 = arith.constant 0 : i32
        %dma_start3A_672 = tpu.memref_slice %arg6[%dma_start3A_669, %dma_start3A_670, %dma_start3A_671] : memref<8x50x64xf32, #tpu.memory_space<vmem>> -> memref<1x50x64xf32, #tpu.memory_space<vmem>>
        %dma_start3A_673 = tpu.memref_squeeze %dma_start3A_672 : memref<1x50x64xf32, #tpu.memory_space<vmem>> -> memref<50x64xf32, #tpu.memory_space<vmem>>
        %dma_start3A_674 = arith.constant 0 : i32
        %dma_start3A_675 = tpu.memref_slice %arg5[%add3A_668, %dma_start3A_674] : memref<512x50xi32, #tpu.memory_space<vmem>> -> memref<1x50xi32, #tpu.memory_space<vmem>>
        %dma_start3A_676 = tpu.memref_squeeze %dma_start3A_675 : memref<1x50xi32, #tpu.memory_space<vmem>> -> memref<50xi32, #tpu.memory_space<vmem>>
        %dma_start3A_677 = arith.constant 0 : i32
        %dma_start3A_678 = arith.constant 0 : i32
        %dma_start3A_679 = tpu.memref_slice %arg3[%dma_start3A_677, %dma_start3A_678] : memref<2000000x64xf32, #tpu.memory_space<hbm>> -> memref<2000000x64xf32, #tpu.memory_space<hbm>>
        tpu.enqueue_indirect_dma source(%dma_start3A_679 : memref<2000000x64xf32, #tpu.memory_space<hbm>>) target(%dma_start3A_673 : memref<50x64xf32, #tpu.memory_space<vmem>>) offsets(%dma_start3A_676 : memref<50xi32, #tpu.memory_space<vmem>>) semaphore(%arg8 : memref<!tpu.dma_semaphore, #tpu.memory_space<semaphore_mem>>)
        %add3A_680 = arith.constant 2 : i32
        %add3A_681 = arith.addi %mul3A_105, %add3A_680 : i32
        %mul3A_682 = arith.constant 8 : i32
        %mul3A_683 = arith.muli %add3A_681, %mul3A_682 : i32
        %add3A_684 = arith.constant 4 : i32
        %add3A_685 = arith.addi %mul3A_683, %add3A_684 : i32
        %dma_start3A_686 = arith.constant 4 : i32
        %dma_start3A_687 = arith.constant 0 : i32
        %dma_start3A_688 = arith.constant 0 : i32
        %dma_start3A_689 = tpu.memref_slice %arg6[%dma_start3A_686, %dma_start3A_687, %dma_start3A_688] : memref<8x50x64xf32, #tpu.memory_space<vmem>> -> memref<1x50x64xf32, #tpu.memory_space<vmem>>
        %dma_start3A_690 = tpu.memref_squeeze %dma_start3A_689 : memref<1x50x64xf32, #tpu.memory_space<vmem>> -> memref<50x64xf32, #tpu.memory_space<vmem>>
        %dma_start3A_691 = arith.constant 0 : i32
        %dma_start3A_692 = tpu.memref_slice %arg5[%add3A_685, %dma_start3A_691] : memref<512x50xi32, #tpu.memory_space<vmem>> -> memref<1x50xi32, #tpu.memory_space<vmem>>
        %dma_start3A_693 = tpu.memref_squeeze %dma_start3A_692 : memref<1x50xi32, #tpu.memory_space<vmem>> -> memref<50xi32, #tpu.memory_space<vmem>>
        %dma_start3A_694 = arith.constant 0 : i32
        %dma_start3A_695 = arith.constant 0 : i32
        %dma_start3A_696 = tpu.memref_slice %arg3[%dma_start3A_694, %dma_start3A_695] : memref<2000000x64xf32, #tpu.memory_space<hbm>> -> memref<2000000x64xf32, #tpu.memory_space<hbm>>
        tpu.enqueue_indirect_dma source(%dma_start3A_696 : memref<2000000x64xf32, #tpu.memory_space<hbm>>) target(%dma_start3A_690 : memref<50x64xf32, #tpu.memory_space<vmem>>) offsets(%dma_start3A_693 : memref<50xi32, #tpu.memory_space<vmem>>) semaphore(%arg8 : memref<!tpu.dma_semaphore, #tpu.memory_space<semaphore_mem>>)
        %add3A_697 = arith.constant 2 : i32
        %add3A_698 = arith.addi %mul3A_105, %add3A_697 : i32
        %mul3A_699 = arith.constant 8 : i32
        %mul3A_700 = arith.muli %add3A_698, %mul3A_699 : i32
        %add3A_701 = arith.constant 5 : i32
        %add3A_702 = arith.addi %mul3A_700, %add3A_701 : i32
        %dma_start3A_703 = arith.constant 5 : i32
        %dma_start3A_704 = arith.constant 0 : i32
        %dma_start3A_705 = arith.constant 0 : i32
        %dma_start3A_706 = tpu.memref_slice %arg6[%dma_start3A_703, %dma_start3A_704, %dma_start3A_705] : memref<8x50x64xf32, #tpu.memory_space<vmem>> -> memref<1x50x64xf32, #tpu.memory_space<vmem>>
        %dma_start3A_707 = tpu.memref_squeeze %dma_start3A_706 : memref<1x50x64xf32, #tpu.memory_space<vmem>> -> memref<50x64xf32, #tpu.memory_space<vmem>>
        %dma_start3A_708 = arith.constant 0 : i32
        %dma_start3A_709 = tpu.memref_slice %arg5[%add3A_702, %dma_start3A_708] : memref<512x50xi32, #tpu.memory_space<vmem>> -> memref<1x50xi32, #tpu.memory_space<vmem>>
        %dma_start3A_710 = tpu.memref_squeeze %dma_start3A_709 : memref<1x50xi32, #tpu.memory_space<vmem>> -> memref<50xi32, #tpu.memory_space<vmem>>
        %dma_start3A_711 = arith.constant 0 : i32
        %dma_start3A_712 = arith.constant 0 : i32
        %dma_start3A_713 = tpu.memref_slice %arg3[%dma_start3A_711, %dma_start3A_712] : memref<2000000x64xf32, #tpu.memory_space<hbm>> -> memref<2000000x64xf32, #tpu.memory_space<hbm>>
        tpu.enqueue_indirect_dma source(%dma_start3A_713 : memref<2000000x64xf32, #tpu.memory_space<hbm>>) target(%dma_start3A_707 : memref<50x64xf32, #tpu.memory_space<vmem>>) offsets(%dma_start3A_710 : memref<50xi32, #tpu.memory_space<vmem>>) semaphore(%arg8 : memref<!tpu.dma_semaphore, #tpu.memory_space<semaphore_mem>>)
        %add3A_714 = arith.constant 2 : i32
        %add3A_715 = arith.addi %mul3A_105, %add3A_714 : i32
        %mul3A_716 = arith.constant 8 : i32
        %mul3A_717 = arith.muli %add3A_715, %mul3A_716 : i32
        %add3A_718 = arith.constant 6 : i32
        %add3A_719 = arith.addi %mul3A_717, %add3A_718 : i32
        %dma_start3A_720 = arith.constant 6 : i32
        %dma_start3A_721 = arith.constant 0 : i32
        %dma_start3A_722 = arith.constant 0 : i32
        %dma_start3A_723 = tpu.memref_slice %arg6[%dma_start3A_720, %dma_start3A_721, %dma_start3A_722] : memref<8x50x64xf32, #tpu.memory_space<vmem>> -> memref<1x50x64xf32, #tpu.memory_space<vmem>>
        %dma_start3A_724 = tpu.memref_squeeze %dma_start3A_723 : memref<1x50x64xf32, #tpu.memory_space<vmem>> -> memref<50x64xf32, #tpu.memory_space<vmem>>
        %dma_start3A_725 = arith.constant 0 : i32
        %dma_start3A_726 = tpu.memref_slice %arg5[%add3A_719, %dma_start3A_725] : memref<512x50xi32, #tpu.memory_space<vmem>> -> memref<1x50xi32, #tpu.memory_space<vmem>>
        %dma_start3A_727 = tpu.memref_squeeze %dma_start3A_726 : memref<1x50xi32, #tpu.memory_space<vmem>> -> memref<50xi32, #tpu.memory_space<vmem>>
        %dma_start3A_728 = arith.constant 0 : i32
        %dma_start3A_729 = arith.constant 0 : i32
        %dma_start3A_730 = tpu.memref_slice %arg3[%dma_start3A_728, %dma_start3A_729] : memref<2000000x64xf32, #tpu.memory_space<hbm>> -> memref<2000000x64xf32, #tpu.memory_space<hbm>>
        tpu.enqueue_indirect_dma source(%dma_start3A_730 : memref<2000000x64xf32, #tpu.memory_space<hbm>>) target(%dma_start3A_724 : memref<50x64xf32, #tpu.memory_space<vmem>>) offsets(%dma_start3A_727 : memref<50xi32, #tpu.memory_space<vmem>>) semaphore(%arg8 : memref<!tpu.dma_semaphore, #tpu.memory_space<semaphore_mem>>)
        %add3A_731 = arith.constant 2 : i32
        %add3A_732 = arith.addi %mul3A_105, %add3A_731 : i32
        %mul3A_733 = arith.constant 8 : i32
        %mul3A_734 = arith.muli %add3A_732, %mul3A_733 : i32
        %add3A_735 = arith.constant 7 : i32
        %add3A_736 = arith.addi %mul3A_734, %add3A_735 : i32
        %dma_start3A_737 = arith.constant 7 : i32
        %dma_start3A_738 = arith.constant 0 : i32
        %dma_start3A_739 = arith.constant 0 : i32
        %dma_start3A_740 = tpu.memref_slice %arg6[%dma_start3A_737, %dma_start3A_738, %dma_start3A_739] : memref<8x50x64xf32, #tpu.memory_space<vmem>> -> memref<1x50x64xf32, #tpu.memory_space<vmem>>
        %dma_start3A_741 = tpu.memref_squeeze %dma_start3A_740 : memref<1x50x64xf32, #tpu.memory_space<vmem>> -> memref<50x64xf32, #tpu.memory_space<vmem>>
        %dma_start3A_742 = arith.constant 0 : i32
        %dma_start3A_743 = tpu.memref_slice %arg5[%add3A_736, %dma_start3A_742] : memref<512x50xi32, #tpu.memory_space<vmem>> -> memref<1x50xi32, #tpu.memory_space<vmem>>
        %dma_start3A_744 = tpu.memref_squeeze %dma_start3A_743 : memref<1x50xi32, #tpu.memory_space<vmem>> -> memref<50xi32, #tpu.memory_space<vmem>>
        %dma_start3A_745 = arith.constant 0 : i32
        %dma_start3A_746 = arith.constant 0 : i32
        %dma_start3A_747 = tpu.memref_slice %arg3[%dma_start3A_745, %dma_start3A_746] : memref<2000000x64xf32, #tpu.memory_space<hbm>> -> memref<2000000x64xf32, #tpu.memory_space<hbm>>
        tpu.enqueue_indirect_dma source(%dma_start3A_747 : memref<2000000x64xf32, #tpu.memory_space<hbm>>) target(%dma_start3A_741 : memref<50x64xf32, #tpu.memory_space<vmem>>) offsets(%dma_start3A_744 : memref<50xi32, #tpu.memory_space<vmem>>) semaphore(%arg8 : memref<!tpu.dma_semaphore, #tpu.memory_space<semaphore_mem>>)
      } else {
      }
      %add3A_412 = arith.constant 1 : i32
      %add3A_413 = arith.addi %mul3A_105, %add3A_412 : i32
      %mul3A_414 = arith.constant 8 : i32
      %mul3A_415 = arith.muli %add3A_413, %mul3A_414 : i32
      %add3A_416 = arith.constant 0 : i32
      %add3A_417 = arith.addi %mul3A_415, %add3A_416 : i32
      %dma_wait3A_418 = arith.constant 0 : i32
      %dma_wait3A_419 = arith.constant 0 : i32
      %dma_wait3A_420 = arith.constant 0 : i32
      %dma_wait3A_421 = tpu.memref_slice %arg7[%dma_wait3A_418, %dma_wait3A_419, %dma_wait3A_420] : memref<8x50x64xf32, #tpu.memory_space<vmem>> -> memref<1x50x64xf32, #tpu.memory_space<vmem>>
      %dma_wait3A_422 = tpu.memref_squeeze %dma_wait3A_421 : memref<1x50x64xf32, #tpu.memory_space<vmem>> -> memref<50x64xf32, #tpu.memory_space<vmem>>
      %dma_wait3A_423 = arith.constant 0 : i32
      %dma_wait3A_424 = tpu.memref_slice %arg5[%add3A_417, %dma_wait3A_423] : memref<512x50xi32, #tpu.memory_space<vmem>> -> memref<1x50xi32, #tpu.memory_space<vmem>>
      %dma_wait3A_425 = tpu.memref_squeeze %dma_wait3A_424 : memref<1x50xi32, #tpu.memory_space<vmem>> -> memref<50xi32, #tpu.memory_space<vmem>>
      %dma_wait3A_426 = arith.constant 0 : i32
      %dma_wait3A_427 = arith.constant 0 : i32
      %dma_wait3A_428 = tpu.memref_slice %arg3[%dma_wait3A_426, %dma_wait3A_427] : memref<2000000x64xf32, #tpu.memory_space<hbm>> -> memref<2000000x64xf32, #tpu.memory_space<hbm>>
      tpu.wait_indirect_dma semaphore(%arg9 : memref<!tpu.dma_semaphore, #tpu.memory_space<semaphore_mem>>) src(%dma_wait3A_428 : memref<2000000x64xf32, #tpu.memory_space<hbm>>) dst(%dma_wait3A_422 : memref<50x64xf32, #tpu.memory_space<vmem>>)
      %add3A_429 = arith.constant 1 : i32
      %add3A_430 = arith.addi %mul3A_105, %add3A_429 : i32
      %mul3A_431 = arith.constant 8 : i32
      %mul3A_432 = arith.muli %add3A_430, %mul3A_431 : i32
      %add3A_433 = arith.addi %mul3A_2, %mul3A_432 : i32
      %add3A_434 = arith.constant 0 : i32
      %add3A_435 = arith.addi %add3A_433, %add3A_434 : i32
      %run_scoped3A_436 = arith.constant 0 : i32
      "tpu.region"() ({
        %run_scoped3A_612 = tpu.sem_alloc : memref<!tpu.dma_semaphore, #tpu.memory_space<semaphore_mem>>
        %dma_start3A_613 = arith.constant 0 : i32
        %dma_start3A_614 = arith.constant 0 : i32
        %dma_start3A_615 = tpu.memref_slice %arg7[%run_scoped3A_436, %dma_start3A_613, %dma_start3A_614] : memref<8x50x64xf32, #tpu.memory_space<vmem>> -> memref<1x50x64xf32, #tpu.memory_space<vmem>>
        %dma_start3A_616 = tpu.memref_squeeze %dma_start3A_615 : memref<1x50x64xf32, #tpu.memory_space<vmem>> -> memref<50x64xf32, #tpu.memory_space<vmem>>
        %dma_start3A_617 = arith.constant 0 : i32
        %dma_start3A_618 = arith.constant 0 : i32
        %dma_start3A_619 = tpu.memref_slice %arg4[%add3A_435, %dma_start3A_617, %dma_start3A_618] : memref<16384x56x128xf32, #tpu.memory_space<hbm>> -> memref<1x50x64xf32, #tpu.memory_space<hbm>>
        %dma_start3A_620 = tpu.memref_squeeze %dma_start3A_619 : memref<1x50x64xf32, #tpu.memory_space<hbm>> -> memref<50x64xf32, #tpu.memory_space<hbm>>
        %dma_start3A_621 = arith.constant 0 : i32
        %dma_start3A_622 = arith.constant 0 : i32
        %dma_start3A_623 = tpu.memref_slice %arg4[%add3A_435, %dma_start3A_621, %dma_start3A_622] : memref<16384x56x128xf32, #tpu.memory_space<hbm>> -> memref<1x50x64xf32, #tpu.memory_space<hbm>>
        %dma_start3A_624 = tpu.memref_squeeze %dma_start3A_623 : memref<1x50x64xf32, #tpu.memory_space<hbm>> -> memref<50x64xf32, #tpu.memory_space<hbm>>
        %dma_start3A_625 = arith.constant 0 : i32
        %dma_start3A_626 = arith.constant 0 : i32
        %dma_start3A_627 = tpu.memref_slice %arg7[%run_scoped3A_436, %dma_start3A_625, %dma_start3A_626] : memref<8x50x64xf32, #tpu.memory_space<vmem>> -> memref<1x50x64xf32, #tpu.memory_space<vmem>>
        %dma_start3A_628 = tpu.memref_squeeze %dma_start3A_627 : memref<1x50x64xf32, #tpu.memory_space<vmem>> -> memref<50x64xf32, #tpu.memory_space<vmem>>
        tpu.enqueue_dma source(%dma_start3A_628 : memref<50x64xf32, #tpu.memory_space<vmem>>) target(%dma_start3A_624 : memref<50x64xf32, #tpu.memory_space<hbm>>) target_semaphore(%run_scoped3A_612 : memref<!tpu.dma_semaphore, #tpu.memory_space<semaphore_mem>>)
        %dma_wait3A_629 = arith.constant 0 : i32
        %dma_wait3A_630 = arith.constant 0 : i32
        %dma_wait3A_631 = tpu.memref_slice %arg7[%run_scoped3A_436, %dma_wait3A_629, %dma_wait3A_630] : memref<8x50x64xf32, #tpu.memory_space<vmem>> -> memref<1x50x64xf32, #tpu.memory_space<vmem>>
        %dma_wait3A_632 = tpu.memref_squeeze %dma_wait3A_631 : memref<1x50x64xf32, #tpu.memory_space<vmem>> -> memref<50x64xf32, #tpu.memory_space<vmem>>
        %dma_wait3A_633 = arith.constant 0 : i32
        %dma_wait3A_634 = arith.constant 0 : i32
        %dma_wait3A_635 = tpu.memref_slice %arg4[%add3A_435, %dma_wait3A_633, %dma_wait3A_634] : memref<16384x56x128xf32, #tpu.memory_space<hbm>> -> memref<1x50x64xf32, #tpu.memory_space<hbm>>
        %dma_wait3A_636 = tpu.memref_squeeze %dma_wait3A_635 : memref<1x50x64xf32, #tpu.memory_space<hbm>> -> memref<50x64xf32, #tpu.memory_space<hbm>>
        %dma_wait3A_637 = arith.constant 0 : i32
        %dma_wait3A_638 = arith.constant 0 : i32
        %dma_wait3A_639 = tpu.memref_slice %arg4[%add3A_435, %dma_wait3A_637, %dma_wait3A_638] : memref<16384x56x128xf32, #tpu.memory_space<hbm>> -> memref<1x50x64xf32, #tpu.memory_space<hbm>>
        %dma_wait3A_640 = tpu.memref_squeeze %dma_wait3A_639 : memref<1x50x64xf32, #tpu.memory_space<hbm>> -> memref<50x64xf32, #tpu.memory_space<hbm>>
        %dma_wait3A_641 = arith.constant 0 : i32
        %dma_wait3A_642 = arith.constant 0 : i32
        %dma_wait3A_643 = tpu.memref_slice %arg7[%run_scoped3A_436, %dma_wait3A_641, %dma_wait3A_642] : memref<8x50x64xf32, #tpu.memory_space<vmem>> -> memref<1x50x64xf32, #tpu.memory_space<vmem>>
        %dma_wait3A_644 = tpu.memref_squeeze %dma_wait3A_643 : memref<1x50x64xf32, #tpu.memory_space<vmem>> -> memref<50x64xf32, #tpu.memory_space<vmem>>
        tpu.wait_dma2 semaphore(%run_scoped3A_612 : memref<!tpu.dma_semaphore, #tpu.memory_space<semaphore_mem>>) src(%dma_wait3A_644 : memref<50x64xf32, #tpu.memory_space<vmem>>) dst(%dma_wait3A_640 : memref<50x64xf32, #tpu.memory_space<hbm>>)
        tpu.yield
      }) : () -> ()
      %add3A_437 = arith.constant 1 : i32
      %add3A_438 = arith.addi %mul3A_105, %add3A_437 : i32
      %mul3A_439 = arith.constant 8 : i32
      %mul3A_440 = arith.muli %add3A_438, %mul3A_439 : i32
      %add3A_441 = arith.constant 1 : i32
      %add3A_442 = arith.addi %mul3A_440, %add3A_441 : i32
      %dma_wait3A_443 = arith.constant 1 : i32
      %dma_wait3A_444 = arith.constant 0 : i32
      %dma_wait3A_445 = arith.constant 0 : i32
      %dma_wait3A_446 = tpu.memref_slice %arg7[%dma_wait3A_443, %dma_wait3A_444, %dma_wait3A_445] : memref<8x50x64xf32, #tpu.memory_space<vmem>> -> memref<1x50x64xf32, #tpu.memory_space<vmem>>
      %dma_wait3A_447 = tpu.memref_squeeze %dma_wait3A_446 : memref<1x50x64xf32, #tpu.memory_space<vmem>> -> memref<50x64xf32, #tpu.memory_space<vmem>>
      %dma_wait3A_448 = arith.constant 0 : i32
      %dma_wait3A_449 = tpu.memref_slice %arg5[%add3A_442, %dma_wait3A_448] : memref<512x50xi32, #tpu.memory_space<vmem>> -> memref<1x50xi32, #tpu.memory_space<vmem>>
      %dma_wait3A_450 = tpu.memref_squeeze %dma_wait3A_449 : memref<1x50xi32, #tpu.memory_space<vmem>> -> memref<50xi32, #tpu.memory_space<vmem>>
      %dma_wait3A_451 = arith.constant 0 : i32
      %dma_wait3A_452 = arith.constant 0 : i32
      %dma_wait3A_453 = tpu.memref_slice %arg3[%dma_wait3A_451, %dma_wait3A_452] : memref<2000000x64xf32, #tpu.memory_space<hbm>> -> memref<2000000x64xf32, #tpu.memory_space<hbm>>
      tpu.wait_indirect_dma semaphore(%arg9 : memref<!tpu.dma_semaphore, #tpu.memory_space<semaphore_mem>>) src(%dma_wait3A_453 : memref<2000000x64xf32, #tpu.memory_space<hbm>>) dst(%dma_wait3A_447 : memref<50x64xf32, #tpu.memory_space<vmem>>)
      %add3A_454 = arith.constant 1 : i32
      %add3A_455 = arith.addi %mul3A_105, %add3A_454 : i32
      %mul3A_456 = arith.constant 8 : i32
      %mul3A_457 = arith.muli %add3A_455, %mul3A_456 : i32
      %add3A_458 = arith.addi %mul3A_2, %mul3A_457 : i32
      %add3A_459 = arith.constant 1 : i32
      %add3A_460 = arith.addi %add3A_458, %add3A_459 : i32
      %run_scoped3A_461 = arith.constant 1 : i32
      "tpu.region"() ({
        %run_scoped3A_612 = tpu.sem_alloc : memref<!tpu.dma_semaphore, #tpu.memory_space<semaphore_mem>>
        %dma_start3A_613 = arith.constant 0 : i32
        %dma_start3A_614 = arith.constant 0 : i32
        %dma_start3A_615 = tpu.memref_slice %arg7[%run_scoped3A_461, %dma_start3A_613, %dma_start3A_614] : memref<8x50x64xf32, #tpu.memory_space<vmem>> -> memref<1x50x64xf32, #tpu.memory_space<vmem>>
        %dma_start3A_616 = tpu.memref_squeeze %dma_start3A_615 : memref<1x50x64xf32, #tpu.memory_space<vmem>> -> memref<50x64xf32, #tpu.memory_space<vmem>>
        %dma_start3A_617 = arith.constant 0 : i32
        %dma_start3A_618 = arith.constant 0 : i32
        %dma_start3A_619 = tpu.memref_slice %arg4[%add3A_460, %dma_start3A_617, %dma_start3A_618] : memref<16384x56x128xf32, #tpu.memory_space<hbm>> -> memref<1x50x64xf32, #tpu.memory_space<hbm>>
        %dma_start3A_620 = tpu.memref_squeeze %dma_start3A_619 : memref<1x50x64xf32, #tpu.memory_space<hbm>> -> memref<50x64xf32, #tpu.memory_space<hbm>>
        %dma_start3A_621 = arith.constant 0 : i32
        %dma_start3A_622 = arith.constant 0 : i32
        %dma_start3A_623 = tpu.memref_slice %arg4[%add3A_460, %dma_start3A_621, %dma_start3A_622] : memref<16384x56x128xf32, #tpu.memory_space<hbm>> -> memref<1x50x64xf32, #tpu.memory_space<hbm>>
        %dma_start3A_624 = tpu.memref_squeeze %dma_start3A_623 : memref<1x50x64xf32, #tpu.memory_space<hbm>> -> memref<50x64xf32, #tpu.memory_space<hbm>>
        %dma_start3A_625 = arith.constant 0 : i32
        %dma_start3A_626 = arith.constant 0 : i32
        %dma_start3A_627 = tpu.memref_slice %arg7[%run_scoped3A_461, %dma_start3A_625, %dma_start3A_626] : memref<8x50x64xf32, #tpu.memory_space<vmem>> -> memref<1x50x64xf32, #tpu.memory_space<vmem>>
        %dma_start3A_628 = tpu.memref_squeeze %dma_start3A_627 : memref<1x50x64xf32, #tpu.memory_space<vmem>> -> memref<50x64xf32, #tpu.memory_space<vmem>>
        tpu.enqueue_dma source(%dma_start3A_628 : memref<50x64xf32, #tpu.memory_space<vmem>>) target(%dma_start3A_624 : memref<50x64xf32, #tpu.memory_space<hbm>>) target_semaphore(%run_scoped3A_612 : memref<!tpu.dma_semaphore, #tpu.memory_space<semaphore_mem>>)
        %dma_wait3A_629 = arith.constant 0 : i32
        %dma_wait3A_630 = arith.constant 0 : i32
        %dma_wait3A_631 = tpu.memref_slice %arg7[%run_scoped3A_461, %dma_wait3A_629, %dma_wait3A_630] : memref<8x50x64xf32, #tpu.memory_space<vmem>> -> memref<1x50x64xf32, #tpu.memory_space<vmem>>
        %dma_wait3A_632 = tpu.memref_squeeze %dma_wait3A_631 : memref<1x50x64xf32, #tpu.memory_space<vmem>> -> memref<50x64xf32, #tpu.memory_space<vmem>>
        %dma_wait3A_633 = arith.constant 0 : i32
        %dma_wait3A_634 = arith.constant 0 : i32
        %dma_wait3A_635 = tpu.memref_slice %arg4[%add3A_460, %dma_wait3A_633, %dma_wait3A_634] : memref<16384x56x128xf32, #tpu.memory_space<hbm>> -> memref<1x50x64xf32, #tpu.memory_space<hbm>>
        %dma_wait3A_636 = tpu.memref_squeeze %dma_wait3A_635 : memref<1x50x64xf32, #tpu.memory_space<hbm>> -> memref<50x64xf32, #tpu.memory_space<hbm>>
        %dma_wait3A_637 = arith.constant 0 : i32
        %dma_wait3A_638 = arith.constant 0 : i32
        %dma_wait3A_639 = tpu.memref_slice %arg4[%add3A_460, %dma_wait3A_637, %dma_wait3A_638] : memref<16384x56x128xf32, #tpu.memory_space<hbm>> -> memref<1x50x64xf32, #tpu.memory_space<hbm>>
        %dma_wait3A_640 = tpu.memref_squeeze %dma_wait3A_639 : memref<1x50x64xf32, #tpu.memory_space<hbm>> -> memref<50x64xf32, #tpu.memory_space<hbm>>
        %dma_wait3A_641 = arith.constant 0 : i32
        %dma_wait3A_642 = arith.constant 0 : i32
        %dma_wait3A_643 = tpu.memref_slice %arg7[%run_scoped3A_461, %dma_wait3A_641, %dma_wait3A_642] : memref<8x50x64xf32, #tpu.memory_space<vmem>> -> memref<1x50x64xf32, #tpu.memory_space<vmem>>
        %dma_wait3A_644 = tpu.memref_squeeze %dma_wait3A_643 : memref<1x50x64xf32, #tpu.memory_space<vmem>> -> memref<50x64xf32, #tpu.memory_space<vmem>>
        tpu.wait_dma2 semaphore(%run_scoped3A_612 : memref<!tpu.dma_semaphore, #tpu.memory_space<semaphore_mem>>) src(%dma_wait3A_644 : memref<50x64xf32, #tpu.memory_space<vmem>>) dst(%dma_wait3A_640 : memref<50x64xf32, #tpu.memory_space<hbm>>)
        tpu.yield
      }) : () -> ()
      %add3A_462 = arith.constant 1 : i32
      %add3A_463 = arith.addi %mul3A_105, %add3A_462 : i32
      %mul3A_464 = arith.constant 8 : i32
      %mul3A_465 = arith.muli %add3A_463, %mul3A_464 : i32
      %add3A_466 = arith.constant 2 : i32
      %add3A_467 = arith.addi %mul3A_465, %add3A_466 : i32
      %dma_wait3A_468 = arith.constant 2 : i32
      %dma_wait3A_469 = arith.constant 0 : i32
      %dma_wait3A_470 = arith.constant 0 : i32
      %dma_wait3A_471 = tpu.memref_slice %arg7[%dma_wait3A_468, %dma_wait3A_469, %dma_wait3A_470] : memref<8x50x64xf32, #tpu.memory_space<vmem>> -> memref<1x50x64xf32, #tpu.memory_space<vmem>>
      %dma_wait3A_472 = tpu.memref_squeeze %dma_wait3A_471 : memref<1x50x64xf32, #tpu.memory_space<vmem>> -> memref<50x64xf32, #tpu.memory_space<vmem>>
      %dma_wait3A_473 = arith.constant 0 : i32
      %dma_wait3A_474 = tpu.memref_slice %arg5[%add3A_467, %dma_wait3A_473] : memref<512x50xi32, #tpu.memory_space<vmem>> -> memref<1x50xi32, #tpu.memory_space<vmem>>
      %dma_wait3A_475 = tpu.memref_squeeze %dma_wait3A_474 : memref<1x50xi32, #tpu.memory_space<vmem>> -> memref<50xi32, #tpu.memory_space<vmem>>
      %dma_wait3A_476 = arith.constant 0 : i32
      %dma_wait3A_477 = arith.constant 0 : i32
      %dma_wait3A_478 = tpu.memref_slice %arg3[%dma_wait3A_476, %dma_wait3A_477] : memref<2000000x64xf32, #tpu.memory_space<hbm>> -> memref<2000000x64xf32, #tpu.memory_space<hbm>>
      tpu.wait_indirect_dma semaphore(%arg9 : memref<!tpu.dma_semaphore, #tpu.memory_space<semaphore_mem>>) src(%dma_wait3A_478 : memref<2000000x64xf32, #tpu.memory_space<hbm>>) dst(%dma_wait3A_472 : memref<50x64xf32, #tpu.memory_space<vmem>>)
      %add3A_479 = arith.constant 1 : i32
      %add3A_480 = arith.addi %mul3A_105, %add3A_479 : i32
      %mul3A_481 = arith.constant 8 : i32
      %mul3A_482 = arith.muli %add3A_480, %mul3A_481 : i32
      %add3A_483 = arith.addi %mul3A_2, %mul3A_482 : i32
      %add3A_484 = arith.constant 2 : i32
      %add3A_485 = arith.addi %add3A_483, %add3A_484 : i32
      %run_scoped3A_486 = arith.constant 2 : i32
      "tpu.region"() ({
        %run_scoped3A_612 = tpu.sem_alloc : memref<!tpu.dma_semaphore, #tpu.memory_space<semaphore_mem>>
        %dma_start3A_613 = arith.constant 0 : i32
        %dma_start3A_614 = arith.constant 0 : i32
        %dma_start3A_615 = tpu.memref_slice %arg7[%run_scoped3A_486, %dma_start3A_613, %dma_start3A_614] : memref<8x50x64xf32, #tpu.memory_space<vmem>> -> memref<1x50x64xf32, #tpu.memory_space<vmem>>
        %dma_start3A_616 = tpu.memref_squeeze %dma_start3A_615 : memref<1x50x64xf32, #tpu.memory_space<vmem>> -> memref<50x64xf32, #tpu.memory_space<vmem>>
        %dma_start3A_617 = arith.constant 0 : i32
        %dma_start3A_618 = arith.constant 0 : i32
        %dma_start3A_619 = tpu.memref_slice %arg4[%add3A_485, %dma_start3A_617, %dma_start3A_618] : memref<16384x56x128xf32, #tpu.memory_space<hbm>> -> memref<1x50x64xf32, #tpu.memory_space<hbm>>
        %dma_start3A_620 = tpu.memref_squeeze %dma_start3A_619 : memref<1x50x64xf32, #tpu.memory_space<hbm>> -> memref<50x64xf32, #tpu.memory_space<hbm>>
        %dma_start3A_621 = arith.constant 0 : i32
        %dma_start3A_622 = arith.constant 0 : i32
        %dma_start3A_623 = tpu.memref_slice %arg4[%add3A_485, %dma_start3A_621, %dma_start3A_622] : memref<16384x56x128xf32, #tpu.memory_space<hbm>> -> memref<1x50x64xf32, #tpu.memory_space<hbm>>
        %dma_start3A_624 = tpu.memref_squeeze %dma_start3A_623 : memref<1x50x64xf32, #tpu.memory_space<hbm>> -> memref<50x64xf32, #tpu.memory_space<hbm>>
        %dma_start3A_625 = arith.constant 0 : i32
        %dma_start3A_626 = arith.constant 0 : i32
        %dma_start3A_627 = tpu.memref_slice %arg7[%run_scoped3A_486, %dma_start3A_625, %dma_start3A_626] : memref<8x50x64xf32, #tpu.memory_space<vmem>> -> memref<1x50x64xf32, #tpu.memory_space<vmem>>
        %dma_start3A_628 = tpu.memref_squeeze %dma_start3A_627 : memref<1x50x64xf32, #tpu.memory_space<vmem>> -> memref<50x64xf32, #tpu.memory_space<vmem>>
        tpu.enqueue_dma source(%dma_start3A_628 : memref<50x64xf32, #tpu.memory_space<vmem>>) target(%dma_start3A_624 : memref<50x64xf32, #tpu.memory_space<hbm>>) target_semaphore(%run_scoped3A_612 : memref<!tpu.dma_semaphore, #tpu.memory_space<semaphore_mem>>)
        %dma_wait3A_629 = arith.constant 0 : i32
        %dma_wait3A_630 = arith.constant 0 : i32
        %dma_wait3A_631 = tpu.memref_slice %arg7[%run_scoped3A_486, %dma_wait3A_629, %dma_wait3A_630] : memref<8x50x64xf32, #tpu.memory_space<vmem>> -> memref<1x50x64xf32, #tpu.memory_space<vmem>>
        %dma_wait3A_632 = tpu.memref_squeeze %dma_wait3A_631 : memref<1x50x64xf32, #tpu.memory_space<vmem>> -> memref<50x64xf32, #tpu.memory_space<vmem>>
        %dma_wait3A_633 = arith.constant 0 : i32
        %dma_wait3A_634 = arith.constant 0 : i32
        %dma_wait3A_635 = tpu.memref_slice %arg4[%add3A_485, %dma_wait3A_633, %dma_wait3A_634] : memref<16384x56x128xf32, #tpu.memory_space<hbm>> -> memref<1x50x64xf32, #tpu.memory_space<hbm>>
        %dma_wait3A_636 = tpu.memref_squeeze %dma_wait3A_635 : memref<1x50x64xf32, #tpu.memory_space<hbm>> -> memref<50x64xf32, #tpu.memory_space<hbm>>
        %dma_wait3A_637 = arith.constant 0 : i32
        %dma_wait3A_638 = arith.constant 0 : i32
        %dma_wait3A_639 = tpu.memref_slice %arg4[%add3A_485, %dma_wait3A_637, %dma_wait3A_638] : memref<16384x56x128xf32, #tpu.memory_space<hbm>> -> memref<1x50x64xf32, #tpu.memory_space<hbm>>
        %dma_wait3A_640 = tpu.memref_squeeze %dma_wait3A_639 : memref<1x50x64xf32, #tpu.memory_space<hbm>> -> memref<50x64xf32, #tpu.memory_space<hbm>>
        %dma_wait3A_641 = arith.constant 0 : i32
        %dma_wait3A_642 = arith.constant 0 : i32
        %dma_wait3A_643 = tpu.memref_slice %arg7[%run_scoped3A_486, %dma_wait3A_641, %dma_wait3A_642] : memref<8x50x64xf32, #tpu.memory_space<vmem>> -> memref<1x50x64xf32, #tpu.memory_space<vmem>>
        %dma_wait3A_644 = tpu.memref_squeeze %dma_wait3A_643 : memref<1x50x64xf32, #tpu.memory_space<vmem>> -> memref<50x64xf32, #tpu.memory_space<vmem>>
        tpu.wait_dma2 semaphore(%run_scoped3A_612 : memref<!tpu.dma_semaphore, #tpu.memory_space<semaphore_mem>>) src(%dma_wait3A_644 : memref<50x64xf32, #tpu.memory_space<vmem>>) dst(%dma_wait3A_640 : memref<50x64xf32, #tpu.memory_space<hbm>>)
        tpu.yield
      }) : () -> ()
      %add3A_487 = arith.constant 1 : i32
      %add3A_488 = arith.addi %mul3A_105, %add3A_487 : i32
      %mul3A_489 = arith.constant 8 : i32
      %mul3A_490 = arith.muli %add3A_488, %mul3A_489 : i32
      %add3A_491 = arith.constant 3 : i32
      %add3A_492 = arith.addi %mul3A_490, %add3A_491 : i32
      %dma_wait3A_493 = arith.constant 3 : i32
      %dma_wait3A_494 = arith.constant 0 : i32
      %dma_wait3A_495 = arith.constant 0 : i32
      %dma_wait3A_496 = tpu.memref_slice %arg7[%dma_wait3A_493, %dma_wait3A_494, %dma_wait3A_495] : memref<8x50x64xf32, #tpu.memory_space<vmem>> -> memref<1x50x64xf32, #tpu.memory_space<vmem>>
      %dma_wait3A_497 = tpu.memref_squeeze %dma_wait3A_496 : memref<1x50x64xf32, #tpu.memory_space<vmem>> -> memref<50x64xf32, #tpu.memory_space<vmem>>
      %dma_wait3A_498 = arith.constant 0 : i32
      %dma_wait3A_499 = tpu.memref_slice %arg5[%add3A_492, %dma_wait3A_498] : memref<512x50xi32, #tpu.memory_space<vmem>> -> memref<1x50xi32, #tpu.memory_space<vmem>>
      %dma_wait3A_500 = tpu.memref_squeeze %dma_wait3A_499 : memref<1x50xi32, #tpu.memory_space<vmem>> -> memref<50xi32, #tpu.memory_space<vmem>>
      %dma_wait3A_501 = arith.constant 0 : i32
      %dma_wait3A_502 = arith.constant 0 : i32
      %dma_wait3A_503 = tpu.memref_slice %arg3[%dma_wait3A_501, %dma_wait3A_502] : memref<2000000x64xf32, #tpu.memory_space<hbm>> -> memref<2000000x64xf32, #tpu.memory_space<hbm>>
      tpu.wait_indirect_dma semaphore(%arg9 : memref<!tpu.dma_semaphore, #tpu.memory_space<semaphore_mem>>) src(%dma_wait3A_503 : memref<2000000x64xf32, #tpu.memory_space<hbm>>) dst(%dma_wait3A_497 : memref<50x64xf32, #tpu.memory_space<vmem>>)
      %add3A_504 = arith.constant 1 : i32
      %add3A_505 = arith.addi %mul3A_105, %add3A_504 : i32
      %mul3A_506 = arith.constant 8 : i32
      %mul3A_507 = arith.muli %add3A_505, %mul3A_506 : i32
      %add3A_508 = arith.addi %mul3A_2, %mul3A_507 : i32
      %add3A_509 = arith.constant 3 : i32
      %add3A_510 = arith.addi %add3A_508, %add3A_509 : i32
      %run_scoped3A_511 = arith.constant 3 : i32
      "tpu.region"() ({
        %run_scoped3A_612 = tpu.sem_alloc : memref<!tpu.dma_semaphore, #tpu.memory_space<semaphore_mem>>
        %dma_start3A_613 = arith.constant 0 : i32
        %dma_start3A_614 = arith.constant 0 : i32
        %dma_start3A_615 = tpu.memref_slice %arg7[%run_scoped3A_511, %dma_start3A_613, %dma_start3A_614] : memref<8x50x64xf32, #tpu.memory_space<vmem>> -> memref<1x50x64xf32, #tpu.memory_space<vmem>>
        %dma_start3A_616 = tpu.memref_squeeze %dma_start3A_615 : memref<1x50x64xf32, #tpu.memory_space<vmem>> -> memref<50x64xf32, #tpu.memory_space<vmem>>
        %dma_start3A_617 = arith.constant 0 : i32
        %dma_start3A_618 = arith.constant 0 : i32
        %dma_start3A_619 = tpu.memref_slice %arg4[%add3A_510, %dma_start3A_617, %dma_start3A_618] : memref<16384x56x128xf32, #tpu.memory_space<hbm>> -> memref<1x50x64xf32, #tpu.memory_space<hbm>>
        %dma_start3A_620 = tpu.memref_squeeze %dma_start3A_619 : memref<1x50x64xf32, #tpu.memory_space<hbm>> -> memref<50x64xf32, #tpu.memory_space<hbm>>
        %dma_start3A_621 = arith.constant 0 : i32
        %dma_start3A_622 = arith.constant 0 : i32
        %dma_start3A_623 = tpu.memref_slice %arg4[%add3A_510, %dma_start3A_621, %dma_start3A_622] : memref<16384x56x128xf32, #tpu.memory_space<hbm>> -> memref<1x50x64xf32, #tpu.memory_space<hbm>>
        %dma_start3A_624 = tpu.memref_squeeze %dma_start3A_623 : memref<1x50x64xf32, #tpu.memory_space<hbm>> -> memref<50x64xf32, #tpu.memory_space<hbm>>
        %dma_start3A_625 = arith.constant 0 : i32
        %dma_start3A_626 = arith.constant 0 : i32
        %dma_start3A_627 = tpu.memref_slice %arg7[%run_scoped3A_511, %dma_start3A_625, %dma_start3A_626] : memref<8x50x64xf32, #tpu.memory_space<vmem>> -> memref<1x50x64xf32, #tpu.memory_space<vmem>>
        %dma_start3A_628 = tpu.memref_squeeze %dma_start3A_627 : memref<1x50x64xf32, #tpu.memory_space<vmem>> -> memref<50x64xf32, #tpu.memory_space<vmem>>
        tpu.enqueue_dma source(%dma_start3A_628 : memref<50x64xf32, #tpu.memory_space<vmem>>) target(%dma_start3A_624 : memref<50x64xf32, #tpu.memory_space<hbm>>) target_semaphore(%run_scoped3A_612 : memref<!tpu.dma_semaphore, #tpu.memory_space<semaphore_mem>>)
        %dma_wait3A_629 = arith.constant 0 : i32
        %dma_wait3A_630 = arith.constant 0 : i32
        %dma_wait3A_631 = tpu.memref_slice %arg7[%run_scoped3A_511, %dma_wait3A_629, %dma_wait3A_630] : memref<8x50x64xf32, #tpu.memory_space<vmem>> -> memref<1x50x64xf32, #tpu.memory_space<vmem>>
        %dma_wait3A_632 = tpu.memref_squeeze %dma_wait3A_631 : memref<1x50x64xf32, #tpu.memory_space<vmem>> -> memref<50x64xf32, #tpu.memory_space<vmem>>
        %dma_wait3A_633 = arith.constant 0 : i32
        %dma_wait3A_634 = arith.constant 0 : i32
        %dma_wait3A_635 = tpu.memref_slice %arg4[%add3A_510, %dma_wait3A_633, %dma_wait3A_634] : memref<16384x56x128xf32, #tpu.memory_space<hbm>> -> memref<1x50x64xf32, #tpu.memory_space<hbm>>
        %dma_wait3A_636 = tpu.memref_squeeze %dma_wait3A_635 : memref<1x50x64xf32, #tpu.memory_space<hbm>> -> memref<50x64xf32, #tpu.memory_space<hbm>>
        %dma_wait3A_637 = arith.constant 0 : i32
        %dma_wait3A_638 = arith.constant 0 : i32
        %dma_wait3A_639 = tpu.memref_slice %arg4[%add3A_510, %dma_wait3A_637, %dma_wait3A_638] : memref<16384x56x128xf32, #tpu.memory_space<hbm>> -> memref<1x50x64xf32, #tpu.memory_space<hbm>>
        %dma_wait3A_640 = tpu.memref_squeeze %dma_wait3A_639 : memref<1x50x64xf32, #tpu.memory_space<hbm>> -> memref<50x64xf32, #tpu.memory_space<hbm>>
        %dma_wait3A_641 = arith.constant 0 : i32
        %dma_wait3A_642 = arith.constant 0 : i32
        %dma_wait3A_643 = tpu.memref_slice %arg7[%run_scoped3A_511, %dma_wait3A_641, %dma_wait3A_642] : memref<8x50x64xf32, #tpu.memory_space<vmem>> -> memref<1x50x64xf32, #tpu.memory_space<vmem>>
        %dma_wait3A_644 = tpu.memref_squeeze %dma_wait3A_643 : memref<1x50x64xf32, #tpu.memory_space<vmem>> -> memref<50x64xf32, #tpu.memory_space<vmem>>
        tpu.wait_dma2 semaphore(%run_scoped3A_612 : memref<!tpu.dma_semaphore, #tpu.memory_space<semaphore_mem>>) src(%dma_wait3A_644 : memref<50x64xf32, #tpu.memory_space<vmem>>) dst(%dma_wait3A_640 : memref<50x64xf32, #tpu.memory_space<hbm>>)
        tpu.yield
      }) : () -> ()
      %add3A_512 = arith.constant 1 : i32
      %add3A_513 = arith.addi %mul3A_105, %add3A_512 : i32
      %mul3A_514 = arith.constant 8 : i32
      %mul3A_515 = arith.muli %add3A_513, %mul3A_514 : i32
      %add3A_516 = arith.constant 4 : i32
      %add3A_517 = arith.addi %mul3A_515, %add3A_516 : i32
      %dma_wait3A_518 = arith.constant 4 : i32
      %dma_wait3A_519 = arith.constant 0 : i32
      %dma_wait3A_520 = arith.constant 0 : i32
      %dma_wait3A_521 = tpu.memref_slice %arg7[%dma_wait3A_518, %dma_wait3A_519, %dma_wait3A_520] : memref<8x50x64xf32, #tpu.memory_space<vmem>> -> memref<1x50x64xf32, #tpu.memory_space<vmem>>
      %dma_wait3A_522 = tpu.memref_squeeze %dma_wait3A_521 : memref<1x50x64xf32, #tpu.memory_space<vmem>> -> memref<50x64xf32, #tpu.memory_space<vmem>>
      %dma_wait3A_523 = arith.constant 0 : i32
      %dma_wait3A_524 = tpu.memref_slice %arg5[%add3A_517, %dma_wait3A_523] : memref<512x50xi32, #tpu.memory_space<vmem>> -> memref<1x50xi32, #tpu.memory_space<vmem>>
      %dma_wait3A_525 = tpu.memref_squeeze %dma_wait3A_524 : memref<1x50xi32, #tpu.memory_space<vmem>> -> memref<50xi32, #tpu.memory_space<vmem>>
      %dma_wait3A_526 = arith.constant 0 : i32
      %dma_wait3A_527 = arith.constant 0 : i32
      %dma_wait3A_528 = tpu.memref_slice %arg3[%dma_wait3A_526, %dma_wait3A_527] : memref<2000000x64xf32, #tpu.memory_space<hbm>> -> memref<2000000x64xf32, #tpu.memory_space<hbm>>
      tpu.wait_indirect_dma semaphore(%arg9 : memref<!tpu.dma_semaphore, #tpu.memory_space<semaphore_mem>>) src(%dma_wait3A_528 : memref<2000000x64xf32, #tpu.memory_space<hbm>>) dst(%dma_wait3A_522 : memref<50x64xf32, #tpu.memory_space<vmem>>)
      %add3A_529 = arith.constant 1 : i32
      %add3A_530 = arith.addi %mul3A_105, %add3A_529 : i32
      %mul3A_531 = arith.constant 8 : i32
      %mul3A_532 = arith.muli %add3A_530, %mul3A_531 : i32
      %add3A_533 = arith.addi %mul3A_2, %mul3A_532 : i32
      %add3A_534 = arith.constant 4 : i32
      %add3A_535 = arith.addi %add3A_533, %add3A_534 : i32
      %run_scoped3A_536 = arith.constant 4 : i32
      "tpu.region"() ({
        %run_scoped3A_612 = tpu.sem_alloc : memref<!tpu.dma_semaphore, #tpu.memory_space<semaphore_mem>>
        %dma_start3A_613 = arith.constant 0 : i32
        %dma_start3A_614 = arith.constant 0 : i32
        %dma_start3A_615 = tpu.memref_slice %arg7[%run_scoped3A_536, %dma_start3A_613, %dma_start3A_614] : memref<8x50x64xf32, #tpu.memory_space<vmem>> -> memref<1x50x64xf32, #tpu.memory_space<vmem>>
        %dma_start3A_616 = tpu.memref_squeeze %dma_start3A_615 : memref<1x50x64xf32, #tpu.memory_space<vmem>> -> memref<50x64xf32, #tpu.memory_space<vmem>>
        %dma_start3A_617 = arith.constant 0 : i32
        %dma_start3A_618 = arith.constant 0 : i32
        %dma_start3A_619 = tpu.memref_slice %arg4[%add3A_535, %dma_start3A_617, %dma_start3A_618] : memref<16384x56x128xf32, #tpu.memory_space<hbm>> -> memref<1x50x64xf32, #tpu.memory_space<hbm>>
        %dma_start3A_620 = tpu.memref_squeeze %dma_start3A_619 : memref<1x50x64xf32, #tpu.memory_space<hbm>> -> memref<50x64xf32, #tpu.memory_space<hbm>>
        %dma_start3A_621 = arith.constant 0 : i32
        %dma_start3A_622 = arith.constant 0 : i32
        %dma_start3A_623 = tpu.memref_slice %arg4[%add3A_535, %dma_start3A_621, %dma_start3A_622] : memref<16384x56x128xf32, #tpu.memory_space<hbm>> -> memref<1x50x64xf32, #tpu.memory_space<hbm>>
        %dma_start3A_624 = tpu.memref_squeeze %dma_start3A_623 : memref<1x50x64xf32, #tpu.memory_space<hbm>> -> memref<50x64xf32, #tpu.memory_space<hbm>>
        %dma_start3A_625 = arith.constant 0 : i32
        %dma_start3A_626 = arith.constant 0 : i32
        %dma_start3A_627 = tpu.memref_slice %arg7[%run_scoped3A_536, %dma_start3A_625, %dma_start3A_626] : memref<8x50x64xf32, #tpu.memory_space<vmem>> -> memref<1x50x64xf32, #tpu.memory_space<vmem>>
        %dma_start3A_628 = tpu.memref_squeeze %dma_start3A_627 : memref<1x50x64xf32, #tpu.memory_space<vmem>> -> memref<50x64xf32, #tpu.memory_space<vmem>>
        tpu.enqueue_dma source(%dma_start3A_628 : memref<50x64xf32, #tpu.memory_space<vmem>>) target(%dma_start3A_624 : memref<50x64xf32, #tpu.memory_space<hbm>>) target_semaphore(%run_scoped3A_612 : memref<!tpu.dma_semaphore, #tpu.memory_space<semaphore_mem>>)
        %dma_wait3A_629 = arith.constant 0 : i32
        %dma_wait3A_630 = arith.constant 0 : i32
        %dma_wait3A_631 = tpu.memref_slice %arg7[%run_scoped3A_536, %dma_wait3A_629, %dma_wait3A_630] : memref<8x50x64xf32, #tpu.memory_space<vmem>> -> memref<1x50x64xf32, #tpu.memory_space<vmem>>
        %dma_wait3A_632 = tpu.memref_squeeze %dma_wait3A_631 : memref<1x50x64xf32, #tpu.memory_space<vmem>> -> memref<50x64xf32, #tpu.memory_space<vmem>>
        %dma_wait3A_633 = arith.constant 0 : i32
        %dma_wait3A_634 = arith.constant 0 : i32
        %dma_wait3A_635 = tpu.memref_slice %arg4[%add3A_535, %dma_wait3A_633, %dma_wait3A_634] : memref<16384x56x128xf32, #tpu.memory_space<hbm>> -> memref<1x50x64xf32, #tpu.memory_space<hbm>>
        %dma_wait3A_636 = tpu.memref_squeeze %dma_wait3A_635 : memref<1x50x64xf32, #tpu.memory_space<hbm>> -> memref<50x64xf32, #tpu.memory_space<hbm>>
        %dma_wait3A_637 = arith.constant 0 : i32
        %dma_wait3A_638 = arith.constant 0 : i32
        %dma_wait3A_639 = tpu.memref_slice %arg4[%add3A_535, %dma_wait3A_637, %dma_wait3A_638] : memref<16384x56x128xf32, #tpu.memory_space<hbm>> -> memref<1x50x64xf32, #tpu.memory_space<hbm>>
        %dma_wait3A_640 = tpu.memref_squeeze %dma_wait3A_639 : memref<1x50x64xf32, #tpu.memory_space<hbm>> -> memref<50x64xf32, #tpu.memory_space<hbm>>
        %dma_wait3A_641 = arith.constant 0 : i32
        %dma_wait3A_642 = arith.constant 0 : i32
        %dma_wait3A_643 = tpu.memref_slice %arg7[%run_scoped3A_536, %dma_wait3A_641, %dma_wait3A_642] : memref<8x50x64xf32, #tpu.memory_space<vmem>> -> memref<1x50x64xf32, #tpu.memory_space<vmem>>
        %dma_wait3A_644 = tpu.memref_squeeze %dma_wait3A_643 : memref<1x50x64xf32, #tpu.memory_space<vmem>> -> memref<50x64xf32, #tpu.memory_space<vmem>>
        tpu.wait_dma2 semaphore(%run_scoped3A_612 : memref<!tpu.dma_semaphore, #tpu.memory_space<semaphore_mem>>) src(%dma_wait3A_644 : memref<50x64xf32, #tpu.memory_space<vmem>>) dst(%dma_wait3A_640 : memref<50x64xf32, #tpu.memory_space<hbm>>)
        tpu.yield
      }) : () -> ()
      %add3A_537 = arith.constant 1 : i32
      %add3A_538 = arith.addi %mul3A_105, %add3A_537 : i32
      %mul3A_539 = arith.constant 8 : i32
      %mul3A_540 = arith.muli %add3A_538, %mul3A_539 : i32
      %add3A_541 = arith.constant 5 : i32
      %add3A_542 = arith.addi %mul3A_540, %add3A_541 : i32
      %dma_wait3A_543 = arith.constant 5 : i32
      %dma_wait3A_544 = arith.constant 0 : i32
      %dma_wait3A_545 = arith.constant 0 : i32
      %dma_wait3A_546 = tpu.memref_slice %arg7[%dma_wait3A_543, %dma_wait3A_544, %dma_wait3A_545] : memref<8x50x64xf32, #tpu.memory_space<vmem>> -> memref<1x50x64xf32, #tpu.memory_space<vmem>>
      %dma_wait3A_547 = tpu.memref_squeeze %dma_wait3A_546 : memref<1x50x64xf32, #tpu.memory_space<vmem>> -> memref<50x64xf32, #tpu.memory_space<vmem>>
      %dma_wait3A_548 = arith.constant 0 : i32
      %dma_wait3A_549 = tpu.memref_slice %arg5[%add3A_542, %dma_wait3A_548] : memref<512x50xi32, #tpu.memory_space<vmem>> -> memref<1x50xi32, #tpu.memory_space<vmem>>
      %dma_wait3A_550 = tpu.memref_squeeze %dma_wait3A_549 : memref<1x50xi32, #tpu.memory_space<vmem>> -> memref<50xi32, #tpu.memory_space<vmem>>
      %dma_wait3A_551 = arith.constant 0 : i32
      %dma_wait3A_552 = arith.constant 0 : i32
      %dma_wait3A_553 = tpu.memref_slice %arg3[%dma_wait3A_551, %dma_wait3A_552] : memref<2000000x64xf32, #tpu.memory_space<hbm>> -> memref<2000000x64xf32, #tpu.memory_space<hbm>>
      tpu.wait_indirect_dma semaphore(%arg9 : memref<!tpu.dma_semaphore, #tpu.memory_space<semaphore_mem>>) src(%dma_wait3A_553 : memref<2000000x64xf32, #tpu.memory_space<hbm>>) dst(%dma_wait3A_547 : memref<50x64xf32, #tpu.memory_space<vmem>>)
      %add3A_554 = arith.constant 1 : i32
      %add3A_555 = arith.addi %mul3A_105, %add3A_554 : i32
      %mul3A_556 = arith.constant 8 : i32
      %mul3A_557 = arith.muli %add3A_555, %mul3A_556 : i32
      %add3A_558 = arith.addi %mul3A_2, %mul3A_557 : i32
      %add3A_559 = arith.constant 5 : i32
      %add3A_560 = arith.addi %add3A_558, %add3A_559 : i32
      %run_scoped3A_561 = arith.constant 5 : i32
      "tpu.region"() ({
        %run_scoped3A_612 = tpu.sem_alloc : memref<!tpu.dma_semaphore, #tpu.memory_space<semaphore_mem>>
        %dma_start3A_613 = arith.constant 0 : i32
        %dma_start3A_614 = arith.constant 0 : i32
        %dma_start3A_615 = tpu.memref_slice %arg7[%run_scoped3A_561, %dma_start3A_613, %dma_start3A_614] : memref<8x50x64xf32, #tpu.memory_space<vmem>> -> memref<1x50x64xf32, #tpu.memory_space<vmem>>
        %dma_start3A_616 = tpu.memref_squeeze %dma_start3A_615 : memref<1x50x64xf32, #tpu.memory_space<vmem>> -> memref<50x64xf32, #tpu.memory_space<vmem>>
        %dma_start3A_617 = arith.constant 0 : i32
        %dma_start3A_618 = arith.constant 0 : i32
        %dma_start3A_619 = tpu.memref_slice %arg4[%add3A_560, %dma_start3A_617, %dma_start3A_618] : memref<16384x56x128xf32, #tpu.memory_space<hbm>> -> memref<1x50x64xf32, #tpu.memory_space<hbm>>
        %dma_start3A_620 = tpu.memref_squeeze %dma_start3A_619 : memref<1x50x64xf32, #tpu.memory_space<hbm>> -> memref<50x64xf32, #tpu.memory_space<hbm>>
        %dma_start3A_621 = arith.constant 0 : i32
        %dma_start3A_622 = arith.constant 0 : i32
        %dma_start3A_623 = tpu.memref_slice %arg4[%add3A_560, %dma_start3A_621, %dma_start3A_622] : memref<16384x56x128xf32, #tpu.memory_space<hbm>> -> memref<1x50x64xf32, #tpu.memory_space<hbm>>
        %dma_start3A_624 = tpu.memref_squeeze %dma_start3A_623 : memref<1x50x64xf32, #tpu.memory_space<hbm>> -> memref<50x64xf32, #tpu.memory_space<hbm>>
        %dma_start3A_625 = arith.constant 0 : i32
        %dma_start3A_626 = arith.constant 0 : i32
        %dma_start3A_627 = tpu.memref_slice %arg7[%run_scoped3A_561, %dma_start3A_625, %dma_start3A_626] : memref<8x50x64xf32, #tpu.memory_space<vmem>> -> memref<1x50x64xf32, #tpu.memory_space<vmem>>
        %dma_start3A_628 = tpu.memref_squeeze %dma_start3A_627 : memref<1x50x64xf32, #tpu.memory_space<vmem>> -> memref<50x64xf32, #tpu.memory_space<vmem>>
        tpu.enqueue_dma source(%dma_start3A_628 : memref<50x64xf32, #tpu.memory_space<vmem>>) target(%dma_start3A_624 : memref<50x64xf32, #tpu.memory_space<hbm>>) target_semaphore(%run_scoped3A_612 : memref<!tpu.dma_semaphore, #tpu.memory_space<semaphore_mem>>)
        %dma_wait3A_629 = arith.constant 0 : i32
        %dma_wait3A_630 = arith.constant 0 : i32
        %dma_wait3A_631 = tpu.memref_slice %arg7[%run_scoped3A_561, %dma_wait3A_629, %dma_wait3A_630] : memref<8x50x64xf32, #tpu.memory_space<vmem>> -> memref<1x50x64xf32, #tpu.memory_space<vmem>>
        %dma_wait3A_632 = tpu.memref_squeeze %dma_wait3A_631 : memref<1x50x64xf32, #tpu.memory_space<vmem>> -> memref<50x64xf32, #tpu.memory_space<vmem>>
        %dma_wait3A_633 = arith.constant 0 : i32
        %dma_wait3A_634 = arith.constant 0 : i32
        %dma_wait3A_635 = tpu.memref_slice %arg4[%add3A_560, %dma_wait3A_633, %dma_wait3A_634] : memref<16384x56x128xf32, #tpu.memory_space<hbm>> -> memref<1x50x64xf32, #tpu.memory_space<hbm>>
        %dma_wait3A_636 = tpu.memref_squeeze %dma_wait3A_635 : memref<1x50x64xf32, #tpu.memory_space<hbm>> -> memref<50x64xf32, #tpu.memory_space<hbm>>
        %dma_wait3A_637 = arith.constant 0 : i32
        %dma_wait3A_638 = arith.constant 0 : i32
        %dma_wait3A_639 = tpu.memref_slice %arg4[%add3A_560, %dma_wait3A_637, %dma_wait3A_638] : memref<16384x56x128xf32, #tpu.memory_space<hbm>> -> memref<1x50x64xf32, #tpu.memory_space<hbm>>
        %dma_wait3A_640 = tpu.memref_squeeze %dma_wait3A_639 : memref<1x50x64xf32, #tpu.memory_space<hbm>> -> memref<50x64xf32, #tpu.memory_space<hbm>>
        %dma_wait3A_641 = arith.constant 0 : i32
        %dma_wait3A_642 = arith.constant 0 : i32
        %dma_wait3A_643 = tpu.memref_slice %arg7[%run_scoped3A_561, %dma_wait3A_641, %dma_wait3A_642] : memref<8x50x64xf32, #tpu.memory_space<vmem>> -> memref<1x50x64xf32, #tpu.memory_space<vmem>>
        %dma_wait3A_644 = tpu.memref_squeeze %dma_wait3A_643 : memref<1x50x64xf32, #tpu.memory_space<vmem>> -> memref<50x64xf32, #tpu.memory_space<vmem>>
        tpu.wait_dma2 semaphore(%run_scoped3A_612 : memref<!tpu.dma_semaphore, #tpu.memory_space<semaphore_mem>>) src(%dma_wait3A_644 : memref<50x64xf32, #tpu.memory_space<vmem>>) dst(%dma_wait3A_640 : memref<50x64xf32, #tpu.memory_space<hbm>>)
        tpu.yield
      }) : () -> ()
      %add3A_562 = arith.constant 1 : i32
      %add3A_563 = arith.addi %mul3A_105, %add3A_562 : i32
      %mul3A_564 = arith.constant 8 : i32
      %mul3A_565 = arith.muli %add3A_563, %mul3A_564 : i32
      %add3A_566 = arith.constant 6 : i32
      %add3A_567 = arith.addi %mul3A_565, %add3A_566 : i32
      %dma_wait3A_568 = arith.constant 6 : i32
      %dma_wait3A_569 = arith.constant 0 : i32
      %dma_wait3A_570 = arith.constant 0 : i32
      %dma_wait3A_571 = tpu.memref_slice %arg7[%dma_wait3A_568, %dma_wait3A_569, %dma_wait3A_570] : memref<8x50x64xf32, #tpu.memory_space<vmem>> -> memref<1x50x64xf32, #tpu.memory_space<vmem>>
      %dma_wait3A_572 = tpu.memref_squeeze %dma_wait3A_571 : memref<1x50x64xf32, #tpu.memory_space<vmem>> -> memref<50x64xf32, #tpu.memory_space<vmem>>
      %dma_wait3A_573 = arith.constant 0 : i32
      %dma_wait3A_574 = tpu.memref_slice %arg5[%add3A_567, %dma_wait3A_573] : memref<512x50xi32, #tpu.memory_space<vmem>> -> memref<1x50xi32, #tpu.memory_space<vmem>>
      %dma_wait3A_575 = tpu.memref_squeeze %dma_wait3A_574 : memref<1x50xi32, #tpu.memory_space<vmem>> -> memref<50xi32, #tpu.memory_space<vmem>>
      %dma_wait3A_576 = arith.constant 0 : i32
      %dma_wait3A_577 = arith.constant 0 : i32
      %dma_wait3A_578 = tpu.memref_slice %arg3[%dma_wait3A_576, %dma_wait3A_577] : memref<2000000x64xf32, #tpu.memory_space<hbm>> -> memref<2000000x64xf32, #tpu.memory_space<hbm>>
      tpu.wait_indirect_dma semaphore(%arg9 : memref<!tpu.dma_semaphore, #tpu.memory_space<semaphore_mem>>) src(%dma_wait3A_578 : memref<2000000x64xf32, #tpu.memory_space<hbm>>) dst(%dma_wait3A_572 : memref<50x64xf32, #tpu.memory_space<vmem>>)
      %add3A_579 = arith.constant 1 : i32
      %add3A_580 = arith.addi %mul3A_105, %add3A_579 : i32
      %mul3A_581 = arith.constant 8 : i32
      %mul3A_582 = arith.muli %add3A_580, %mul3A_581 : i32
      %add3A_583 = arith.addi %mul3A_2, %mul3A_582 : i32
      %add3A_584 = arith.constant 6 : i32
      %add3A_585 = arith.addi %add3A_583, %add3A_584 : i32
      %run_scoped3A_586 = arith.constant 6 : i32
      "tpu.region"() ({
        %run_scoped3A_612 = tpu.sem_alloc : memref<!tpu.dma_semaphore, #tpu.memory_space<semaphore_mem>>
        %dma_start3A_613 = arith.constant 0 : i32
        %dma_start3A_614 = arith.constant 0 : i32
        %dma_start3A_615 = tpu.memref_slice %arg7[%run_scoped3A_586, %dma_start3A_613, %dma_start3A_614] : memref<8x50x64xf32, #tpu.memory_space<vmem>> -> memref<1x50x64xf32, #tpu.memory_space<vmem>>
        %dma_start3A_616 = tpu.memref_squeeze %dma_start3A_615 : memref<1x50x64xf32, #tpu.memory_space<vmem>> -> memref<50x64xf32, #tpu.memory_space<vmem>>
        %dma_start3A_617 = arith.constant 0 : i32
        %dma_start3A_618 = arith.constant 0 : i32
        %dma_start3A_619 = tpu.memref_slice %arg4[%add3A_585, %dma_start3A_617, %dma_start3A_618] : memref<16384x56x128xf32, #tpu.memory_space<hbm>> -> memref<1x50x64xf32, #tpu.memory_space<hbm>>
        %dma_start3A_620 = tpu.memref_squeeze %dma_start3A_619 : memref<1x50x64xf32, #tpu.memory_space<hbm>> -> memref<50x64xf32, #tpu.memory_space<hbm>>
        %dma_start3A_621 = arith.constant 0 : i32
        %dma_start3A_622 = arith.constant 0 : i32
        %dma_start3A_623 = tpu.memref_slice %arg4[%add3A_585, %dma_start3A_621, %dma_start3A_622] : memref<16384x56x128xf32, #tpu.memory_space<hbm>> -> memref<1x50x64xf32, #tpu.memory_space<hbm>>
        %dma_start3A_624 = tpu.memref_squeeze %dma_start3A_623 : memref<1x50x64xf32, #tpu.memory_space<hbm>> -> memref<50x64xf32, #tpu.memory_space<hbm>>
        %dma_start3A_625 = arith.constant 0 : i32
        %dma_start3A_626 = arith.constant 0 : i32
        %dma_start3A_627 = tpu.memref_slice %arg7[%run_scoped3A_586, %dma_start3A_625, %dma_start3A_626] : memref<8x50x64xf32, #tpu.memory_space<vmem>> -> memref<1x50x64xf32, #tpu.memory_space<vmem>>
        %dma_start3A_628 = tpu.memref_squeeze %dma_start3A_627 : memref<1x50x64xf32, #tpu.memory_space<vmem>> -> memref<50x64xf32, #tpu.memory_space<vmem>>
        tpu.enqueue_dma source(%dma_start3A_628 : memref<50x64xf32, #tpu.memory_space<vmem>>) target(%dma_start3A_624 : memref<50x64xf32, #tpu.memory_space<hbm>>) target_semaphore(%run_scoped3A_612 : memref<!tpu.dma_semaphore, #tpu.memory_space<semaphore_mem>>)
        %dma_wait3A_629 = arith.constant 0 : i32
        %dma_wait3A_630 = arith.constant 0 : i32
        %dma_wait3A_631 = tpu.memref_slice %arg7[%run_scoped3A_586, %dma_wait3A_629, %dma_wait3A_630] : memref<8x50x64xf32, #tpu.memory_space<vmem>> -> memref<1x50x64xf32, #tpu.memory_space<vmem>>
        %dma_wait3A_632 = tpu.memref_squeeze %dma_wait3A_631 : memref<1x50x64xf32, #tpu.memory_space<vmem>> -> memref<50x64xf32, #tpu.memory_space<vmem>>
        %dma_wait3A_633 = arith.constant 0 : i32
        %dma_wait3A_634 = arith.constant 0 : i32
        %dma_wait3A_635 = tpu.memref_slice %arg4[%add3A_585, %dma_wait3A_633, %dma_wait3A_634] : memref<16384x56x128xf32, #tpu.memory_space<hbm>> -> memref<1x50x64xf32, #tpu.memory_space<hbm>>
        %dma_wait3A_636 = tpu.memref_squeeze %dma_wait3A_635 : memref<1x50x64xf32, #tpu.memory_space<hbm>> -> memref<50x64xf32, #tpu.memory_space<hbm>>
        %dma_wait3A_637 = arith.constant 0 : i32
        %dma_wait3A_638 = arith.constant 0 : i32
        %dma_wait3A_639 = tpu.memref_slice %arg4[%add3A_585, %dma_wait3A_637, %dma_wait3A_638] : memref<16384x56x128xf32, #tpu.memory_space<hbm>> -> memref<1x50x64xf32, #tpu.memory_space<hbm>>
        %dma_wait3A_640 = tpu.memref_squeeze %dma_wait3A_639 : memref<1x50x64xf32, #tpu.memory_space<hbm>> -> memref<50x64xf32, #tpu.memory_space<hbm>>
        %dma_wait3A_641 = arith.constant 0 : i32
        %dma_wait3A_642 = arith.constant 0 : i32
        %dma_wait3A_643 = tpu.memref_slice %arg7[%run_scoped3A_586, %dma_wait3A_641, %dma_wait3A_642] : memref<8x50x64xf32, #tpu.memory_space<vmem>> -> memref<1x50x64xf32, #tpu.memory_space<vmem>>
        %dma_wait3A_644 = tpu.memref_squeeze %dma_wait3A_643 : memref<1x50x64xf32, #tpu.memory_space<vmem>> -> memref<50x64xf32, #tpu.memory_space<vmem>>
        tpu.wait_dma2 semaphore(%run_scoped3A_612 : memref<!tpu.dma_semaphore, #tpu.memory_space<semaphore_mem>>) src(%dma_wait3A_644 : memref<50x64xf32, #tpu.memory_space<vmem>>) dst(%dma_wait3A_640 : memref<50x64xf32, #tpu.memory_space<hbm>>)
        tpu.yield
      }) : () -> ()
      %add3A_587 = arith.constant 1 : i32
      %add3A_588 = arith.addi %mul3A_105, %add3A_587 : i32
      %mul3A_589 = arith.constant 8 : i32
      %mul3A_590 = arith.muli %add3A_588, %mul3A_589 : i32
      %add3A_591 = arith.constant 7 : i32
      %add3A_592 = arith.addi %mul3A_590, %add3A_591 : i32
      %dma_wait3A_593 = arith.constant 7 : i32
      %dma_wait3A_594 = arith.constant 0 : i32
      %dma_wait3A_595 = arith.constant 0 : i32
      %dma_wait3A_596 = tpu.memref_slice %arg7[%dma_wait3A_593, %dma_wait3A_594, %dma_wait3A_595] : memref<8x50x64xf32, #tpu.memory_space<vmem>> -> memref<1x50x64xf32, #tpu.memory_space<vmem>>
      %dma_wait3A_597 = tpu.memref_squeeze %dma_wait3A_596 : memref<1x50x64xf32, #tpu.memory_space<vmem>> -> memref<50x64xf32, #tpu.memory_space<vmem>>
      %dma_wait3A_598 = arith.constant 0 : i32
      %dma_wait3A_599 = tpu.memref_slice %arg5[%add3A_592, %dma_wait3A_598] : memref<512x50xi32, #tpu.memory_space<vmem>> -> memref<1x50xi32, #tpu.memory_space<vmem>>
      %dma_wait3A_600 = tpu.memref_squeeze %dma_wait3A_599 : memref<1x50xi32, #tpu.memory_space<vmem>> -> memref<50xi32, #tpu.memory_space<vmem>>
      %dma_wait3A_601 = arith.constant 0 : i32
      %dma_wait3A_602 = arith.constant 0 : i32
      %dma_wait3A_603 = tpu.memref_slice %arg3[%dma_wait3A_601, %dma_wait3A_602] : memref<2000000x64xf32, #tpu.memory_space<hbm>> -> memref<2000000x64xf32, #tpu.memory_space<hbm>>
      tpu.wait_indirect_dma semaphore(%arg9 : memref<!tpu.dma_semaphore, #tpu.memory_space<semaphore_mem>>) src(%dma_wait3A_603 : memref<2000000x64xf32, #tpu.memory_space<hbm>>) dst(%dma_wait3A_597 : memref<50x64xf32, #tpu.memory_space<vmem>>)
      %add3A_604 = arith.constant 1 : i32
      %add3A_605 = arith.addi %mul3A_105, %add3A_604 : i32
      %mul3A_606 = arith.constant 8 : i32
      %mul3A_607 = arith.muli %add3A_605, %mul3A_606 : i32
      %add3A_608 = arith.addi %mul3A_2, %mul3A_607 : i32
      %add3A_609 = arith.constant 7 : i32
      %add3A_610 = arith.addi %add3A_608, %add3A_609 : i32
      %run_scoped3A_611 = arith.constant 7 : i32
      "tpu.region"() ({
        %run_scoped3A_612 = tpu.sem_alloc : memref<!tpu.dma_semaphore, #tpu.memory_space<semaphore_mem>>
        %dma_start3A_613 = arith.constant 0 : i32
        %dma_start3A_614 = arith.constant 0 : i32
        %dma_start3A_615 = tpu.memref_slice %arg7[%run_scoped3A_611, %dma_start3A_613, %dma_start3A_614] : memref<8x50x64xf32, #tpu.memory_space<vmem>> -> memref<1x50x64xf32, #tpu.memory_space<vmem>>
        %dma_start3A_616 = tpu.memref_squeeze %dma_start3A_615 : memref<1x50x64xf32, #tpu.memory_space<vmem>> -> memref<50x64xf32, #tpu.memory_space<vmem>>
        %dma_start3A_617 = arith.constant 0 : i32
        %dma_start3A_618 = arith.constant 0 : i32
        %dma_start3A_619 = tpu.memref_slice %arg4[%add3A_610, %dma_start3A_617, %dma_start3A_618] : memref<16384x56x128xf32, #tpu.memory_space<hbm>> -> memref<1x50x64xf32, #tpu.memory_space<hbm>>
        %dma_start3A_620 = tpu.memref_squeeze %dma_start3A_619 : memref<1x50x64xf32, #tpu.memory_space<hbm>> -> memref<50x64xf32, #tpu.memory_space<hbm>>
        %dma_start3A_621 = arith.constant 0 : i32
        %dma_start3A_622 = arith.constant 0 : i32
        %dma_start3A_623 = tpu.memref_slice %arg4[%add3A_610, %dma_start3A_621, %dma_start3A_622] : memref<16384x56x128xf32, #tpu.memory_space<hbm>> -> memref<1x50x64xf32, #tpu.memory_space<hbm>>
        %dma_start3A_624 = tpu.memref_squeeze %dma_start3A_623 : memref<1x50x64xf32, #tpu.memory_space<hbm>> -> memref<50x64xf32, #tpu.memory_space<hbm>>
        %dma_start3A_625 = arith.constant 0 : i32
        %dma_start3A_626 = arith.constant 0 : i32
        %dma_start3A_627 = tpu.memref_slice %arg7[%run_scoped3A_611, %dma_start3A_625, %dma_start3A_626] : memref<8x50x64xf32, #tpu.memory_space<vmem>> -> memref<1x50x64xf32, #tpu.memory_space<vmem>>
        %dma_start3A_628 = tpu.memref_squeeze %dma_start3A_627 : memref<1x50x64xf32, #tpu.memory_space<vmem>> -> memref<50x64xf32, #tpu.memory_space<vmem>>
        tpu.enqueue_dma source(%dma_start3A_628 : memref<50x64xf32, #tpu.memory_space<vmem>>) target(%dma_start3A_624 : memref<50x64xf32, #tpu.memory_space<hbm>>) target_semaphore(%run_scoped3A_612 : memref<!tpu.dma_semaphore, #tpu.memory_space<semaphore_mem>>)
        %dma_wait3A_629 = arith.constant 0 : i32
        %dma_wait3A_630 = arith.constant 0 : i32
        %dma_wait3A_631 = tpu.memref_slice %arg7[%run_scoped3A_611, %dma_wait3A_629, %dma_wait3A_630] : memref<8x50x64xf32, #tpu.memory_space<vmem>> -> memref<1x50x64xf32, #tpu.memory_space<vmem>>
        %dma_wait3A_632 = tpu.memref_squeeze %dma_wait3A_631 : memref<1x50x64xf32, #tpu.memory_space<vmem>> -> memref<50x64xf32, #tpu.memory_space<vmem>>
        %dma_wait3A_633 = arith.constant 0 : i32
        %dma_wait3A_634 = arith.constant 0 : i32
        %dma_wait3A_635 = tpu.memref_slice %arg4[%add3A_610, %dma_wait3A_633, %dma_wait3A_634] : memref<16384x56x128xf32, #tpu.memory_space<hbm>> -> memref<1x50x64xf32, #tpu.memory_space<hbm>>
        %dma_wait3A_636 = tpu.memref_squeeze %dma_wait3A_635 : memref<1x50x64xf32, #tpu.memory_space<hbm>> -> memref<50x64xf32, #tpu.memory_space<hbm>>
        %dma_wait3A_637 = arith.constant 0 : i32
        %dma_wait3A_638 = arith.constant 0 : i32
        %dma_wait3A_639 = tpu.memref_slice %arg4[%add3A_610, %dma_wait3A_637, %dma_wait3A_638] : memref<16384x56x128xf32, #tpu.memory_space<hbm>> -> memref<1x50x64xf32, #tpu.memory_space<hbm>>
        %dma_wait3A_640 = tpu.memref_squeeze %dma_wait3A_639 : memref<1x50x64xf32, #tpu.memory_space<hbm>> -> memref<50x64xf32, #tpu.memory_space<hbm>>
        %dma_wait3A_641 = arith.constant 0 : i32
        %dma_wait3A_642 = arith.constant 0 : i32
        %dma_wait3A_643 = tpu.memref_slice %arg7[%run_scoped3A_611, %dma_wait3A_641, %dma_wait3A_642] : memref<8x50x64xf32, #tpu.memory_space<vmem>> -> memref<1x50x64xf32, #tpu.memory_space<vmem>>
        %dma_wait3A_644 = tpu.memref_squeeze %dma_wait3A_643 : memref<1x50x64xf32, #tpu.memory_space<vmem>> -> memref<50x64xf32, #tpu.memory_space<vmem>>
        tpu.wait_dma2 semaphore(%run_scoped3A_612 : memref<!tpu.dma_semaphore, #tpu.memory_space<semaphore_mem>>) src(%dma_wait3A_644 : memref<50x64xf32, #tpu.memory_space<vmem>>) dst(%dma_wait3A_640 : memref<50x64xf32, #tpu.memory_space<hbm>>)
        tpu.yield
      }) : () -> ()
    }
    %scan3A_102 = arith.constant 32 : i32
    return
  }
}

</mosaic_0001>

<sc_bundles>
// kernel: kernel.3.cloned.1.call-start
scs
__scs_entry_jumppad:
0x0: {  	(pc) =	sbr.rel $0x88, $3  }
0x1: {  	(tag) =	ssettag $0x0;
	lr =	simm.s32 $0x1  }
0x2: {  	[smem:$0x3F9F] =	sst lr;
	_ =	strace $0xD0000000  }
0x3: {  	_ = 	snop  }
0x4: {  	_ = 	snop  }
0x5: {  	_ = 	snop  }
0x6: {  	_ = 	snop  }
0x7: {  	_ = 	snop  }
__scs_overlays_trampoline_lowered:
0x8: {  	[smem:$0x3FAE] =	sst s0  }
0x9: {  	[smem:$0x3FAF] =	sst s1  }
0xa: {  	[smem:$0x3FB0] =	sst s2  }
0xb: {  	[smem:$0x3FB1] =	sst s3  }
0xc: {  	[smem:$0x3FB2] =	sst s4  }
0xd: {  	[smem:$0x3FB3] =	sst s5  }
0xe: {  	[smem:$0x3FB4] =	sst s6  }
0xf: {  	[smem:$0x3FB5] =	sst s7  }
0x10: {  	[smem:$0x3FB6] =	sst s8  }
0x11: {  	[smem:$0x3FB7] =	sst s9;
	s0 =	simm.s32 @!p0 $0x0  }
0x12: {  	s1 =	sld [smem:$0x3F9D];
	s0 =	simm.s32 @p0 $0x1  }
0x13: {  	[smem:$0x3FB8] =	sst s0;
	s0 =	simm.s32 @!p1 $0x0  }
0x14: {  	s2 =	sld [smem:$0x3F9C];
	s0 =	simm.s32 @p1 $0x1  }
0x15: {  	[smem:$0x3FB9] =	sst s0;
	s0 =	simm.s32 @!p2 $0x0  }
0x16: {  	s3 =	sld [smem:$0x3FDB];
	s0 =	simm.s32 @p2 $0x1  }
0x17: {  	s4 =	simm.s32 $0x1BF5;
	[smem:$0x3FBB] =	sst s0  }
0x18: {  	s0 =	sld [smem:$0x3F9E];
	_ =	swait.ge [sflag:s4], $0x0  }
0x19: {  	s7 =	sld [smem:$0x3F9F]  }
0x1a: {  	s8 =	sadd.s32 $0xFFFFE003, lr  }
0x1b: {  	s9 =	sadd.s32 $0xFFFFFEF7, lr;
	s5 =	simm.s32 $0xFFFFFFFF;
	p2 =	slt.u32 s8, $0xFFFFF086  }
0x1c: {  	p1 =	slt.u32 s9, $0xF7A;
	s5 =	simm.s32 @!p2 $0x0  }
0x1d: {  	s5 =	simm.s32 @p1 $0x1;
	p0 =	seq.s32 s7, s2  }
0x1e: {  	s7 =	smul.u32 @!p0 $0xF7A, s2;
	p2 =	seq.s32 @!p0 s5, $0x0  }
0x1f: {  	s9 =	smul.u32 $0xF7A, s1;
	s8 =	simm.s32 @!p0 $0x1BF5;
	p2 =	por !p2, p0  }
0x20: {  	[sflag:s8] =	ssyncset.s32 @!p0 $0xFFFFF086;
	s6 =	sadd.s32 @!p0 s3, s7;
	s7 =	simm.s32 @!p0 $0x108  }
0x21: {  	s3 =	sadd.s32 s3, s9;
	s6 =	sadd.s32 @!p0 $0x88, s6;
	s7 =	simm.s32 @p2 $0x1082  }
0x22: {  	[simem:s7], [sflag:s8] =	dma.local @!p0 [hbm:s6], $0xF7A  }
0x23: {  	s9 =	sor.u32 $0xD0000000, s2;
	s6 =	simm.s32 $0x108;
	_ =	swait.ge @!p0 [sflag:s8], $0x0  }
0x24: {  	s3 =	sadd.s32 $0x88, s3;
	s6 =	simm.s32 @!p1 $0x1082;
	[sflag:s4] =	ssyncset.s32 $0xFFFFF086  }
0x25: {  	[simem:s6], [sflag:s4] =	dma.local [hbm:s3], $0xF7A  }
0x26: {  	[smem:$0x3F9F] =	sst s1;
	(tag) =	ssettag s2;
	_ =	strace s9  }
0x27: {  	s1 =	sld [smem:$0x3FAF]  }
0x28: {  	s2 =	sld [smem:$0x3FB0]  }
0x29: {  	s4 =	sld [smem:$0x3FB2]  }
0x2a: {  	p0 =	seq.s32 s5, $0x0;
	s5 =	sld [smem:$0x3FB3]  }
0x2b: {  	s6 =	sld [smem:$0x3FB4]  }
0x2c: {  	s7 =	sld [smem:$0x3FB5]  }
0x2d: {  	s3 =	simm.s32 $0x108;
	s8 =	sld [smem:$0x3FB6]  }
0x2e: {  	s3 =	simm.s32 @!p0 $0x1082;
	s9 =	sld [smem:$0x3FB7]  }
0x2f: {  	lr =	sadd.s32 s0, s3;
	s0 =	sld [smem:$0x3FAE]  }
0x30: {  	s3 =	sld [smem:$0x3FB1]  }
0x31: {  	[smem:$0x3FBA] =	sst s10  }
0x32: {  	s10 =	sld [smem:$0x3FB8];
	_ =	sdelay $0x3  }
0x33: {  	p0 =	seq.s32 s10, $0x1;
	s10 =	sld [smem:$0x3FBA];
	_ =	sdelay $0x3  }
0x34: {  	[smem:$0x3FBA] =	sst s10  }
0x35: {  	s10 =	sld [smem:$0x3FB9];
	_ =	sdelay $0x3  }
0x36: {  	p1 =	seq.s32 s10, $0x1;
	s10 =	sld [smem:$0x3FBA];
	_ =	sdelay $0x3  }
0x37: {  	[smem:$0x3FBA] =	sst s10  }
0x38: {  	s10 =	sld [smem:$0x3FBB]  }
0x39: {  	_ = 	snop;
	(pc) =	sbr.ind lr, $3  }
0x3a: {  	_ = 	snop  }
0x3b: {  	_ = 	snop  }
0x3c: {  	p2 =	seq.s32 s10, $0x1;
	s10 =	sld [smem:$0x3FBA]  }
0x3d: {  	_ =	shalt  }
0x3e: {  	_ =	shalt  }
0x3f: {  	_ =	shalt  }
0x40: {  	_ =	shalt  }
0x41: {  	_ =	shalt  }
0x42: {  	_ =	shalt  }
0x43: {  	_ =	shalt  }
0x44: {  	_ =	shalt  }
0x45: {  	_ =	shalt  }
0x46: {  	_ =	shalt  }
0x47: {  	_ =	shalt  }
0x48: {  	_ =	shalt  }
0x49: {  	_ =	shalt  }
0x4a: {  	_ =	shalt  }
0x4b: {  	_ =	shalt  }
0x4c: {  	_ =	shalt  }
0x4d: {  	_ =	shalt  }
0x4e: {  	_ =	shalt  }
0x4f: {  	_ =	shalt  }
0x50: {  	_ =	shalt  }
0x51: {  	_ =	shalt  }
0x52: {  	_ =	shalt  }
0x53: {  	_ =	shalt  }
0x54: {  	_ =	shalt  }
0x55: {  	_ =	shalt  }
0x56: {  	_ =	shalt  }
0x57: {  	_ =	shalt  }
0x58: {  	_ =	shalt  }
0x59: {  	_ =	shalt  }
0x5a: {  	_ =	shalt  }
0x5b: {  	_ =	shalt  }
0x5c: {  	_ =	shalt  }
0x5d: {  	_ =	shalt  }
0x5e: {  	_ =	shalt  }
0x5f: {  	_ =	shalt  }
0x60: {  	_ =	shalt  }
0x61: {  	_ =	shalt  }
0x62: {  	_ =	shalt  }
0x63: {  	_ =	shalt  }
0x64: {  	_ =	shalt  }
0x65: {  	_ =	shalt  }
0x66: {  	_ =	shalt  }
0x67: {  	_ =	shalt  }
0x68: {  	_ =	shalt  }
0x69: {  	_ =	shalt  }
0x6a: {  	_ =	shalt  }
0x6b: {  	_ =	shalt  }
0x6c: {  	_ =	shalt  }
0x6d: {  	_ =	shalt  }
0x6e: {  	_ =	shalt  }
0x6f: {  	_ =	shalt  }
0x70: {  	_ =	shalt  }
0x71: {  	_ =	shalt  }
0x72: {  	_ =	shalt  }
0x73: {  	_ =	shalt  }
0x74: {  	_ =	shalt  }
0x75: {  	_ =	shalt  }
0x76: {  	_ =	shalt  }
0x77: {  	_ =	shalt  }
0x78: {  	_ =	shalt  }
0x79: {  	_ =	shalt  }
0x7a: {  	_ =	shalt  }
0x7b: {  	_ =	shalt  }
0x7c: {  	_ =	shalt  }
0x7d: {  	_ =	shalt  }
0x7e: {  	_ =	shalt  }
0x7f: {  	_ =	shalt  }
0x80: {  	_ =	shalt  }
0x81: {  	_ =	shalt  }
0x82: {  	_ =	shalt  }
0x83: {  	_ =	shalt  }
0x84: {  	_ =	shalt  }
0x85: {  	_ =	shalt  }
0x86: {  	_ =	shalt  }
0x87: {  	_ =	shalt  }
.Lfunc_end0:
.L_simem_size_0:
called_computation.2_lowered:
.L_overlay_start_0:
0x88: {  	s2 =	sld [smem:$0x3FD9]  }
0x89: {  	s3 =	sld [smem:$0x3FFE];
	_ =	sdelay $0x1  }
0x8a: {  	s1 =	srdreg.scid  }
0x8b: {  	s0 =	sand.u32 $0x1, s1  }
0x8c: {  	s17 =	sshll.u32 s0, $0xA;
	s2 =	sadd.s32 s3, s2  }
0x8d: {  	s2 =	sadd.s32 s2, s17  }
0x8e: {  	[smem:$0x3FC6] =	sst s2  }
0x8f: {  	_ = 	snop  }
0x90: {  	s2 =	sld [smem:$0x3FD0];
	(tm) =	ssettm $0x1  }
0x91: {  	s18 =	sld [smem:$0x3FFB];
	_ =	sdelay $0x3  }
0x92: {  	_ =	strace s18  }
0x93: {  	s3 =	sld [smem:$0x3FFC];
	_ =	sdelay $0x3  }
0x94: {  	_ =	strace s3  }
0x95: {  	s3 =	sld [smem:$0x3FFD];
	_ =	sdelay $0x3  }
0x96: {  	_ =	strace s3  }
0x97: {  	_ =	strace $0x8FFFFFFF  }
0x98: {  	s19 =	sld [smem:$0x3FDB];
	_ =	sdelay $0x1  }
0x99: {  	s4 =	simm.s32 $_scs_section_size  }
0x9a: {  	s5 =	simm.s32 $_size__tile_overlayer_lowered;
	s6 =	simm.s32 $_tile_overlayer_lowered  }
0x9b: {  	s22 =	simm.s32 $0x1BFF;
	s21 =	sshll.u32 s6, $0x1;
	s3 =	sadd.s32 s4, s19  }
0x9c: {  	s7 =	simm.s32 $0x0;
	s20 =	sshll.u32 s5, $0x1;
	s5 =	sadd.s32 s21, s3  }
0x9d: {  	[timem:s7], [sflag:s22] =	dma.local [hbm:s5], s20  }
0x9e: {  	_ =	swait.ge [sflag:s22], s20  }
0x9f: {  	s4 =	ssub.s32 $0x0, s20;
	[sflag:s22] =	ssyncset.done $0x0  }
0xa0: {  	[sflag:s22] =	ssyncadd.s32 s4;
	_ =	sdelay $0x1  }
0xa1: {  	s23 =	simm.s32 $0x1B8B  }
0xa2: {  	_ =	swait.ge [sflag:s23], $0x1  }
0xa3: {  	[sflag:s23] =	ssyncset.done $0x0  }
0xa4: {  	s25 =	simm.s32 $0x1B8E;
	s24 =	sld [smem:$0x3FFE];
	[sflag:s23] =	ssyncadd.s32 $0xFFFFFFFF  }
0xa5: {  	s26 =	simm.s32 $execute0_lowered;
	[smem:$0x3FD2] =	sst s25  }
0xa6: {  	s5 =	sshll.u32 s26, $0x1;
	_ =	strace $0x80000049;
	[dreg:$0x1] =	wrdreg $0xFFFFFFFF  }
0xa7: {  	s28 =	simm.s32 $_size_execute0_lowered;
	s3 =	sadd.s32 s3, s5;
	[dreg:$0x0] =	wrdreg $0x0  }
0xa8: {  	s5 =	sshll.u32 s28, $0x1;
	[dreg:$0x2] =	wrdreg s3  }
0xa9: {  	[dreg:$0x3] =	wrdreg s5  }
0xaa: {  	[dreg:$0x4] =	wrdreg $0xC0  }
0xab: {  	_ =	task [dreg:s7], $0x5FFFF  }
0xac: {  	[dreg:$0x1] =	wrdreg $0xFFFFFFFF  }
0xad: {  	[dreg:$0x0] =	wrdreg $0x60  }
0xae: {  	[dreg:$0x2] =	wrdreg s2  }
0xaf: {  	[dreg:$0x3] =	wrdreg s24  }
0xb0: {  	[dreg:$0x4] =	wrdreg $0x9  }
0xb1: {  	_ =	task.clear_ibuf [dreg:s7], $0x5FFFF;
	_ =	strace $0x90000049  }
0xb2: {  	s29 =	simm.s32 $0x9;
	_ =	strace $0x8000004B  }
0xb3: {  	_ =	swait.ge [sflag:s29], $0x1  }
0xb4: {  	[sflag:s29] =	ssyncadd.s32 $0xFFFFFFFF  }
0xb5: {  	_ =	strace $0x9000004B  }
0xb6: {  	_ =	sfence  }
0xb7: {  	s30 =	sld [smem:$0x0];
	_ =	sdelay $0x2  }
0xb8: {  	s31 =	sshll.u32 s1, $0xD;
	s1 =	sshrl.u32 s1, $0x2  }
0xb9: {  	s3 =	sand.u32 $0x4000, s31;
	s1 =	sadd.s32 s1, s30  }
0xba: {  	s0 =	sor.u32 s3, s0;
	s1 =	sshll.u32 s1, $0x11  }
0xbb: {  	s0 =	sor.u32 s1, s0  }
0xbc: {  	s0 =	sadd.s32 $0x8F2B, s0  }
0xbd: {  	[sflag:s0] =	ssyncadd.remote.s32 $0x1  }
0xbe: {  	_ =	sfence.sel $0xFFFF  }
0xbf: {  	[dreg:$0x0] =	wrdreg $0xFFFFFFFF;
	(pc) =	sbr.abs _section_cstart, $3  }
0xc0: {  	[dreg:$0x1] =	wrdreg $0xFFFFFFFF  }
0xc1: {  	_ =	task.clear_ibuf [dreg:s7], $0x2FFFF;
	_ =	strace $0x9FFFFFFF  }
0xc2: {  	(tm) =	ssettm $0x7FFFFFFF  }
0xc3: {  	_ =	shalt  }
tec
execute0_lowered:
.L_overlay_start_1:
0x0: {  	(tag) =	ssettag $0x1  }
0x1: {  	s0 =	rddreg [dreg:$0x0]  }
0x2: {  	s1 =	rddreg [dreg:$0x1];
	s2 =	simm.s32 $0x0;
	s4 =	stileid.u32  }
0x3: {  	s22 =	srdreg.scid;
	s28 =	simm.s32 $0xF980;
	s29 =	simm.s32 $0x10600  }
0x4: {  	s30 =	simm.s32 $0x11280;
	s31 =	simm.s32 $0x11F00;
	[smem:$0x7FF] =	sst s2  }
0x5: {  	s5 =	smul.u32 $0xE0000, s4;
	s3 =	sadd.s32 $0xF43200, s1;
	s2 =	sand.u32 $0x1, s22  }
0x6: {  	s6 =	smul.u32 $0x700000, s4;
	s1 =	sadd.s32 $0xE00, s1;
	s8 =	sshll.u32 s4, $0xA  }
0x7: {  	_ =	strace $0x8000004A;
	[dreg:$0xf] =	wrdreg s1;
	s7 =	smul.u32 $0x380000, s2  }
0x8: {  	s1 =	ssub.s32 $0x2, s2;
	s9 =	sshll.u32 s2, $0x9;
	s2 =	smul.u32 $0x70000, s2  }
0x9: {  	s10 =	sshrl.u32 s1, $0x1;
	s8 =	sor.u32 s9, s8;
	s6 =	sadd.s32 s7, s6  }
0xa: {  	s7 =	smul.u32 $0x7, s8;
	s2 =	sadd.s32 s2, s5;
	s1 =	ssub.s32 s1, s10  }
0xb: {  	s10 =	simm.s32 $0x40;
	s23 =	sor.u32 $0xC400, s6;
	[dreg:$0x3] =	wrdreg s2  }
0xc: {  	s25 =	sor.u32 $0xA800, s6;
	s4 =	sor.u32 $0x8C00, s6;
	s24 =	sshrl.u32 s23, $0x3  }
0xd: {  	s9 =	sor.u32 $0x7000, s6;
	s26 =	sshrl.u32 s25, $0x3;
	[dreg:$0x4] =	wrdreg s24  }
0xe: {  	s12 =	sor.u32 $0x5400, s6;
	s8 =	sshrl.u32 s4, $0x3;
	[dreg:$0x5] =	wrdreg s26  }
0xf: {  	s14 =	sor.u32 $0x1A400, s6;
	s11 =	sshrl.u32 s9, $0x3;
	[dreg:$0x6] =	wrdreg s8  }
0x10: {  	s16 =	sor.u32 $0x18800, s6;
	s13 =	sshrl.u32 s12, $0x3;
	[dreg:$0x7] =	wrdreg s11  }
0x11: {  	s18 =	sor.u32 $0x16C00, s6;
	s15 =	sshrl.u32 s14, $0x3;
	[dreg:$0x8] =	wrdreg s13  }
0x12: {  	s20 =	sor.u32 $0x15000, s6;
	s17 =	sshrl.u32 s16, $0x3;
	[dreg:$0x9] =	wrdreg s15  }
0x13: {  	s22 =	sor.u32 $0x13400, s6;
	s19 =	sshrl.u32 s18, $0x3;
	[dreg:$0xa] =	wrdreg s17  }
0x14: {  	s21 =	sshrl.u32 s20, $0x3;
	s23 =	sshrl.u32 s22, $0x3;
	[dreg:$0xb] =	wrdreg s19  }
0x15: {  	s0 =	sadd.s32 s0, s7;
	s7 =	simm.s32 $0x3;
	[dreg:$0xc] =	wrdreg s21  }
0x16: {  	s12 =	simm.s32 $0x80;
	s14 =	simm.s32 $0x2;
	[dreg:$0xd] =	wrdreg s23  }
0x17: {  	s4 =	simm.s32 $0x0;
	s24 =	sor.u32 $0x11800, s6;
	[dreg:$0x10] =	wrdreg s0  }
0x18: {  	s26 =	smax.u32 s1, $0x1;
	s8 =	simm.s32 $0x32;
	s0 =	simm.s32 $0x12B80  }
0x19: {  	s1 =	simm.s32 $0x1;
	s15 =	simm.s32 $0x7000;
	s17 =	simm.s32 $0x7C80  }
0x1a: {  	s19 =	simm.s32 $0x8900;
	s21 =	simm.s32 $0x9580;
	s23 =	simm.s32 $0xA200  }
0x1b: {  	s25 =	sshrl.u32 s24, $0x3;
	[dreg:$0x11] =	wrdreg s26;
	s24 =	simm.s32 $0xD400  }
0x1c: {  	s26 =	simm.s32 $0xED00;
	[dreg:$0xe] =	wrdreg s25;
	s25 =	simm.s32 $0xE080  }
.LBB2_1:
0x1d: {  	[dreg:$0x12] =	wrdreg s4  }
0x1e: {  	s2 =	simm.s32 $0x0;
	s9 =	rddreg [dreg:$0x10]  }
0x1f: {  	[tilespmem:s2], [sflag:$0x3] =	stream.linear.gather [hbm4b:s9+s2], $0x7000, $0x38;
	[tilespmem:$0x13800] =	vst v63  }
0x20: {  	_ =	swait.ge [sflag:s7], $0x7000  }
0x21: {  	[sflag:s7] =	ssyncset.done $0x0  }
0x22: {  	s5 =	simm.s32 $0x7000;
	[sflag:s7] =	ssyncadd.s32 $0xFFFF9000  }
0x23: {  	[tilespmem:s5], [sflag:$0x1] =	stream.indirect.gather [hbm4b:s3+s8], $0x40, s2, s8, $0xb8;
	[tilespmem:$0x13800] =	vst v63  }
0x24: {  	s11 =	simm.s32 $0x38;
	s6 =	simm.s32 $0x7C80  }
0x25: {  	[tilespmem:s6], [sflag:$0x1] =	stream.indirect.gather [hbm4b:s3+s8], $0x40, s11, s8, $0xb8;
	[tilespmem:$0x13800] =	vst v63  }
0x26: {  	s13 =	simm.s32 $0x70;
	s9 =	simm.s32 $0x8900  }
0x27: {  	[tilespmem:s9], [sflag:$0x1] =	stream.indirect.gather [hbm4b:s3+s8], $0x40, s13, s8, $0xb8;
	[tilespmem:$0x13800] =	vst v63  }
0x28: {  	s16 =	simm.s32 $0xA8;
	s11 =	simm.s32 $0x9580  }
0x29: {  	[tilespmem:s11], [sflag:$0x1] =	stream.indirect.gather [hbm4b:s3+s8], $0x40, s16, s8, $0xb8;
	[tilespmem:$0x13800] =	vst v63  }
0x2a: {  	s18 =	simm.s32 $0xE0;
	s13 =	simm.s32 $0xA200  }
0x2b: {  	[tilespmem:s13], [sflag:$0x1] =	stream.indirect.gather [hbm4b:s3+s8], $0x40, s18, s8, $0xb8;
	[tilespmem:$0x13800] =	vst v63  }
0x2c: {  	s20 =	simm.s32 $0x118;
	s16 =	simm.s32 $0xAE80  }
0x2d: {  	[tilespmem:s16], [sflag:$0x1] =	stream.indirect.gather [hbm4b:s3+s8], $0x40, s20, s8, $0xb8;
	[tilespmem:$0x13800] =	vst v63  }
0x2e: {  	s22 =	simm.s32 $0x150;
	s18 =	simm.s32 $0xBB00  }
0x2f: {  	[tilespmem:s18], [sflag:$0x1] =	stream.indirect.gather [hbm4b:s3+s8], $0x40, s22, s8, $0xb8;
	[tilespmem:$0x13800] =	vst v63  }
0x30: {  	s4 =	simm.s32 $0x188;
	s20 =	simm.s32 $0xC780  }
0x31: {  	[tilespmem:s20], [sflag:$0x1] =	stream.indirect.gather [hbm4b:s3+s8], $0x40, s4, s8, $0xb8;
	[tilespmem:$0x13800] =	vst v63  }
0x32: {  	s22 =	simm.s32 $0x1C0  }
0x33: {  	[tilespmem:s24], [sflag:$0x2] =	stream.indirect.gather [hbm4b:s3+s8], $0x40, s22, s8, $0xb8;
	[tilespmem:$0x13800] =	vst v63  }
0x34: {  	s4 =	simm.s32 $0x1F8  }
0x35: {  	[tilespmem:s25], [sflag:$0x2] =	stream.indirect.gather [hbm4b:s3+s8], $0x40, s4, s8, $0xb8;
	[tilespmem:$0x13800] =	vst v63  }
0x36: {  	s22 =	simm.s32 $0x230  }
0x37: {  	[tilespmem:s26], [sflag:$0x2] =	stream.indirect.gather [hbm4b:s3+s8], $0x40, s22, s8, $0xb8;
	[tilespmem:$0x13800] =	vst v63  }
0x38: {  	s4 =	simm.s32 $0x268  }
0x39: {  	[tilespmem:s28], [sflag:$0x2] =	stream.indirect.gather [hbm4b:s3+s8], $0x40, s4, s8, $0xb8;
	[tilespmem:$0x13800] =	vst v63  }
0x3a: {  	s22 =	simm.s32 $0x2A0  }
0x3b: {  	[tilespmem:s29], [sflag:$0x2] =	stream.indirect.gather [hbm4b:s3+s8], $0x40, s22, s8, $0xb8;
	[tilespmem:$0x13800] =	vst v63  }
0x3c: {  	s4 =	simm.s32 $0x2D8  }
0x3d: {  	[tilespmem:s30], [sflag:$0x2] =	stream.indirect.gather [hbm4b:s3+s8], $0x40, s4, s8, $0xb8;
	[tilespmem:$0x13800] =	vst v63  }
0x3e: {  	s22 =	simm.s32 $0x310  }
0x3f: {  	[tilespmem:s31], [sflag:$0x2] =	stream.indirect.gather [hbm4b:s3+s8], $0x40, s22, s8, $0xb8;
	[tilespmem:$0x13800] =	vst v63  }
0x40: {  	s4 =	simm.s32 $0x348  }
0x41: {  	[tilespmem:s0], [sflag:$0x2] =	stream.indirect.gather [hbm4b:s3+s8], $0x40, s4, s8, $0xb8;
	[tilespmem:$0x13800] =	vst v63  }
0x42: {  	_ =	swait.ge [sflag:s1], $0xC80  }
0x43: {  	s22 =	rddreg [dreg:$0x3]  }
0x44: {  	[sflag:s1] =	ssyncset.done $0x0;
	s4 =	rddreg [dreg:$0xf]  }
0x45: {  	[sflag:s1] =	ssyncadd.s32 $0xFFFFF380;
	s2 =	sadd.s32 s4, s22  }
0x46: {  	[hbm4b:s2+s10] =	stream.strided.scatter [tilespmem:s5], [sflag:$0x3], $0xC80, s12, s10, $0x38;
	[tilespmem:$0x13800] =	vst v63  }
0x47: {  	_ =	swait.ge [sflag:s7], $0xC80  }
0x48: {  	[sflag:s7] =	ssyncset.done $0x0  }
0x49: {  	[sflag:s7] =	ssyncadd.s32 $0xFFFFF380  }
0x4a: {  	_ =	swait.ge [sflag:s1], $0xC80  }
0x4b: {  	[sflag:s1] =	ssyncset.done $0x0  }
0x4c: {  	s22 =	sadd.s32 $0x380, s2;
	[sflag:s1] =	ssyncadd.s32 $0xFFFFF380  }
0x4d: {  	[hbm4b:s22+s10] =	stream.strided.scatter [tilespmem:s6], [sflag:$0x3], $0xC80, s12, s10, $0x38;
	[tilespmem:$0x13800] =	vst v63  }
0x4e: {  	_ =	swait.ge [sflag:s7], $0xC80  }
0x4f: {  	[sflag:s7] =	ssyncset.done $0x0  }
0x50: {  	[sflag:s7] =	ssyncadd.s32 $0xFFFFF380  }
0x51: {  	_ =	swait.ge [sflag:s1], $0xC80  }
0x52: {  	[sflag:s1] =	ssyncset.done $0x0  }
0x53: {  	s6 =	sadd.s32 $0x700, s2;
	[sflag:s1] =	ssyncadd.s32 $0xFFFFF380  }
0x54: {  	[hbm4b:s6+s10] =	stream.strided.scatter [tilespmem:s9], [sflag:$0x3], $0xC80, s12, s10, $0x38;
	[tilespmem:$0x13800] =	vst v63  }
0x55: {  	_ =	swait.ge [sflag:s7], $0xC80  }
0x56: {  	[sflag:s7] =	ssyncset.done $0x0  }
0x57: {  	[sflag:s7] =	ssyncadd.s32 $0xFFFFF380  }
0x58: {  	_ =	swait.ge [sflag:s1], $0xC80  }
0x59: {  	s9 =	rddreg [dreg:$0x8];
	[sflag:s1] =	ssyncset.done $0x0  }
0x5a: {  	[sflag:s1] =	ssyncadd.s32 $0xFFFFF380;
	s5 =	sadd.s32 s4, s9  }
0x5b: {  	[hbm4b:s5+s10] =	stream.strided.scatter [tilespmem:s11], [sflag:$0x3], $0xC80, s12, s10, $0x38;
	[tilespmem:$0x13800] =	vst v63  }
0x5c: {  	_ =	swait.ge [sflag:s7], $0xC80  }
0x5d: {  	[sflag:s7] =	ssyncset.done $0x0  }
0x5e: {  	[sflag:s7] =	ssyncadd.s32 $0xFFFFF380  }
0x5f: {  	_ =	swait.ge [sflag:s1], $0xC80  }
0x60: {  	s11 =	rddreg [dreg:$0x7];
	[sflag:s1] =	ssyncset.done $0x0  }
0x61: {  	[sflag:s1] =	ssyncadd.s32 $0xFFFFF380;
	s5 =	sadd.s32 s4, s11  }
0x62: {  	[hbm4b:s5+s10] =	stream.strided.scatter [tilespmem:s13], [sflag:$0x3], $0xC80, s12, s10, $0x38;
	[tilespmem:$0x13800] =	vst v63  }
0x63: {  	_ =	swait.ge [sflag:s7], $0xC80  }
0x64: {  	[sflag:s7] =	ssyncset.done $0x0  }
0x65: {  	[sflag:s7] =	ssyncadd.s32 $0xFFFFF380  }
0x66: {  	_ =	swait.ge [sflag:s1], $0xC80  }
0x67: {  	s13 =	rddreg [dreg:$0x6];
	[sflag:s1] =	ssyncset.done $0x0  }
0x68: {  	[sflag:s1] =	ssyncadd.s32 $0xFFFFF380;
	s5 =	sadd.s32 s4, s13  }
0x69: {  	[hbm4b:s5+s10] =	stream.strided.scatter [tilespmem:s16], [sflag:$0x3], $0xC80, s12, s10, $0x38;
	[tilespmem:$0x13800] =	vst v63  }
0x6a: {  	_ =	swait.ge [sflag:s7], $0xC80  }
0x6b: {  	[sflag:s7] =	ssyncset.done $0x0  }
0x6c: {  	[sflag:s7] =	ssyncadd.s32 $0xFFFFF380  }
0x6d: {  	_ =	swait.ge [sflag:s1], $0xC80  }
0x6e: {  	s22 =	rddreg [dreg:$0x5];
	[sflag:s1] =	ssyncset.done $0x0  }
0x6f: {  	[sflag:s1] =	ssyncadd.s32 $0xFFFFF380;
	s5 =	sadd.s32 s4, s22  }
0x70: {  	[hbm4b:s5+s10] =	stream.strided.scatter [tilespmem:s18], [sflag:$0x3], $0xC80, s12, s10, $0x38;
	[tilespmem:$0x13800] =	vst v63  }
0x71: {  	_ =	swait.ge [sflag:s7], $0xC80  }
0x72: {  	[sflag:s7] =	ssyncset.done $0x0  }
0x73: {  	[sflag:s7] =	ssyncadd.s32 $0xFFFFF380  }
0x74: {  	_ =	swait.ge [sflag:s1], $0xC80  }
0x75: {  	s6 =	rddreg [dreg:$0x4];
	[sflag:s1] =	ssyncset.done $0x0  }
0x76: {  	[sflag:s1] =	ssyncadd.s32 $0xFFFFF380;
	s5 =	sadd.s32 s4, s6  }
0x77: {  	[hbm4b:s5+s10] =	stream.strided.scatter [tilespmem:s20], [sflag:$0x3], $0xC80, s12, s10, $0x38;
	[tilespmem:$0x13800] =	vst v63  }
0x78: {  	p0 =	por $0x0, $0x0;
	_ =	swait.ge [sflag:s7], $0xC80  }
0x79: {  	s18 =	simm.s32 @!p0 $0x380;
	[sflag:s7] =	ssyncset.done $0x0  }
0x7a: {  	s5 =	simm.s32 @!p0 $0x7000;
	s20 =	simm.s32 @!p0 $0x32;
	[sflag:s7] =	ssyncadd.s32 $0xFFFFF380  }
0x7b: {  	[tilespmem:s5], [sflag:$0x1] =	stream.indirect.gather @!p0 [hbm4b:s3+s20], $0x40, s18, s20, $0xb8;
	[tilespmem:$0x13800] =	vst v63  }
0x7c: {  	s5 =	simm.s32 @!p0 $0x3B8;
	s18 =	simm.s32 @!p0 $0x7C80  }
0x7d: {  	[tilespmem:s18], [sflag:$0x1] =	stream.indirect.gather @!p0 [hbm4b:s3+s20], $0x40, s5, s20, $0xb8;
	[tilespmem:$0x13800] =	vst v63  }
0x7e: {  	s5 =	simm.s32 @!p0 $0x3F0;
	s18 =	simm.s32 @!p0 $0x8900  }
0x7f: {  	[tilespmem:s18], [sflag:$0x1] =	stream.indirect.gather @!p0 [hbm4b:s3+s20], $0x40, s5, s20, $0xb8;
	[tilespmem:$0x13800] =	vst v63  }
0x80: {  	s5 =	simm.s32 @!p0 $0x428;
	s18 =	simm.s32 @!p0 $0x9580  }
0x81: {  	[tilespmem:s18], [sflag:$0x1] =	stream.indirect.gather @!p0 [hbm4b:s3+s20], $0x40, s5, s20, $0xb8;
	[tilespmem:$0x13800] =	vst v63  }
0x82: {  	s5 =	simm.s32 @!p0 $0x460;
	s18 =	simm.s32 @!p0 $0xA200  }
0x83: {  	[tilespmem:s18], [sflag:$0x1] =	stream.indirect.gather @!p0 [hbm4b:s3+s20], $0x40, s5, s20, $0xb8;
	[tilespmem:$0x13800] =	vst v63  }
0x84: {  	s5 =	simm.s32 @!p0 $0x498;
	s18 =	simm.s32 @!p0 $0xAE80  }
0x85: {  	[tilespmem:s18], [sflag:$0x1] =	stream.indirect.gather @!p0 [hbm4b:s3+s20], $0x40, s5, s20, $0xb8;
	[tilespmem:$0x13800] =	vst v63  }
0x86: {  	s5 =	simm.s32 @!p0 $0x4D0;
	s18 =	simm.s32 @!p0 $0xBB00  }
0x87: {  	[tilespmem:s18], [sflag:$0x1] =	stream.indirect.gather @!p0 [hbm4b:s3+s20], $0x40, s5, s20, $0xb8;
	[tilespmem:$0x13800] =	vst v63  }
0x88: {  	s5 =	simm.s32 @!p0 $0x508;
	s18 =	simm.s32 @!p0 $0xC780  }
0x89: {  	[tilespmem:s18], [sflag:$0x1] =	stream.indirect.gather @!p0 [hbm4b:s3+s20], $0x40, s5, s20, $0xb8;
	[tilespmem:$0x13800] =	vst v63  }
0x8a: {  	_ =	swait.ge [sflag:s14], $0xC80  }
0x8b: {  	[sflag:s14] =	ssyncset.done $0x0  }
0x8c: {  	s9 =	sadd.s32 $0x1C00, s2;
	[sflag:s14] =	ssyncadd.s32 $0xFFFFF380  }
0x8d: {  	[hbm4b:s9+s10] =	stream.strided.scatter [tilespmem:s24], [sflag:$0x3], $0xC80, s12, s10, $0x38;
	[tilespmem:$0x13800] =	vst v63  }
0x8e: {  	_ =	swait.ge [sflag:s7], $0xC80  }
0x8f: {  	[sflag:s7] =	ssyncset.done $0x0  }
0x90: {  	[sflag:s7] =	ssyncadd.s32 $0xFFFFF380  }
0x91: {  	_ =	swait.ge [sflag:s14], $0xC80  }
0x92: {  	[sflag:s14] =	ssyncset.done $0x0  }
0x93: {  	s2 =	sadd.s32 $0x1F80, s2;
	[sflag:s14] =	ssyncadd.s32 $0xFFFFF380  }
0x94: {  	[hbm4b:s2+s10] =	stream.strided.scatter [tilespmem:s25], [sflag:$0x3], $0xC80, s12, s10, $0x38;
	[tilespmem:$0x13800] =	vst v63  }
0x95: {  	_ =	swait.ge [sflag:s7], $0xC80  }
0x96: {  	[sflag:s7] =	ssyncset.done $0x0  }
0x97: {  	[sflag:s7] =	ssyncadd.s32 $0xFFFFF380  }
0x98: {  	_ =	swait.ge [sflag:s14], $0xC80  }
0x99: {  	s11 =	rddreg [dreg:$0xe];
	[sflag:s14] =	ssyncset.done $0x0  }
0x9a: {  	[sflag:s14] =	ssyncadd.s32 $0xFFFFF380;
	s2 =	sadd.s32 s4, s11  }
0x9b: {  	[hbm4b:s2+s10] =	stream.strided.scatter [tilespmem:s26], [sflag:$0x3], $0xC80, s12, s10, $0x38;
	[tilespmem:$0x13800] =	vst v63  }
0x9c: {  	_ =	swait.ge [sflag:s7], $0xC80  }
0x9d: {  	[sflag:s7] =	ssyncset.done $0x0  }
0x9e: {  	[sflag:s7] =	ssyncadd.s32 $0xFFFFF380  }
0x9f: {  	_ =	swait.ge [sflag:s14], $0xC80  }
0xa0: {  	s13 =	rddreg [dreg:$0xd];
	[sflag:s14] =	ssyncset.done $0x0  }
0xa1: {  	[sflag:s14] =	ssyncadd.s32 $0xFFFFF380;
	s2 =	sadd.s32 s4, s13  }
0xa2: {  	[hbm4b:s2+s10] =	stream.strided.scatter [tilespmem:s28], [sflag:$0x3], $0xC80, s12, s10, $0x38;
	[tilespmem:$0x13800] =	vst v63  }
0xa3: {  	_ =	swait.ge [sflag:s7], $0xC80  }
0xa4: {  	[sflag:s7] =	ssyncset.done $0x0  }
0xa5: {  	[sflag:s7] =	ssyncadd.s32 $0xFFFFF380  }
0xa6: {  	_ =	swait.ge [sflag:s14], $0xC80  }
0xa7: {  	s16 =	rddreg [dreg:$0xc];
	[sflag:s14] =	ssyncset.done $0x0  }
0xa8: {  	[sflag:s14] =	ssyncadd.s32 $0xFFFFF380;
	s2 =	sadd.s32 s4, s16  }
0xa9: {  	[hbm4b:s2+s10] =	stream.strided.scatter [tilespmem:s29], [sflag:$0x3], $0xC80, s12, s10, $0x38;
	[tilespmem:$0x13800] =	vst v63  }
0xaa: {  	_ =	swait.ge [sflag:s7], $0xC80  }
0xab: {  	[sflag:s7] =	ssyncset.done $0x0  }
0xac: {  	[sflag:s7] =	ssyncadd.s32 $0xFFFFF380  }
0xad: {  	_ =	swait.ge [sflag:s14], $0xC80  }
0xae: {  	s18 =	rddreg [dreg:$0xb];
	[sflag:s14] =	ssyncset.done $0x0  }
0xaf: {  	[sflag:s14] =	ssyncadd.s32 $0xFFFFF380;
	s2 =	sadd.s32 s4, s18  }
0xb0: {  	[hbm4b:s2+s10] =	stream.strided.scatter [tilespmem:s30], [sflag:$0x3], $0xC80, s12, s10, $0x38;
	[tilespmem:$0x13800] =	vst v63  }
0xb1: {  	_ =	swait.ge [sflag:s7], $0xC80  }
0xb2: {  	[sflag:s7] =	ssyncset.done $0x0  }
0xb3: {  	[sflag:s7] =	ssyncadd.s32 $0xFFFFF380  }
0xb4: {  	_ =	swait.ge [sflag:s14], $0xC80  }
0xb5: {  	s20 =	rddreg [dreg:$0xa];
	[sflag:s14] =	ssyncset.done $0x0  }
0xb6: {  	[sflag:s14] =	ssyncadd.s32 $0xFFFFF380;
	s2 =	sadd.s32 s4, s20  }
0xb7: {  	[hbm4b:s2+s10] =	stream.strided.scatter [tilespmem:s31], [sflag:$0x3], $0xC80, s12, s10, $0x38;
	[tilespmem:$0x13800] =	vst v63  }
0xb8: {  	_ =	swait.ge [sflag:s7], $0xC80  }
0xb9: {  	[sflag:s7] =	ssyncset.done $0x0  }
0xba: {  	[sflag:s7] =	ssyncadd.s32 $0xFFFFF380  }
0xbb: {  	_ =	swait.ge [sflag:s14], $0xC80  }
0xbc: {  	s22 =	rddreg [dreg:$0x9];
	[sflag:s14] =	ssyncset.done $0x0  }
0xbd: {  	[sflag:s14] =	ssyncadd.s32 $0xFFFFF380;
	s2 =	sadd.s32 s4, s22  }
0xbe: {  	[hbm4b:s2+s10] =	stream.strided.scatter [tilespmem:s0], [sflag:$0x3], $0xC80, s12, s10, $0x38;
	[tilespmem:$0x13800] =	vst v63  }
0xbf: {  	s5 =	simm.s32 $0x380;
	s18 =	sadd.s32 $0x3800, s4;
	_ =	swait.ge [sflag:s7], $0xC80  }
0xc0: {  	s20 =	simm.s32 $0xE00;
	s22 =	simm.s32 $0x1C00;
	[sflag:s7] =	ssyncset.done $0x0  }
.LBB2_2:
0xc1: {  	s6 =	sadd.s32 $0x1C0, s5;
	[sflag:s7] =	ssyncadd.s32 $0xFFFFF380  }
0xc2: {  	[tilespmem:s24], [sflag:$0x2] =	stream.indirect.gather [hbm4b:s3+s8], $0x40, s6, s8, $0xb8;
	[tilespmem:$0x13800] =	vst v63  }
0xc3: {  	s11 =	sadd.s32 $0x1F8, s5  }
0xc4: {  	[tilespmem:s25], [sflag:$0x2] =	stream.indirect.gather [hbm4b:s3+s8], $0x40, s11, s8, $0xb8;
	[tilespmem:$0x13800] =	vst v63  }
0xc5: {  	s13 =	sadd.s32 $0x230, s5  }
0xc6: {  	[tilespmem:s26], [sflag:$0x2] =	stream.indirect.gather [hbm4b:s3+s8], $0x40, s13, s8, $0xb8;
	[tilespmem:$0x13800] =	vst v63  }
0xc7: {  	s16 =	sadd.s32 $0x268, s5  }
0xc8: {  	[tilespmem:s28], [sflag:$0x2] =	stream.indirect.gather [hbm4b:s3+s8], $0x40, s16, s8, $0xb8;
	[tilespmem:$0x13800] =	vst v63  }
0xc9: {  	s4 =	sadd.s32 $0x2A0, s5  }
0xca: {  	[tilespmem:s29], [sflag:$0x2] =	stream.indirect.gather [hbm4b:s3+s8], $0x40, s4, s8, $0xb8;
	[tilespmem:$0x13800] =	vst v63  }
0xcb: {  	s9 =	sadd.s32 $0x2D8, s5  }
0xcc: {  	[tilespmem:s30], [sflag:$0x2] =	stream.indirect.gather [hbm4b:s3+s8], $0x40, s9, s8, $0xb8;
	[tilespmem:$0x13800] =	vst v63  }
0xcd: {  	s11 =	sadd.s32 $0x310, s5  }
0xce: {  	[tilespmem:s31], [sflag:$0x2] =	stream.indirect.gather [hbm4b:s3+s8], $0x40, s11, s8, $0xb8;
	[tilespmem:$0x13800] =	vst v63  }
0xcf: {  	s13 =	sadd.s32 $0x348, s5  }
0xd0: {  	[tilespmem:s0], [sflag:$0x2] =	stream.indirect.gather [hbm4b:s3+s8], $0x40, s13, s8, $0xb8;
	[tilespmem:$0x13800] =	vst v63  }
0xd1: {  	_ =	swait.ge [sflag:s1], $0xC80  }
0xd2: {  	s16 =	rddreg [dreg:$0x3];
	[sflag:s1] =	ssyncset.done $0x0  }
0xd3: {  	[sflag:s1] =	ssyncadd.s32 $0xFFFFF380;
	s5 =	sadd.s32 s18, s16  }
0xd4: {  	[hbm4b:s5+s10] =	stream.strided.scatter [tilespmem:s15], [sflag:$0x3], $0xC80, s12, s10, $0x38;
	[tilespmem:$0x13800] =	vst v63  }
0xd5: {  	_ =	swait.ge [sflag:s7], $0xC80  }
0xd6: {  	[sflag:s7] =	ssyncset.done $0x0  }
0xd7: {  	[sflag:s7] =	ssyncadd.s32 $0xFFFFF380  }
0xd8: {  	_ =	swait.ge [sflag:s1], $0xC80  }
0xd9: {  	[sflag:s1] =	ssyncset.done $0x0  }
0xda: {  	s4 =	sadd.s32 $0x380, s5;
	[sflag:s1] =	ssyncadd.s32 $0xFFFFF380  }
0xdb: {  	[hbm4b:s4+s10] =	stream.strided.scatter [tilespmem:s17], [sflag:$0x3], $0xC80, s12, s10, $0x38;
	[tilespmem:$0x13800] =	vst v63  }
0xdc: {  	_ =	swait.ge [sflag:s7], $0xC80  }
0xdd: {  	[sflag:s7] =	ssyncset.done $0x0  }
0xde: {  	[sflag:s7] =	ssyncadd.s32 $0xFFFFF380  }
0xdf: {  	_ =	swait.ge [sflag:s1], $0xC80  }
0xe0: {  	[sflag:s1] =	ssyncset.done $0x0  }
0xe1: {  	s9 =	sadd.s32 $0x700, s5;
	[sflag:s1] =	ssyncadd.s32 $0xFFFFF380  }
0xe2: {  	[hbm4b:s9+s10] =	stream.strided.scatter [tilespmem:s19], [sflag:$0x3], $0xC80, s12, s10, $0x38;
	[tilespmem:$0x13800] =	vst v63  }
0xe3: {  	_ =	swait.ge [sflag:s7], $0xC80  }
0xe4: {  	[sflag:s7] =	ssyncset.done $0x0  }
0xe5: {  	[sflag:s7] =	ssyncadd.s32 $0xFFFFF380  }
0xe6: {  	_ =	swait.ge [sflag:s1], $0xC80  }
0xe7: {  	s11 =	rddreg [dreg:$0x8];
	[sflag:s1] =	ssyncset.done $0x0  }
0xe8: {  	[sflag:s1] =	ssyncadd.s32 $0xFFFFF380;
	s6 =	sadd.s32 s18, s11  }
0xe9: {  	[hbm4b:s6+s10] =	stream.strided.scatter [tilespmem:s21], [sflag:$0x3], $0xC80, s12, s10, $0x38;
	[tilespmem:$0x13800] =	vst v63  }
0xea: {  	_ =	swait.ge [sflag:s7], $0xC80  }
0xeb: {  	[sflag:s7] =	ssyncset.done $0x0  }
0xec: {  	[sflag:s7] =	ssyncadd.s32 $0xFFFFF380  }
0xed: {  	_ =	swait.ge [sflag:s1], $0xC80  }
0xee: {  	s13 =	rddreg [dreg:$0x7];
	[sflag:s1] =	ssyncset.done $0x0  }
0xef: {  	[sflag:s1] =	ssyncadd.s32 $0xFFFFF380;
	s6 =	sadd.s32 s18, s13  }
0xf0: {  	[hbm4b:s6+s10] =	stream.strided.scatter [tilespmem:s23], [sflag:$0x3], $0xC80, s12, s10, $0x38;
	[tilespmem:$0x13800] =	vst v63  }
0xf1: {  	_ =	swait.ge [sflag:s7], $0xC80  }
0xf2: {  	[sflag:s7] =	ssyncset.done $0x0  }
0xf3: {  	[sflag:s7] =	ssyncadd.s32 $0xFFFFF380  }
0xf4: {  	_ =	swait.ge [sflag:s1], $0xC80  }
0xf5: {  	s16 =	rddreg [dreg:$0x6];
	[sflag:s1] =	ssyncset.done $0x0  }
0xf6: {  	s4 =	simm.s32 $0xAE80;
	[sflag:s1] =	ssyncadd.s32 $0xFFFFF380;
	s6 =	sadd.s32 s18, s16  }
0xf7: {  	[hbm4b:s6+s10] =	stream.strided.scatter [tilespmem:s4], [sflag:$0x3], $0xC80, s12, s10, $0x38;
	[tilespmem:$0x13800] =	vst v63  }
0xf8: {  	_ =	swait.ge [sflag:s7], $0xC80  }
0xf9: {  	[sflag:s7] =	ssyncset.done $0x0  }
0xfa: {  	[sflag:s7] =	ssyncadd.s32 $0xFFFFF380  }
0xfb: {  	_ =	swait.ge [sflag:s1], $0xC80  }
0xfc: {  	s4 =	rddreg [dreg:$0x5];
	[sflag:s1] =	ssyncset.done $0x0  }
0xfd: {  	s9 =	simm.s32 $0xBB00;
	[sflag:s1] =	ssyncadd.s32 $0xFFFFF380;
	s6 =	sadd.s32 s18, s4  }
0xfe: {  	[hbm4b:s6+s10] =	stream.strided.scatter [tilespmem:s9], [sflag:$0x3], $0xC80, s12, s10, $0x38;
	[tilespmem:$0x13800] =	vst v63  }
0xff: {  	_ =	swait.ge [sflag:s7], $0xC80  }
0x100: {  	[sflag:s7] =	ssyncset.done $0x0  }
0x101: {  	[sflag:s7] =	ssyncadd.s32 $0xFFFFF380  }
0x102: {  	_ =	swait.ge [sflag:s1], $0xC80  }
0x103: {  	s11 =	rddreg [dreg:$0x4];
	[sflag:s1] =	ssyncset.done $0x0  }
0x104: {  	s13 =	simm.s32 $0xC780;
	[sflag:s1] =	ssyncadd.s32 $0xFFFFF380;
	s6 =	sadd.s32 s18, s11  }
0x105: {  	[hbm4b:s6+s10] =	stream.strided.scatter [tilespmem:s13], [sflag:$0x3], $0xC80, s12, s10, $0x38;
	[tilespmem:$0x13800] =	vst v63  }
0x106: {  	p1 =	seq.s32 s20, $0x1B200;
	_ =	swait.ge [sflag:s7], $0xC80  }
0x107: {  	s4 =	simm.s32 @!p1 $0x32;
	s6 =	sshra.s32 @!p1 s20, $0x2;
	[sflag:s7] =	ssyncset.done $0x0  }
0x108: {  	s20 =	simm.s32 @!p1 $0x7000;
	s16 =	sadd.s32 @!p1 $0x380, s6;
	[sflag:s7] =	ssyncadd.s32 $0xFFFFF380  }
0x109: {  	[tilespmem:s20], [sflag:$0x1] =	stream.indirect.gather @!p1 [hbm4b:s3+s4], $0x40, s16, s4, $0xb8;
	[tilespmem:$0x13800] =	vst v63  }
0x10a: {  	s16 =	sadd.s32 @!p1 $0x3B8, s6;
	s20 =	simm.s32 @!p1 $0x7C80  }
0x10b: {  	[tilespmem:s20], [sflag:$0x1] =	stream.indirect.gather @!p1 [hbm4b:s3+s4], $0x40, s16, s4, $0xb8;
	[tilespmem:$0x13800] =	vst v63  }
0x10c: {  	s9 =	sadd.s32 @!p1 $0x3F0, s6;
	s16 =	simm.s32 @!p1 $0x8900  }
0x10d: {  	[tilespmem:s16], [sflag:$0x1] =	stream.indirect.gather @!p1 [hbm4b:s3+s4], $0x40, s9, s4, $0xb8;
	[tilespmem:$0x13800] =	vst v63  }
0x10e: {  	s20 =	sadd.s32 @!p1 $0x428, s6;
	s9 =	simm.s32 @!p1 $0x9580  }
0x10f: {  	[tilespmem:s9], [sflag:$0x1] =	stream.indirect.gather @!p1 [hbm4b:s3+s4], $0x40, s20, s4, $0xb8;
	[tilespmem:$0x13800] =	vst v63  }
0x110: {  	s2 =	smov.u32 s22;
	s11 =	sadd.s32 @!p1 $0x460, s6;
	s9 =	simm.s32 @!p1 $0xA200  }
0x111: {  	[tilespmem:s9], [sflag:$0x1] =	stream.indirect.gather @!p1 [hbm4b:s3+s4], $0x40, s11, s4, $0xb8;
	[tilespmem:$0x13800] =	vst v63  }
0x112: {  	s16 =	sadd.s32 @!p1 $0x498, s6;
	s20 =	smov.u32 s2;
	s2 =	simm.s32 @!p1 $0xAE80  }
0x113: {  	[tilespmem:s2], [sflag:$0x1] =	stream.indirect.gather @!p1 [hbm4b:s3+s4], $0x40, s16, s4, $0xb8;
	[tilespmem:$0x13800] =	vst v63  }
0x114: {  	s13 =	sadd.s32 @!p1 $0x4D0, s6;
	s2 =	simm.s32 @!p1 $0xBB00  }
0x115: {  	[tilespmem:s2], [sflag:$0x1] =	stream.indirect.gather @!p1 [hbm4b:s3+s4], $0x40, s13, s4, $0xb8;
	[tilespmem:$0x13800] =	vst v63  }
0x116: {  	s6 =	sadd.s32 @!p1 $0x508, s6;
	s2 =	simm.s32 @!p1 $0xC780  }
0x117: {  	[tilespmem:s2], [sflag:$0x1] =	stream.indirect.gather @!p1 [hbm4b:s3+s4], $0x40, s6, s4, $0xb8;
	[tilespmem:$0x13800] =	vst v63  }
0x118: {  	_ =	swait.ge [sflag:s14], $0xC80  }
0x119: {  	[sflag:s14] =	ssyncset.done $0x0  }
0x11a: {  	s16 =	sadd.s32 $0x1C00, s5;
	[sflag:s14] =	ssyncadd.s32 $0xFFFFF380  }
0x11b: {  	[hbm4b:s16+s10] =	stream.strided.scatter [tilespmem:s24], [sflag:$0x3], $0xC80, s12, s10, $0x38;
	[tilespmem:$0x13800] =	vst v63  }
0x11c: {  	_ =	swait.ge [sflag:s7], $0xC80  }
0x11d: {  	[sflag:s7] =	ssyncset.done $0x0  }
0x11e: {  	[sflag:s7] =	ssyncadd.s32 $0xFFFFF380  }
0x11f: {  	_ =	swait.ge [sflag:s14], $0xC80  }
0x120: {  	[sflag:s14] =	ssyncset.done $0x0  }
0x121: {  	s4 =	sadd.s32 $0x1F80, s5;
	[sflag:s14] =	ssyncadd.s32 $0xFFFFF380  }
0x122: {  	[hbm4b:s4+s10] =	stream.strided.scatter [tilespmem:s25], [sflag:$0x3], $0xC80, s12, s10, $0x38;
	[tilespmem:$0x13800] =	vst v63  }
0x123: {  	_ =	swait.ge [sflag:s7], $0xC80  }
0x124: {  	[sflag:s7] =	ssyncset.done $0x0  }
0x125: {  	[sflag:s7] =	ssyncadd.s32 $0xFFFFF380  }
0x126: {  	_ =	swait.ge [sflag:s14], $0xC80  }
0x127: {  	s5 =	rddreg [dreg:$0xe];
	[sflag:s14] =	ssyncset.done $0x0  }
0x128: {  	[sflag:s14] =	ssyncadd.s32 $0xFFFFF380;
	s2 =	sadd.s32 s18, s5  }
0x129: {  	[hbm4b:s2+s10] =	stream.strided.scatter [tilespmem:s26], [sflag:$0x3], $0xC80, s12, s10, $0x38;
	[tilespmem:$0x13800] =	vst v63  }
0x12a: {  	_ =	swait.ge [sflag:s7], $0xC80  }
0x12b: {  	[sflag:s7] =	ssyncset.done $0x0  }
0x12c: {  	[sflag:s7] =	ssyncadd.s32 $0xFFFFF380  }
0x12d: {  	_ =	swait.ge [sflag:s14], $0xC80  }
0x12e: {  	s6 =	rddreg [dreg:$0xd];
	[sflag:s14] =	ssyncset.done $0x0  }
0x12f: {  	[sflag:s14] =	ssyncadd.s32 $0xFFFFF380;
	s2 =	sadd.s32 s18, s6  }
0x130: {  	[hbm4b:s2+s10] =	stream.strided.scatter [tilespmem:s28], [sflag:$0x3], $0xC80, s12, s10, $0x38;
	[tilespmem:$0x13800] =	vst v63  }
0x131: {  	_ =	swait.ge [sflag:s7], $0xC80  }
0x132: {  	[sflag:s7] =	ssyncset.done $0x0  }
0x133: {  	[sflag:s7] =	ssyncadd.s32 $0xFFFFF380  }
0x134: {  	_ =	swait.ge [sflag:s14], $0xC80  }
0x135: {  	s9 =	rddreg [dreg:$0xc];
	[sflag:s14] =	ssyncset.done $0x0  }
0x136: {  	[sflag:s14] =	ssyncadd.s32 $0xFFFFF380;
	s2 =	sadd.s32 s18, s9  }
0x137: {  	[hbm4b:s2+s10] =	stream.strided.scatter [tilespmem:s29], [sflag:$0x3], $0xC80, s12, s10, $0x38;
	[tilespmem:$0x13800] =	vst v63  }
0x138: {  	_ =	swait.ge [sflag:s7], $0xC80  }
0x139: {  	[sflag:s7] =	ssyncset.done $0x0  }
0x13a: {  	[sflag:s7] =	ssyncadd.s32 $0xFFFFF380  }
0x13b: {  	_ =	swait.ge [sflag:s14], $0xC80  }
0x13c: {  	s11 =	rddreg [dreg:$0xb];
	[sflag:s14] =	ssyncset.done $0x0  }
0x13d: {  	[sflag:s14] =	ssyncadd.s32 $0xFFFFF380;
	s2 =	sadd.s32 s18, s11  }
0x13e: {  	[hbm4b:s2+s10] =	stream.strided.scatter [tilespmem:s30], [sflag:$0x3], $0xC80, s12, s10, $0x38;
	[tilespmem:$0x13800] =	vst v63  }
0x13f: {  	_ =	swait.ge [sflag:s7], $0xC80  }
0x140: {  	[sflag:s7] =	ssyncset.done $0x0  }
0x141: {  	[sflag:s7] =	ssyncadd.s32 $0xFFFFF380  }
0x142: {  	_ =	swait.ge [sflag:s14], $0xC80  }
0x143: {  	s13 =	rddreg [dreg:$0xa];
	[sflag:s14] =	ssyncset.done $0x0  }
0x144: {  	[sflag:s14] =	ssyncadd.s32 $0xFFFFF380;
	s2 =	sadd.s32 s18, s13  }
0x145: {  	[hbm4b:s2+s10] =	stream.strided.scatter [tilespmem:s31], [sflag:$0x3], $0xC80, s12, s10, $0x38;
	[tilespmem:$0x13800] =	vst v63  }
0x146: {  	_ =	swait.ge [sflag:s7], $0xC80  }
0x147: {  	[sflag:s7] =	ssyncset.done $0x0  }
0x148: {  	s22 =	sadd.s32 $0xE00, s22;
	[sflag:s7] =	ssyncadd.s32 $0xFFFFF380  }
0x149: {  	p0 =	sne.s32 s22, $0x1C000;
	_ =	swait.ge [sflag:s14], $0xC80  }
.Ltmp0:
0x14a: {  	s16 =	rddreg [dreg:$0x9];
	[sflag:s14] =	ssyncset.done $0x0;
	(pc) =	sbr.rel @p0 .LBB2_2-.Ltmp0, $4  }
0x14b: {  	[sflag:s14] =	ssyncadd.s32 $0xFFFFF380;
	s2 =	sadd.s32 s18, s16  }
0x14c: {  	[hbm4b:s2+s10] =	stream.strided.scatter [tilespmem:s0], [sflag:$0x3], $0xC80, s12, s10, $0x38;
	[tilespmem:$0x13800] =	vst v63  }
0x14d: {  	_ =	swait.ge [sflag:s7], $0xC80  }
0x14e: {  	s5 =	sshra.s32 s20, $0x2;
	s18 =	sadd.s32 $0x3800, s18;
	[sflag:s7] =	ssyncset.done $0x0  }
0x14f: {  	s2 =	sadd.s32 $0x1C0, s5;
	[sflag:s7] =	ssyncadd.s32 $0xFFFFF380  }
0x150: {  	[tilespmem:s24], [sflag:$0x2] =	stream.indirect.gather [hbm4b:s3+s8], $0x40, s2, s8, $0xb8;
	[tilespmem:$0x13800] =	vst v63  }
0x151: {  	s11 =	sadd.s32 $0x1F8, s5  }
0x152: {  	[tilespmem:s25], [sflag:$0x2] =	stream.indirect.gather [hbm4b:s3+s8], $0x40, s11, s8, $0xb8;
	[tilespmem:$0x13800] =	vst v63  }
0x153: {  	s13 =	sadd.s32 $0x230, s5  }
0x154: {  	[tilespmem:s26], [sflag:$0x2] =	stream.indirect.gather [hbm4b:s3+s8], $0x40, s13, s8, $0xb8;
	[tilespmem:$0x13800] =	vst v63  }
0x155: {  	s16 =	sadd.s32 $0x268, s5  }
0x156: {  	[tilespmem:s28], [sflag:$0x2] =	stream.indirect.gather [hbm4b:s3+s8], $0x40, s16, s8, $0xb8;
	[tilespmem:$0x13800] =	vst v63  }
0x157: {  	s22 =	sadd.s32 $0x2A0, s5  }
0x158: {  	[tilespmem:s29], [sflag:$0x2] =	stream.indirect.gather [hbm4b:s3+s8], $0x40, s22, s8, $0xb8;
	[tilespmem:$0x13800] =	vst v63  }
0x159: {  	s4 =	sadd.s32 $0x2D8, s5  }
0x15a: {  	[tilespmem:s30], [sflag:$0x2] =	stream.indirect.gather [hbm4b:s3+s8], $0x40, s4, s8, $0xb8;
	[tilespmem:$0x13800] =	vst v63  }
0x15b: {  	s6 =	sadd.s32 $0x310, s5  }
0x15c: {  	[tilespmem:s31], [sflag:$0x2] =	stream.indirect.gather [hbm4b:s3+s8], $0x40, s6, s8, $0xb8;
	[tilespmem:$0x13800] =	vst v63  }
0x15d: {  	s9 =	sadd.s32 $0x348, s5  }
0x15e: {  	[tilespmem:s0], [sflag:$0x2] =	stream.indirect.gather [hbm4b:s3+s8], $0x40, s9, s8, $0xb8;
	[tilespmem:$0x13800] =	vst v63  }
0x15f: {  	_ =	swait.ge [sflag:s1], $0xC80  }
0x160: {  	s11 =	rddreg [dreg:$0x3];
	[sflag:s1] =	ssyncset.done $0x0  }
0x161: {  	[sflag:s1] =	ssyncadd.s32 $0xFFFFF380;
	s2 =	sadd.s32 s18, s11  }
0x162: {  	[hbm4b:s2+s10] =	stream.strided.scatter [tilespmem:s15], [sflag:$0x3], $0xC80, s12, s10, $0x38;
	[tilespmem:$0x13800] =	vst v63  }
0x163: {  	_ =	swait.ge [sflag:s7], $0xC80  }
0x164: {  	[sflag:s7] =	ssyncset.done $0x0  }
0x165: {  	[sflag:s7] =	ssyncadd.s32 $0xFFFFF380  }
0x166: {  	_ =	swait.ge [sflag:s1], $0xC80  }
0x167: {  	[sflag:s1] =	ssyncset.done $0x0  }
0x168: {  	s4 =	sadd.s32 $0x380, s2;
	[sflag:s1] =	ssyncadd.s32 $0xFFFFF380  }
0x169: {  	[hbm4b:s4+s10] =	stream.strided.scatter [tilespmem:s17], [sflag:$0x3], $0xC80, s12, s10, $0x38;
	[tilespmem:$0x13800] =	vst v63  }
0x16a: {  	_ =	swait.ge [sflag:s7], $0xC80  }
0x16b: {  	[sflag:s7] =	ssyncset.done $0x0  }
0x16c: {  	[sflag:s7] =	ssyncadd.s32 $0xFFFFF380  }
0x16d: {  	_ =	swait.ge [sflag:s1], $0xC80  }
0x16e: {  	[sflag:s1] =	ssyncset.done $0x0  }
0x16f: {  	s13 =	sadd.s32 $0x700, s2;
	[sflag:s1] =	ssyncadd.s32 $0xFFFFF380  }
0x170: {  	[hbm4b:s13+s10] =	stream.strided.scatter [tilespmem:s19], [sflag:$0x3], $0xC80, s12, s10, $0x38;
	[tilespmem:$0x13800] =	vst v63  }
0x171: {  	_ =	swait.ge [sflag:s7], $0xC80  }
0x172: {  	[sflag:s7] =	ssyncset.done $0x0  }
0x173: {  	[sflag:s7] =	ssyncadd.s32 $0xFFFFF380  }
0x174: {  	_ =	swait.ge [sflag:s1], $0xC80  }
0x175: {  	s16 =	rddreg [dreg:$0x8];
	[sflag:s1] =	ssyncset.done $0x0  }
0x176: {  	[sflag:s1] =	ssyncadd.s32 $0xFFFFF380;
	s4 =	sadd.s32 s18, s16  }
0x177: {  	[hbm4b:s4+s10] =	stream.strided.scatter [tilespmem:s21], [sflag:$0x3], $0xC80, s12, s10, $0x38;
	[tilespmem:$0x13800] =	vst v63  }
0x178: {  	_ =	swait.ge [sflag:s7], $0xC80  }
0x179: {  	[sflag:s7] =	ssyncset.done $0x0  }
0x17a: {  	[sflag:s7] =	ssyncadd.s32 $0xFFFFF380  }
0x17b: {  	_ =	swait.ge [sflag:s1], $0xC80  }
0x17c: {  	s22 =	rddreg [dreg:$0x7];
	[sflag:s1] =	ssyncset.done $0x0  }
0x17d: {  	[sflag:s1] =	ssyncadd.s32 $0xFFFFF380;
	s4 =	sadd.s32 s18, s22  }
0x17e: {  	[hbm4b:s4+s10] =	stream.strided.scatter [tilespmem:s23], [sflag:$0x3], $0xC80, s12, s10, $0x38;
	[tilespmem:$0x13800] =	vst v63  }
0x17f: {  	_ =	swait.ge [sflag:s7], $0xC80  }
0x180: {  	[sflag:s7] =	ssyncset.done $0x0  }
0x181: {  	[sflag:s7] =	ssyncadd.s32 $0xFFFFF380  }
0x182: {  	_ =	swait.ge [sflag:s1], $0xC80  }
0x183: {  	s5 =	rddreg [dreg:$0x6];
	[sflag:s1] =	ssyncset.done $0x0  }
0x184: {  	s6 =	simm.s32 $0xAE80;
	[sflag:s1] =	ssyncadd.s32 $0xFFFFF380;
	s4 =	sadd.s32 s18, s5  }
0x185: {  	[hbm4b:s4+s10] =	stream.strided.scatter [tilespmem:s6], [sflag:$0x3], $0xC80, s12, s10, $0x38;
	[tilespmem:$0x13800] =	vst v63  }
0x186: {  	_ =	swait.ge [sflag:s7], $0xC80  }
0x187: {  	[sflag:s7] =	ssyncset.done $0x0  }
0x188: {  	[sflag:s7] =	ssyncadd.s32 $0xFFFFF380  }
0x189: {  	_ =	swait.ge [sflag:s1], $0xC80  }
0x18a: {  	s9 =	rddreg [dreg:$0x5];
	[sflag:s1] =	ssyncset.done $0x0  }
0x18b: {  	s11 =	simm.s32 $0xBB00;
	[sflag:s1] =	ssyncadd.s32 $0xFFFFF380;
	s4 =	sadd.s32 s18, s9  }
0x18c: {  	[hbm4b:s4+s10] =	stream.strided.scatter [tilespmem:s11], [sflag:$0x3], $0xC80, s12, s10, $0x38;
	[tilespmem:$0x13800] =	vst v63  }
0x18d: {  	_ =	swait.ge [sflag:s7], $0xC80  }
0x18e: {  	[sflag:s7] =	ssyncset.done $0x0  }
0x18f: {  	[sflag:s7] =	ssyncadd.s32 $0xFFFFF380  }
0x190: {  	_ =	swait.ge [sflag:s1], $0xC80  }
0x191: {  	s13 =	rddreg [dreg:$0x4];
	[sflag:s1] =	ssyncset.done $0x0  }
0x192: {  	s16 =	simm.s32 $0xC780;
	[sflag:s1] =	ssyncadd.s32 $0xFFFFF380;
	s4 =	sadd.s32 s18, s13  }
0x193: {  	[hbm4b:s4+s10] =	stream.strided.scatter [tilespmem:s16], [sflag:$0x3], $0xC80, s12, s10, $0x38;
	[tilespmem:$0x13800] =	vst v63  }
0x194: {  	p0 =	seq.s32 s20, $0x1B200;
	_ =	swait.ge [sflag:s7], $0xC80  }
0x195: {  	s5 =	simm.s32 @!p0 $0x7000;
	s4 =	sshra.s32 @!p0 s20, $0x2;
	[sflag:s7] =	ssyncset.done $0x0  }
0x196: {  	s9 =	simm.s32 @!p0 $0x32;
	s6 =	sadd.s32 @!p0 $0x380, s4;
	[sflag:s7] =	ssyncadd.s32 $0xFFFFF380  }
0x197: {  	[tilespmem:s5], [sflag:$0x1] =	stream.indirect.gather @!p0 [hbm4b:s3+s9], $0x40, s6, s9, $0xb8;
	[tilespmem:$0x13800] =	vst v63  }
0x198: {  	s5 =	sadd.s32 @!p0 $0x3B8, s4;
	s6 =	simm.s32 @!p0 $0x7C80  }
0x199: {  	[tilespmem:s6], [sflag:$0x1] =	stream.indirect.gather @!p0 [hbm4b:s3+s9], $0x40, s5, s9, $0xb8;
	[tilespmem:$0x13800] =	vst v63  }
0x19a: {  	s5 =	sadd.s32 @!p0 $0x3F0, s4;
	s6 =	simm.s32 @!p0 $0x8900  }
0x19b: {  	[tilespmem:s6], [sflag:$0x1] =	stream.indirect.gather @!p0 [hbm4b:s3+s9], $0x40, s5, s9, $0xb8;
	[tilespmem:$0x13800] =	vst v63  }
0x19c: {  	s5 =	sadd.s32 @!p0 $0x428, s4;
	s6 =	simm.s32 @!p0 $0x9580  }
0x19d: {  	[tilespmem:s6], [sflag:$0x1] =	stream.indirect.gather @!p0 [hbm4b:s3+s9], $0x40, s5, s9, $0xb8;
	[tilespmem:$0x13800] =	vst v63  }
0x19e: {  	s5 =	sadd.s32 @!p0 $0x460, s4;
	s6 =	simm.s32 @!p0 $0xA200  }
0x19f: {  	[tilespmem:s6], [sflag:$0x1] =	stream.indirect.gather @!p0 [hbm4b:s3+s9], $0x40, s5, s9, $0xb8;
	[tilespmem:$0x13800] =	vst v63  }
0x1a0: {  	s5 =	sadd.s32 @!p0 $0x498, s4;
	s6 =	simm.s32 @!p0 $0xAE80  }
0x1a1: {  	[tilespmem:s6], [sflag:$0x1] =	stream.indirect.gather @!p0 [hbm4b:s3+s9], $0x40, s5, s9, $0xb8;
	[tilespmem:$0x13800] =	vst v63  }
0x1a2: {  	s5 =	sadd.s32 @!p0 $0x4D0, s4;
	s6 =	simm.s32 @!p0 $0xBB00  }
0x1a3: {  	[tilespmem:s6], [sflag:$0x1] =	stream.indirect.gather @!p0 [hbm4b:s3+s9], $0x40, s5, s9, $0xb8;
	[tilespmem:$0x13800] =	vst v63  }
0x1a4: {  	s4 =	sadd.s32 @!p0 $0x508, s4;
	s5 =	simm.s32 @!p0 $0xC780  }
0x1a5: {  	[tilespmem:s5], [sflag:$0x1] =	stream.indirect.gather @!p0 [hbm4b:s3+s9], $0x40, s4, s9, $0xb8;
	[tilespmem:$0x13800] =	vst v63  }
0x1a6: {  	_ =	swait.ge [sflag:s14], $0xC80  }
0x1a7: {  	[sflag:s14] =	ssyncset.done $0x0  }
0x1a8: {  	s22 =	sadd.s32 $0x1C00, s2;
	[sflag:s14] =	ssyncadd.s32 $0xFFFFF380  }
0x1a9: {  	[hbm4b:s22+s10] =	stream.strided.scatter [tilespmem:s24], [sflag:$0x3], $0xC80, s12, s10, $0x38;
	[tilespmem:$0x13800] =	vst v63  }
0x1aa: {  	_ =	swait.ge [sflag:s7], $0xC80  }
0x1ab: {  	[sflag:s7] =	ssyncset.done $0x0  }
0x1ac: {  	[sflag:s7] =	ssyncadd.s32 $0xFFFFF380  }
0x1ad: {  	_ =	swait.ge [sflag:s14], $0xC80  }
0x1ae: {  	[sflag:s14] =	ssyncset.done $0x0  }
0x1af: {  	s2 =	sadd.s32 $0x1F80, s2;
	[sflag:s14] =	ssyncadd.s32 $0xFFFFF380  }
0x1b0: {  	[hbm4b:s2+s10] =	stream.strided.scatter [tilespmem:s25], [sflag:$0x3], $0xC80, s12, s10, $0x38;
	[tilespmem:$0x13800] =	vst v63  }
0x1b1: {  	_ =	swait.ge [sflag:s7], $0xC80  }
0x1b2: {  	[sflag:s7] =	ssyncset.done $0x0  }
0x1b3: {  	[sflag:s7] =	ssyncadd.s32 $0xFFFFF380  }
0x1b4: {  	_ =	swait.ge [sflag:s14], $0xC80  }
0x1b5: {  	s5 =	rddreg [dreg:$0xe];
	[sflag:s14] =	ssyncset.done $0x0  }
0x1b6: {  	[sflag:s14] =	ssyncadd.s32 $0xFFFFF380;
	s2 =	sadd.s32 s18, s5  }
0x1b7: {  	[hbm4b:s2+s10] =	stream.strided.scatter [tilespmem:s26], [sflag:$0x3], $0xC80, s12, s10, $0x38;
	[tilespmem:$0x13800] =	vst v63  }
0x1b8: {  	_ =	swait.ge [sflag:s7], $0xC80  }
0x1b9: {  	[sflag:s7] =	ssyncset.done $0x0  }
0x1ba: {  	[sflag:s7] =	ssyncadd.s32 $0xFFFFF380  }
0x1bb: {  	_ =	swait.ge [sflag:s14], $0xC80  }
0x1bc: {  	s6 =	rddreg [dreg:$0xd];
	[sflag:s14] =	ssyncset.done $0x0  }
0x1bd: {  	[sflag:s14] =	ssyncadd.s32 $0xFFFFF380;
	s2 =	sadd.s32 s18, s6  }
0x1be: {  	[hbm4b:s2+s10] =	stream.strided.scatter [tilespmem:s28], [sflag:$0x3], $0xC80, s12, s10, $0x38;
	[tilespmem:$0x13800] =	vst v63  }
0x1bf: {  	_ =	swait.ge [sflag:s7], $0xC80  }
0x1c0: {  	[sflag:s7] =	ssyncset.done $0x0  }
0x1c1: {  	[sflag:s7] =	ssyncadd.s32 $0xFFFFF380  }
0x1c2: {  	_ =	swait.ge [sflag:s14], $0xC80  }
0x1c3: {  	s9 =	rddreg [dreg:$0xc];
	[sflag:s14] =	ssyncset.done $0x0  }
0x1c4: {  	[sflag:s14] =	ssyncadd.s32 $0xFFFFF380;
	s2 =	sadd.s32 s18, s9  }
0x1c5: {  	[hbm4b:s2+s10] =	stream.strided.scatter [tilespmem:s29], [sflag:$0x3], $0xC80, s12, s10, $0x38;
	[tilespmem:$0x13800] =	vst v63  }
0x1c6: {  	_ =	swait.ge [sflag:s7], $0xC80  }
0x1c7: {  	[sflag:s7] =	ssyncset.done $0x0  }
0x1c8: {  	[sflag:s7] =	ssyncadd.s32 $0xFFFFF380  }
0x1c9: {  	_ =	swait.ge [sflag:s14], $0xC80  }
0x1ca: {  	s11 =	rddreg [dreg:$0xb];
	[sflag:s14] =	ssyncset.done $0x0  }
0x1cb: {  	[sflag:s14] =	ssyncadd.s32 $0xFFFFF380;
	s2 =	sadd.s32 s18, s11  }
0x1cc: {  	[hbm4b:s2+s10] =	stream.strided.scatter [tilespmem:s30], [sflag:$0x3], $0xC80, s12, s10, $0x38;
	[tilespmem:$0x13800] =	vst v63  }
0x1cd: {  	_ =	swait.ge [sflag:s7], $0xC80  }
0x1ce: {  	[sflag:s7] =	ssyncset.done $0x0  }
0x1cf: {  	[sflag:s7] =	ssyncadd.s32 $0xFFFFF380  }
0x1d0: {  	_ =	swait.ge [sflag:s14], $0xC80  }
0x1d1: {  	s13 =	rddreg [dreg:$0xa];
	[sflag:s14] =	ssyncset.done $0x0  }
0x1d2: {  	[sflag:s14] =	ssyncadd.s32 $0xFFFFF380;
	s2 =	sadd.s32 s18, s13  }
0x1d3: {  	[hbm4b:s2+s10] =	stream.strided.scatter [tilespmem:s31], [sflag:$0x3], $0xC80, s12, s10, $0x38;
	[tilespmem:$0x13800] =	vst v63  }
0x1d4: {  	_ =	swait.ge [sflag:s7], $0xC80  }
0x1d5: {  	[sflag:s7] =	ssyncset.done $0x0  }
0x1d6: {  	[sflag:s7] =	ssyncadd.s32 $0xFFFFF380  }
0x1d7: {  	_ =	swait.ge [sflag:s14], $0xC80  }
0x1d8: {  	s16 =	rddreg [dreg:$0x9];
	[sflag:s14] =	ssyncset.done $0x0  }
0x1d9: {  	s2 =	sadd.s32 s18, s16;
	[sflag:s14] =	ssyncadd.s32 $0xFFFFF380  }
0x1da: {  	[hbm4b:s2+s10] =	stream.strided.scatter [tilespmem:s0], [sflag:$0x3], $0xC80, s12, s10, $0x38;
	[tilespmem:$0x13800] =	vst v63  }
0x1db: {  	_ =	swait.ge [sflag:s7], $0xC80  }
0x1dc: {  	s20 =	rddreg [dreg:$0x12]  }
0x1dd: {  	s22 =	rddreg [dreg:$0x11];
	s4 =	sadd.s32 $0x1, s20  }
0x1de: {  	p0 =	sne.s32 s4, s22  }
.Ltmp1:
0x1df: {  	_ = 	snop;
	(pc) =	sbr.rel @p0 .LBB2_1-.Ltmp1, $3  }
0x1e0: {  	_ =	sdelay $0x1  }
0x1e1: {  	[sflag:s7] =	ssyncset.done $0x0  }
0x1e2: {  	[sflag:s7] =	ssyncadd.s32 $0xFFFFF380  }
0x1e3: {  	_ =	sfence.sel $0x180000  }
0x1e4: {  	[bflag:$0x0] =	sbarrier.arrive $0xFFFF  }
0x1e5: {  	_ =	strace $0x9000004A  }
0x1e6: {  	s0 =	stileid.u32;
	[bflag:$0x2] =	sbarrier.arrive $0xFFFF  }
0x1e7: {  	p0 =	sne.s32 s0, $0x0;
	s0 =	rddreg [dreg:$0x2]  }
0x1e8: {  	s0 =	sadd.s32 @!p0 $0x100000, s0  }
0x1e9: {  	[sflag:s0] =	ssyncadd.tile.s32 @!p0 $0x1;
	_ =	shalt  }
.Lfunc_end2:
_tile_overlayer_lowered:
.L_overlay_start_2:
0x1ea: {  	(tag) =	ssettag $0x2  }
0x1eb: {  	s0 =	rddreg [dreg:$0x0];
	s2 =	stileid.u32  }
0x1ec: {  	s1 =	rddreg [dreg:$0x1];
	p0 =	sne.s32 s2, $0x0  }
0x1ed: {  	s3 =	rddreg [dreg:$0x2];
	[bflag:$0x3] =	sbarrier.arrive $0xFFFF;
	s2 =	simm.s32 @!p0 $0x1C03  }
0x1ee: {  	[timem:s3], [sflag:s2] =	dma.local @!p0 [hbm:s0], s1  }
0x1ef: {  	s0 =	simm.s32 @!p0 $0x3  }
0x1f0: {  	_ =	swait.ge @!p0 [sflag:s0], s1  }
0x1f1: {  	s1 =	ssub.s32 @!p0 $0x0, s1;
	[sflag:s0] =	ssyncset.done @!p0 $0x0  }
0x1f2: {  	[sflag:s0] =	ssyncadd.s32 @!p0 s1  }
0x1f3: {  	[bflag:$0x3] =	sbarrier.arrive $0xFFFF  }
0x1f4: {  	_ =	shalt  }

// kernel: sparse-core-data-format-call.1.cloned.1.call-start
scs
called_computation.1_lowered:
.L_overlay_start_0:
0x0: {  	s2 =	sld [smem:$0x3FD9]  }
0x1: {  	s3 =	sld [smem:$0x3FFE];
	_ =	sdelay $0x1  }
0x2: {  	s1 =	srdreg.scid  }
0x3: {  	s0 =	sand.u32 $0x1, s1  }
0x4: {  	s18 =	sshll.u32 s0, $0xA;
	s2 =	sadd.s32 s3, s2  }
0x5: {  	s2 =	sadd.s32 s2, s18  }
0x6: {  	[smem:$0x3FC6] =	sst s2  }
0x7: {  	_ = 	snop  }
0x8: {  	s2 =	sld [smem:$0x3FC8];
	(tm) =	ssettm $0x1  }
0x9: {  	s19 =	sld [smem:$0x3FFB];
	_ =	sdelay $0x3  }
0xa: {  	_ =	strace s19  }
0xb: {  	s3 =	sld [smem:$0x3FFC];
	_ =	sdelay $0x3  }
0xc: {  	_ =	strace s3  }
0xd: {  	s3 =	sld [smem:$0x3FFD];
	_ =	sdelay $0x3  }
0xe: {  	_ =	strace s3  }
0xf: {  	_ =	strace $0x8FFFFFFF  }
0x10: {  	s20 =	sld [smem:$0x3FDB];
	_ =	sdelay $0x1  }
0x11: {  	s4 =	simm.s32 $_scs_section_size  }
0x12: {  	s5 =	simm.s32 $_size__tile_overlayer_lowered;
	s6 =	simm.s32 $_tile_overlayer_lowered  }
0x13: {  	s23 =	simm.s32 $0x1BFF;
	s22 =	sshll.u32 s6, $0x1;
	s3 =	sadd.s32 s4, s20  }
0x14: {  	s7 =	simm.s32 $0x0;
	s21 =	sshll.u32 s5, $0x1;
	s5 =	sadd.s32 s22, s3  }
0x15: {  	[timem:s7], [sflag:s23] =	dma.local [hbm:s5], s21  }
0x16: {  	_ =	swait.ge [sflag:s23], s21  }
0x17: {  	s4 =	ssub.s32 $0x0, s21;
	[sflag:s23] =	ssyncset.done $0x0  }
0x18: {  	[sflag:s23] =	ssyncadd.s32 s4;
	_ =	sdelay $0x1  }
0x19: {  	s24 =	simm.s32 $0x1B8B  }
0x1a: {  	_ =	swait.ge [sflag:s24], $0x1  }
0x1b: {  	[sflag:s24] =	ssyncset.done $0x0  }
0x1c: {  	s26 =	simm.s32 $0x1B8E;
	s25 =	sld [smem:$0x3FFE];
	[sflag:s24] =	ssyncadd.s32 $0xFFFFFFFF  }
0x1d: {  	s27 =	simm.s32 $execute0_lowered;
	[smem:$0x3FD2] =	sst s26  }
0x1e: {  	s5 =	sshll.u32 s27, $0x1;
	_ =	strace $0x80000046;
	[dreg:$0x1] =	wrdreg $0xFFFFFFFF  }
0x1f: {  	s28 =	simm.s32 $_size_execute0_lowered;
	s3 =	sadd.s32 s3, s5;
	[dreg:$0x0] =	wrdreg $0x0  }
0x20: {  	s5 =	sshll.u32 s28, $0x1;
	[dreg:$0x2] =	wrdreg s3  }
0x21: {  	[dreg:$0x3] =	wrdreg s5  }
0x22: {  	[dreg:$0x4] =	wrdreg $0xC0  }
0x23: {  	_ =	task [dreg:s7], $0x5FFFF  }
0x24: {  	[dreg:$0x1] =	wrdreg $0xFFFFFFFF  }
0x25: {  	[dreg:$0x0] =	wrdreg $0x60  }
0x26: {  	[dreg:$0x2] =	wrdreg s2  }
0x27: {  	[dreg:$0x3] =	wrdreg s25  }
0x28: {  	[dreg:$0x4] =	wrdreg $0x9  }
0x29: {  	_ =	task.clear_ibuf [dreg:s7], $0x5FFFF;
	_ =	strace $0x90000046  }
0x2a: {  	s29 =	simm.s32 $0x9;
	_ =	strace $0x80000048  }
0x2b: {  	_ =	swait.ge [sflag:s29], $0x1  }
0x2c: {  	[sflag:s29] =	ssyncadd.s32 $0xFFFFFFFF  }
0x2d: {  	_ =	strace $0x90000048  }
0x2e: {  	_ =	sfence  }
0x2f: {  	s30 =	sld [smem:$0x0];
	_ =	sdelay $0x2  }
0x30: {  	s31 =	sshll.u32 s1, $0xD;
	s1 =	sshrl.u32 s1, $0x2  }
0x31: {  	s3 =	sand.u32 $0x4000, s31;
	s1 =	sadd.s32 s1, s30  }
0x32: {  	s0 =	sor.u32 s3, s0;
	s1 =	sshll.u32 s1, $0x11  }
0x33: {  	s0 =	sor.u32 s1, s0  }
0x34: {  	s0 =	sadd.s32 $0x8F2B, s0  }
0x35: {  	[sflag:s0] =	ssyncadd.remote.s32 $0x1  }
0x36: {  	_ =	sfence.sel $0xFFFF  }
0x37: {  	[dreg:$0x0] =	wrdreg $0xFFFFFFFF;
	(pc) =	sbr.abs _section_cstart, $3  }
0x38: {  	[dreg:$0x1] =	wrdreg $0xFFFFFFFF  }
0x39: {  	_ =	task.clear_ibuf [dreg:s7], $0x2FFFF;
	_ =	strace $0x9FFFFFFF  }
0x3a: {  	(tm) =	ssettm $0x7FFFFFFF  }
0x3b: {  	_ =	shalt  }
tec
execute0_lowered:
.L_overlay_start_1:
0x0: {  	(tag) =	ssettag $0x1  }
0x1: {  	s0 =	srdreg.scid;
	s2 =	rddreg [dreg:$0x0]  }
0x2: {  	s5 =	rddreg [dreg:$0x1];
	s1 =	stileid.u32  }
0x3: {  	s4 =	simm.s32 $0x1;
	s6 =	simm.s32 $0x2;
	s15 =	simm.s32 $0x0  }
0x4: {  	p0 =	por $0x0, $0x0;
	s8 =	simm.s32 $0x80;
	s0 =	sshll.u32 s0, $0x4  }
0x5: {  	s14 =	simm.s32 $0x0;
	s9 =	simm.s32 $0x0;
	s3 =	sand.u32 $0x10, s0  }
.Ltmp0:
0x6: {  	s10 =	simm.s32 $0x0;
	s3 =	sor.u32 s1, s3;
	(pc) =	sbr.rel .LBB1_1-.Ltmp0, $4  }
0x7: {  	s0 =	rddreg [dreg:$0x2];
	_ =	strace $0x80000047;
	s3 =	sshll.u32 s3, $0x7  }
0x8: {  	s12 =	simm.s32 $0x0;
	[sflag:s4] =	ssyncpa.u1 $0x0;
	s7 =	ssub.s32 $0xF4200, s3  }
0x9: {  	s13 =	simm.s32 $0x0;
	[sflag:s6] =	ssyncpa.u1 $0x0;
	s6 =	sshrl.u32 s7, $0xC  }
0xa: {  	s5 =	sadd.s32 $0xE00, s5;
	s11 =	smov.u32 s3;
	s7 =	sadd.s32 $0x2, s6  }
.LBB1_5:
0xb: {  	p1 =	slt.u32 s13, $0x2  }
0xc: {  	s17 =	smov.u32 s15;
	p2 =	sgt.s32 @!p1 s15, $0xF41C0;
	s16 =	sshra.s32 @!p1 s15, $0x1F  }
0xd: {  	p3 =	sgt.s32 @!p1 s14, $0x40;
	s18 =	sshra.s32 @!p1 s14, $0x1F;
	p2 =	por !p2, p1  }
0xe: {  	s15 =	sand.u32 @!p1 s16, s15;
	p3 =	por !p3, p1;
	s16 =	smov.u32 s14  }
0xf: {  	s14 =	sand.u32 @!p1 s18, s14;
	s17 =	simm.s32 @p2 $0xF41C0;
	s16 =	simm.s32 @p3 $0x40  }
0x10: {  	s15 =	ssub.s32 @!p1 s17, s15;
	s14 =	ssub.s32 @!p1 s16, s14  }
0x11: {  	s18 =	smov.u32 s12;
	s16 =	sadd.s32 @!p1 $0xFFF0BE40, s15;
	s17 =	sadd.s32 @!p1 $0xFFFFFFC0, s14  }
0x12: {  	s15 =	ssub.s32 @!p1 $0xF4240, s15;
	p2 =	sgt.s32 @!p1 s16, $0x7F;
	p3 =	sgt.s32 @!p1 s17, $0x3F  }
0x13: {  	s14 =	ssub.s32 @!p1 $0x80, s14;
	p2 =	por !p2, p1;
	p3 =	por !p3, p1  }
0x14: {  	s16 =	sadd.s32 $0x1000, s11;
	s15 =	simm.s32 @!p2 $0x0;
	s14 =	simm.s32 @!p3 $0x0  }
0x15: {  	p2 =	sgt.s32 s16, $0xF423F;
	s14 =	smul.u32 @!p1 s14, s15;
	s15 =	sadd.s32 $0x40, s12  }
0x16: {  	s18 =	smov.u32 @p2 s15  }
0x17: {  	s16 =	smov.u32 @p2 s3;
	p2 =	sgt.s32 s18, $0x3F  }
0x18: {  	s18 =	simm.s32 @p2 $0x0;
	p2 =	sne.s32 s13, s7  }
.Ltmp1:
0x19: {  	p0 =	por !p0, !p0;
	s17 =	simm.s32 @!p1 $0x2;
	(pc) =	sbr.rel @!p2 .LBB1_6-.Ltmp1, $4  }
0x1a: {  	s15 =	smov.u32 s9;
	s9 =	smov.u32 s11;
	s14 =	sand.u32 @!p1 $0x3FFFFFFF, s14  }
0x1b: {  	s11 =	smov.u32 s16;
	_ =	swait.ge @!p1 [sflag:s17], s14;
	s19 =	ssub.s32 @!p1 $0x0, s14  }
0x1c: {  	s14 =	smov.u32 s10;
	s13 =	sadd.s32 $0x1, s13;
	[sflag:s17] =	ssyncset.done @!p1 $0x0  }
0x1d: {  	s10 =	smov.u32 s12;
	s12 =	smov.u32 s18;
	[sflag:s17] =	ssyncadd.s32 @!p1 s19  }
.LBB1_1:
0x1e: {  	p1 =	sgt.u32 s13, s6  }
0x1f: {  	s16 =	sshrl.u32 @!p1 s12, $0x3  }
0x20: {  	s17 =	sshll.u32 @!p1 s11, $0x3;
	s16 =	smul.u32 @!p1 $0x7A1400, s16  }
0x21: {  	s18 =	sshll.u32 @!p1 s12, $0x7;
	s17 =	sand.u32 @!p1 $0xFFFFFC00, s17  }
0x22: {  	s16 =	sadd.s32 @!p1 s16, s17;
	s17 =	sand.u32 @!p1 $0x380, s18  }
0x23: {  	s18 =	sand.u32 @!p1 $0x7F, s11;
	s16 =	sor.u32 @!p1 s17, s16  }
0x24: {  	s17 =	sor.u32 @!p1 s18, s16  }
0x25: {  	s18 =	smulhi.u32 @!p1 $0x218D6287, s17;
	_ =	sdelay $0x1  }
0x26: {  	s16 =	smulhi.u32 @!p1 $0x218D6287, s16;
	s18 =	sshrl.u32 @!p1 s18, $0x11  }
0x27: {  	s18 =	smul.u32 @!p1 $0xF4280, s18  }
0x28: {  	s19 =	sxor.u32 @!p1 $0xFFFFFFFF, s13;
	s16 =	sshrl.u32 @!p1 s16, $0x11  }
0x29: {  	s19 =	sshll.u32 @!p1 s19, $0xD;
	s16 =	sand.u32 @!p1 $0x3F, s16;
	s17 =	ssub.s32 @!p1 s17, s18  }
0x2a: {  	s16 =	smul.u32 @!p1 $0x1E850, s16;
	s18 =	sshrl.u32 @!p1 s17, $0x3;
	s17 =	sand.u32 @!p1 $0x7, s17  }
0x2b: {  	s19 =	sand.u32 @!p1 $0x2000, s19;
	s18 =	sadd.s32 @!p1 s2, s18;
	s17 =	sshll.u32 @!p1 s17, $0x12  }
0x2c: {  	s16 =	sadd.s32 @!p1 s16, s18;
	s17 =	sor.u32 @!p1 $0x400, s17;
	s18 =	simm.s32 @!p1 $0x7A1400  }
0x2d: {  	[tilespmem:s19], [sflag:$0x1] =	stream.strided.gather @!p1 [hbm4b:s16+s17], $0x2000, s18, s17, $0x38;
	[tilespmem:$0x8100] =	vst v63  }
0x2e: {  	p1 =	seq.s32 s13, $0x0  }
0x2f: {  	p2 =	sge.u32 @!p1 s13, s7  }
0x30: {  	p1 =	por p1, p2  }
.Ltmp2:
0x31: {  	_ = 	snop;
	(pc) =	sbr.rel @p1 .LBB1_5-.Ltmp2, $1  }
0x32: {  	_ =	sdelay $0x3  }
0x33: {  	s16 =	simm.s32 $0x1  }
0x34: {  	_ =	swait.ge [sflag:s4], $0x2000;
	s16 =	simm.s32 @!p0 $0x0  }
0x35: {  	[sflag:s4] =	ssyncset.done $0x0;
	s17 =	sshll.u32 s16, $0xD  }
0x36: {  	[sflag:s4] =	ssyncadd.s32 $0xFFFFE000;
	s17 =	sor.u32 $0x40, s17  }
0x37: {  	s16 =	smul.u32 $0x8200, s16;
	v0 =	vld [tilespmem:s17+$0x30]  }
0x38: {  	v1 =	vld [tilespmem:s17+$0xFFFFFFD0]  }
0x39: {  	s16 =	sshrl.u32 s16, $0x2;
	v5 =	vld [tilespmem:s17+$0xFFFFFFE0]  }
0x3a: {  	v6 =	vld [tilespmem:s17+$0xFFFFFFF0];
	s19 =	sor.u32 $0x4000, s16  }
0x3b: {  	s31 =	sand.u32 $0x1, s13;
	v4 =	vld [tilespmem:s17+$0x0];
	s18 =	sadd.s32 $0x0, s19  }
0x3c: {  	v3 =	vld [tilespmem:s17+$0x10];
	s16 =	smul.u32 $0x8200, s31;
	[tilespmem:s18+$0x1C70 ss:$0x41] =	vst.msk $0xffff, v0  }
0x3d: {  	v2 =	vld [tilespmem:s17+$0x20];
	[tilespmem:s18+$0x410 ss:$0x41] =	vst.msk $0xffff, v1  }
0x3e: {  	s16 =	sshrl.u32 s16, $0x2;
	v1 =	vld [tilespmem:s17+$0xFFFFFFC0];
	[tilespmem:s18+$0x820 ss:$0x41] =	vst.msk $0xffff, v5;
	s17 =	sadd.s32 $0x80, s17  }
0x3f: {  	s20 =	simm.s32 $0x4;
	s21 =	simm.s32 $0x8;
	s16 =	sor.u32 $0x4000, s16;
	[tilespmem:s18+$0xC30 ss:$0x41] =	vst.msk $0xffff, v6;
	v0 =	vld [tilespmem:s17+$0x30]  }
.LBB1_3:
0x40: {  	p1 =	sne.s32 s21, $0xFC;
	v5 =	vld [tilespmem:s17+$0xFFFFFFD0];
	[tilespmem:s18+$0x1040 ss:$0x41] =	vst.msk $0xffff, v4  }
0x41: {  	v6 =	vld [tilespmem:s17+$0xFFFFFFE0];
	[tilespmem:s18+$0x1450 ss:$0x41] =	vst.msk $0xffff, v3  }
0x42: {  	s22 =	sshra.s32 s20, $0x2;
	s20 =	smov.u32 s21;
	v7 =	vld [tilespmem:s17+$0xFFFFFFF0];
	[tilespmem:s18+$0x1860 ss:$0x41] =	vst.msk $0xffff, v2  }
.Ltmp3:
0x43: {  	v4 =	vld [tilespmem:s17+$0x0];
	[tilespmem:s18+$0x0 ss:$0x41] =	vst.msk $0xffff, v1;
	s18 =	sadd.s32 s22, s19;
	(pc) =	sbr.rel @p1 .LBB1_3-.Ltmp3, $4  }
0x44: {  	v3 =	vld [tilespmem:s17+$0x10];
	[tilespmem:s18+$0x1C70 ss:$0x41] =	vst.msk $0xffff, v0  }
0x45: {  	[tilespmem:s18+$0x410 ss:$0x41] =	vst.msk $0xffff, v5;
	v2 =	vld [tilespmem:s17+$0x20]  }
0x46: {  	v1 =	vld [tilespmem:s17+$0xFFFFFFC0];
	[tilespmem:s18+$0x820 ss:$0x41] =	vst.msk $0xffff, v6;
	s17 =	sadd.s32 $0x80, s17  }
0x47: {  	s21 =	sadd.s32 $0x4, s21;
	v0 =	vld [tilespmem:s17+$0x30];
	[tilespmem:s18+$0xC30 ss:$0x41] =	vst.msk $0xffff, v7  }
0x48: {  	s21 =	sshll.u32 s9, $0x7;
	s22 =	sshll.u32 s10, $0x3;
	s20 =	sshra.s32 s20, $0x2  }
0x49: {  	p1 =	sgt.s32 s9, $0xF41C0;
	s30 =	sshra.s32 s9, $0x1F;
	s25 =	sshra.s32 s10, $0x1F  }
0x4a: {  	v5 =	vld [tilespmem:s17+$0xFFFFFFD0];
	s28 =	sshrl.u32 s10, $0x3;
	s23 =	sand.u32 $0xFFFFFC00, s21;
	s22 =	sand.u32 $0xFFFFFC00, s22  }
0x4b: {  	[tilespmem:s18+$0x1040 ss:$0x41] =	vst.msk $0xffff, v4;
	v58 =	vld [tilespmem:s17+$0xFFFFFFE0];
	s21 =	sand.u32 $0x380, s21;
	s19 =	sadd.s32 s20, s19;
	s22 =	sadd.s32 s22, s23  }
0x4c: {  	v59 =	vld [tilespmem:s17+$0xFFFFFFF0];
	[tilespmem:s18+$0x1450 ss:$0x41] =	vst.msk $0xffff, v3;
	s29 =	sor.u32 s21, s22;
	s21 =	smov.u32 s9;
	s22 =	sand.u32 s30, s9  }
0x4d: {  	v60 =	vld [tilespmem:s17+$0x0];
	[tilespmem:s18+$0x1860 ss:$0x41] =	vst.msk $0xffff, v2;
	s30 =	sand.u32 $0x7, s10;
	s20 =	sshrl.u32 s29, $0x7;
	s21 =	simm.s32 @!p1 $0xF41C0  }
0x4e: {  	v61 =	vld [tilespmem:s17+$0x10];
	[tilespmem:s18+$0x0 ss:$0x41] =	vst.msk $0xffff, v1;
	p1 =	sgt.s32 s10, $0x40;
	s24 =	ssub.s32 s21, s22;
	s21 =	smov.u32 s10  }
0x4f: {  	v62 =	vld [tilespmem:s17+$0x20];
	[tilespmem:s19+$0x1C70 ss:$0x41] =	vst.msk $0xffff, v0;
	s31 =	smulhi.u32 $0x218DEF5, s20;
	s22 =	sand.u32 s25, s10;
	s21 =	simm.s32 @!p1 $0x40  }
0x50: {  	v63 =	vld [tilespmem:s17+$0xFFFFFFC0];
	[tilespmem:s19+$0x410 ss:$0x41] =	vst.msk $0xffff, v5;
	s26 =	sadd.s32 $0xFFF0BE40, s24;
	s17 =	ssub.s32 $0xF4240, s24;
	s21 =	ssub.s32 s21, s22  }
0x51: {  	[tilespmem:s19+$0x820 ss:$0x41] =	vst.msk $0xffff, v58;
	s23 =	sshrl.u32 s31, $0xD;
	p1 =	sgt.s32 s26, $0x7F;
	s27 =	sadd.s32 $0xFFFFFFC0, s21  }
0x52: {  	[tilespmem:s19+$0xC30 ss:$0x41] =	vst.msk $0xffff, v59;
	s23 =	smul.u32 $0xF4240, s23;
	s18 =	ssub.s32 $0x80, s21;
	p2 =	sgt.s32 s27, $0x3F  }
.Ltmp4:
0x53: {  	[tilespmem:s19+$0x1040 ss:$0x41] =	vst.msk $0xffff, v60;
	s17 =	simm.s32 @p1 $0x0;
	s18 =	simm.s32 @p2 $0x0;
	(pc) =	sbr.rel .LBB1_5-.Ltmp4, $4  }
0x54: {  	s29 =	sand.u32 $0xF, s28;
	[tilespmem:s19+$0x1450 ss:$0x41] =	vst.msk $0xffff, v61;
	s20 =	ssub.s32 s20, s23;
	s17 =	smul.u32 s18, s17  }
0x55: {  	[tilespmem:s19+$0x1860 ss:$0x41] =	vst.msk $0xffff, v62;
	s21 =	sshll.u32 s30, $0x12;
	s20 =	sshll.u32 s20, $0x4;
	s18 =	sadd.s32 s5, s29  }
0x56: {  	[tilespmem:s19+$0x0 ss:$0x41] =	vst.msk $0xffff, v63;
	s31 =	sor.u32 $0x40, s21;
	s18 =	sadd.s32 s20, s18;
	s17 =	sand.u32 $0x3FFFFFFF, s17  }
0x57: {  	[hbm4b:s18+s31] =	stream.strided.scatter [tilespmem:s16], [sflag:$0x2], s17, s8, s31, $0x18;
	[tilespmem:$0x8100] =	vst v63  }
.LBB1_6:
0x58: {  	_ =	sfence.sel $0x180000  }
0x59: {  	s2 =	simm.s32 $0x1;
	[bflag:$0x0] =	sbarrier.arrive $0xFFFF  }
0x5a: {  	s31 =	simm.s32 $0x2;
	[sflag:s2] =	ssyncpa.u1 $0x1  }
0x5b: {  	[sflag:s31] =	ssyncpa.u1 $0x1  }
0x5c: {  	p0 =	sne.s32 s1, $0x0;
	_ =	strace $0x90000047  }
0x5d: {  	s0 =	sadd.s32 @!p0 $0x100000, s0;
	[bflag:$0x2] =	sbarrier.arrive $0xFFFF  }
0x5e: {  	[sflag:s0] =	ssyncadd.tile.s32 @!p0 $0x1;
	_ =	shalt  }
.Lfunc_end1:
_tile_overlayer_lowered:
.L_overlay_start_2:
0x5f: {  	(tag) =	ssettag $0x2  }
0x60: {  	s0 =	rddreg [dreg:$0x0];
	s2 =	stileid.u32  }
0x61: {  	s1 =	rddreg [dreg:$0x1];
	p0 =	sne.s32 s2, $0x0  }
0x62: {  	s3 =	rddreg [dreg:$0x2];
	[bflag:$0x3] =	sbarrier.arrive $0xFFFF;
	s2 =	simm.s32 @!p0 $0x1C01  }
0x63: {  	[timem:s3], [sflag:s2] =	dma.local @!p0 [hbm:s0], s1  }
0x64: {  	s0 =	simm.s32 @!p0 $0x1  }
0x65: {  	_ =	swait.ge @!p0 [sflag:s0], s1  }
0x66: {  	s1 =	ssub.s32 @!p0 $0x0, s1;
	[sflag:s0] =	ssyncset.done @!p0 $0x0  }
0x67: {  	[sflag:s0] =	ssyncadd.s32 @!p0 s1  }
0x68: {  	[bflag:$0x3] =	sbarrier.arrive $0xFFFF  }
0x69: {  	_ =	shalt  }

// kernel: sparse-core-data-format-call.cloned.1.call-start
scs
called_computation_lowered:
.L_overlay_start_0:
0x0: {  	s2 =	sld [smem:$0x3FD9]  }
0x1: {  	s3 =	sld [smem:$0x3FFE];
	_ =	sdelay $0x1  }
0x2: {  	s1 =	srdreg.scid  }
0x3: {  	s0 =	sand.u32 $0x1, s1  }
0x4: {  	s18 =	sshll.u32 s0, $0xA;
	s2 =	sadd.s32 s3, s2  }
0x5: {  	s2 =	sadd.s32 s2, s18  }
0x6: {  	[smem:$0x3FC6] =	sst s2  }
0x7: {  	_ = 	snop  }
0x8: {  	s2 =	sld [smem:$0x3FD0];
	(tm) =	ssettm $0x1  }
0x9: {  	s19 =	sld [smem:$0x3FFB];
	_ =	sdelay $0x3  }
0xa: {  	_ =	strace s19  }
0xb: {  	s3 =	sld [smem:$0x3FFC];
	_ =	sdelay $0x3  }
0xc: {  	_ =	strace s3  }
0xd: {  	s3 =	sld [smem:$0x3FFD];
	_ =	sdelay $0x3  }
0xe: {  	_ =	strace s3  }
0xf: {  	_ =	strace $0x8FFFFFFF  }
0x10: {  	s20 =	sld [smem:$0x3FDB];
	_ =	sdelay $0x1  }
0x11: {  	s4 =	simm.s32 $_scs_section_size  }
0x12: {  	s5 =	simm.s32 $_size__tile_overlayer_lowered;
	s6 =	simm.s32 $_tile_overlayer_lowered  }
0x13: {  	s23 =	simm.s32 $0x1BFF;
	s22 =	sshll.u32 s6, $0x1;
	s3 =	sadd.s32 s4, s20  }
0x14: {  	s7 =	simm.s32 $0x0;
	s21 =	sshll.u32 s5, $0x1;
	s5 =	sadd.s32 s22, s3  }
0x15: {  	[timem:s7], [sflag:s23] =	dma.local [hbm:s5], s21  }
0x16: {  	_ =	swait.ge [sflag:s23], s21  }
0x17: {  	s4 =	ssub.s32 $0x0, s21;
	[sflag:s23] =	ssyncset.done $0x0  }
0x18: {  	[sflag:s23] =	ssyncadd.s32 s4;
	_ =	sdelay $0x1  }
0x19: {  	s24 =	simm.s32 $0x1B8B  }
0x1a: {  	_ =	swait.ge [sflag:s24], $0x1  }
0x1b: {  	[sflag:s24] =	ssyncset.done $0x0  }
0x1c: {  	s26 =	simm.s32 $0x1B8E;
	s25 =	sld [smem:$0x3FFE];
	[sflag:s24] =	ssyncadd.s32 $0xFFFFFFFF  }
0x1d: {  	s27 =	simm.s32 $execute0_lowered;
	[smem:$0x3FD2] =	sst s26  }
0x1e: {  	s5 =	sshll.u32 s27, $0x1;
	_ =	strace $0x8000004C;
	[dreg:$0x1] =	wrdreg $0xFFFFFFFF  }
0x1f: {  	s28 =	simm.s32 $_size_execute0_lowered;
	s3 =	sadd.s32 s3, s5;
	[dreg:$0x0] =	wrdreg $0x0  }
0x20: {  	s5 =	sshll.u32 s28, $0x1;
	[dreg:$0x2] =	wrdreg s3  }
0x21: {  	[dreg:$0x3] =	wrdreg s5  }
0x22: {  	[dreg:$0x4] =	wrdreg $0xC0  }
0x23: {  	_ =	task [dreg:s7], $0x5FFFF  }
0x24: {  	[dreg:$0x1] =	wrdreg $0xFFFFFFFF  }
0x25: {  	[dreg:$0x0] =	wrdreg $0x60  }
0x26: {  	[dreg:$0x2] =	wrdreg s25  }
0x27: {  	[dreg:$0x3] =	wrdreg s2  }
0x28: {  	[dreg:$0x4] =	wrdreg $0x9  }
0x29: {  	_ =	task.clear_ibuf [dreg:s7], $0x5FFFF;
	_ =	strace $0x9000004C  }
0x2a: {  	s29 =	simm.s32 $0x9;
	_ =	strace $0x8000004E  }
0x2b: {  	_ =	swait.ge [sflag:s29], $0x1  }
0x2c: {  	[sflag:s29] =	ssyncadd.s32 $0xFFFFFFFF  }
0x2d: {  	_ =	strace $0x9000004E  }
0x2e: {  	_ =	sfence  }
0x2f: {  	s30 =	sld [smem:$0x0];
	_ =	sdelay $0x2  }
0x30: {  	s31 =	sshll.u32 s1, $0xD;
	s1 =	sshrl.u32 s1, $0x2  }
0x31: {  	s3 =	sand.u32 $0x4000, s31;
	s1 =	sadd.s32 s1, s30  }
0x32: {  	s0 =	sor.u32 s3, s0;
	s1 =	sshll.u32 s1, $0x11  }
0x33: {  	s0 =	sor.u32 s1, s0  }
0x34: {  	s0 =	sadd.s32 $0x8F2B, s0  }
0x35: {  	[sflag:s0] =	ssyncadd.remote.s32 $0x1  }
0x36: {  	_ =	sfence.sel $0xFFFF  }
0x37: {  	[dreg:$0x0] =	wrdreg $0xFFFFFFFF;
	(pc) =	sbr.abs _section_cstart, $3  }
0x38: {  	[dreg:$0x1] =	wrdreg $0xFFFFFFFF  }
0x39: {  	_ =	task.clear_ibuf [dreg:s7], $0x2FFFF;
	_ =	strace $0x9FFFFFFF  }
0x3a: {  	(tm) =	ssettm $0x7FFFFFFF  }
0x3b: {  	_ =	shalt  }
tec
execute0_lowered:
.L_overlay_start_1:
0x0: {  	(tag) =	ssettag $0x1  }
0x1: {  	s0 =	srdreg.scid  }
0x2: {  	s1 =	sshll.u32 s0, $0x4  }
0x3: {  	s0 =	stileid.u32;
	s1 =	sand.u32 $0x10, s1  }
0x4: {  	s1 =	sor.u32 s0, s1  }
0x5: {  	s6 =	rddreg [dreg:$0x0];
	s4 =	simm.s32 $0x1;
	s2 =	sshll.u32 s1, $0x7  }
0x6: {  	s7 =	simm.s32 $0x2;
	s12 =	simm.s32 $0x0;
	s1 =	ssub.s32 $0x4000, s2  }
0x7: {  	s8 =	simm.s32 $0x20000;
	s13 =	simm.s32 $0x0;
	s3 =	sand.u32 $0xF80, s1  }
0x8: {  	s9 =	simm.s32 $0x0;
	s5 =	sshrl.u32 s1, $0xC;
	p0 =	sne.s32 s3, $0x0  }
.Ltmp0:
0x9: {  	s1 =	rddreg [dreg:$0x2];
	s4 =	simm.s32 @!p0 $0x0;
	(pc) =	sbr.rel .LBB1_1-.Ltmp0, $4  }
0xa: {  	s11 =	simm.s32 $0x0;
	s3 =	rddreg [dreg:$0x1];
	s5 =	sadd.s32 s4, s5  }
0xb: {  	_ =	strace $0x8000004D;
	s4 =	simm.s32 $0x1;
	s5 =	smul.u32 $0x32, s5  }
0xc: {  	s6 =	sadd.s32 $0xE00, s6;
	s10 =	smov.u32 s2;
	[sflag:s4] =	ssyncpa.u1 $0x0  }
0xd: {  	p0 =	por $0x0, $0x0;
	[sflag:s7] =	ssyncpa.u1 $0x0;
	s7 =	sor.u32 $0x1, s5  }
.LBB1_4:
0xe: {  	s16 =	sshll.u32 s13, $0x3;
	s17 =	sand.u32 $0x78, s13  }
0xf: {  	s30 =	sand.u32 $0x1F800, s13;
	s12 =	sshll.u32 s12, $0x11;
	s16 =	sand.u32 $0x3C00, s16  }
0x10: {  	[tilespmem:s15+$0x810 ss:$0x81] =	vst.msk $0xffff, v2;
	s31 =	sand.u32 $0x7, s13;
	s16 =	sor.u32 s17, s16;
	s17 =	sadd.s32 s3, s30  }
0x11: {  	[tilespmem:s15+$0x1020 ss:$0x81] =	vst.msk $0xffff, v0;
	s13 =	sshll.u32 s31, $0x12;
	s12 =	sadd.s32 s12, s17;
	s16 =	sshrl.u32 s16, $0x3  }
0x12: {  	[tilespmem:s15+$0x0 ss:$0x81] =	vst.msk $0xffff, v1;
	s13 =	sor.u32 $0x400, s13;
	s12 =	sadd.s32 s16, s12  }
0x13: {  	[hbm4b:s12+s13] =	stream.strided.scatter [tilespmem:s14], [sflag:$0x2], $0x2000, s8, s13, $0x20;
	[tilespmem:$0x8080] =	vst v63  }
.LBB1_5:
0x14: {  	s14 =	sadd.s32 $0x1, s9  }
0x15: {  	s12 =	sadd.s32 $0x1000, s10;
	s16 =	smov.u32 s10;
	p2 =	sgt.s32 s14, $0x31  }
0x16: {  	s16 =	smov.u32 @p2 s12  }
0x17: {  	s14 =	simm.s32 @p2 $0x0;
	p2 =	sgt.s32 s16, $0x3FFF  }
0x18: {  	s16 =	smov.u32 @p2 s2;
	p2 =	sne.s32 s11, s7  }
.Ltmp1:
0x19: {  	p1 =	slt.u32 s11, $0x2;
	(pc) =	sbr.rel @!p2 .LBB1_6-.Ltmp1, $4  }
0x1a: {  	s15 =	simm.s32 @!p1 $0x2  }
0x1b: {  	s13 =	smov.u32 s10;
	p0 =	por !p0, !p0;
	_ =	swait.ge @!p1 [sflag:s15], $0x2000  }
0x1c: {  	s12 =	smov.u32 s9;
	[sflag:s15] =	ssyncset.done @!p1 $0x0;
	s9 =	smov.u32 s14  }
0x1d: {  	s11 =	sadd.s32 $0x1, s11;
	[sflag:s15] =	ssyncadd.s32 @!p1 $0xFFFFE000;
	s10 =	smov.u32 s16  }
.LBB1_1:
0x1e: {  	p1 =	sge.u32 s11, s5  }
0x1f: {  	s14 =	sand.u32 @!p1 $0x1FFFFFF, s9  }
0x20: {  	s15 =	smulhi.u32 @!p1 $0x4924925, s14;
	_ =	sdelay $0x1  }
0x21: {  	s15 =	smul.u32 @!p1 $0x38, s15  }
0x22: {  	s16 =	sxor.u32 @!p1 $0xFFFFFFFF, s11;
	s17 =	smul.u32 @!p1 $0x380, s10  }
0x23: {  	s31 =	sadd.s32 $0xFFFFFFFF, s11;
	s16 =	sshll.u32 @!p1 s16, $0xD;
	s14 =	ssub.s32 @!p1 s14, s15  }
0x24: {  	s15 =	sand.u32 @!p1 $0x2000, s16;
	s16 =	sadd.s32 @!p1 s6, s17;
	s14 =	sshll.u32 @!p1 s14, $0x4  }
0x25: {  	s17 =	simm.s32 @!p1 $0x1C00;
	s14 =	sadd.s32 @!p1 s14, s16;
	s16 =	simm.s32 @!p1 $0x40  }
0x26: {  	[tilespmem:s15], [sflag:$0x1] =	stream.strided.gather @!p1 [hbm4b:s14+s16], $0x2000, s17, s16, $0x38;
	[tilespmem:$0x8080] =	vst v63  }
0x27: {  	p1 =	sge.u32 s31, s5  }
.Ltmp2:
0x28: {  	_ = 	snop;
	(pc) =	sbr.rel @p1 .LBB1_5-.Ltmp2, $1  }
0x29: {  	_ =	sdelay $0x3  }
0x2a: {  	s14 =	simm.s32 $0x1  }
0x2b: {  	_ =	swait.ge [sflag:s4], $0x2000;
	s14 =	simm.s32 @!p0 $0x0  }
0x2c: {  	[sflag:s4] =	ssyncset.done $0x0;
	s15 =	sshll.u32 s14, $0xD  }
0x2d: {  	[sflag:s4] =	ssyncadd.s32 $0xFFFFE000;
	s18 =	sor.u32 $0x20, s15  }
0x2e: {  	s14 =	smul.u32 $0x8100, s14;
	v3 =	vld [tilespmem:s18+$0x10]  }
0x2f: {  	s30 =	sand.u32 $0x1, s11;
	v2 =	vld [tilespmem:s18+$0xFFFFFFF0]  }
0x30: {  	s15 =	smul.u32 $0x8100, s30;
	s14 =	sshrl.u32 s14, $0x2;
	v0 =	vld [tilespmem:s18+$0x0]  }
0x31: {  	v1 =	vld [tilespmem:s18+$0xFFFFFFE0];
	s16 =	sor.u32 $0x4000, s14  }
0x32: {  	s31 =	sshrl.u32 s15, $0x2;
	s15 =	sadd.s32 $0x0, s16  }
0x33: {  	s17 =	simm.s32 $0x4;
	s18 =	sadd.s32 $0x40, s18;
	s14 =	sor.u32 $0x4000, s31;
	[tilespmem:s15+$0x1830 ss:$0x81] =	vst.msk $0xffff, v3  }
.LBB1_3:
0x34: {  	v3 =	vld [tilespmem:s18+$0x10];
	p1 =	sne.s32 s17, $0x1FC;
	[tilespmem:s15+$0x810 ss:$0x81] =	vst.msk $0xffff, v2;
	s19 =	smov.u32 s17;
	s17 =	sadd.s32 $0x4, s17  }
.Ltmp3:
0x35: {  	v2 =	vld [tilespmem:s18+$0xFFFFFFF0];
	[tilespmem:s15+$0x1020 ss:$0x81] =	vst.msk $0xffff, v0;
	(pc) =	sbr.rel @p1 .LBB1_3-.Ltmp3, $4  }
0x36: {  	v0 =	vld [tilespmem:s18+$0x0];
	[tilespmem:s15+$0x0 ss:$0x81] =	vst.msk $0xffff, v1  }
0x37: {  	s15 =	sshra.s32 s19, $0x2;
	v1 =	vld [tilespmem:s18+$0xFFFFFFE0]  }
0x38: {  	s15 =	sadd.s32 s15, s16  }
0x39: {  	s18 =	sadd.s32 $0x40, s18;
	[tilespmem:s15+$0x1830 ss:$0x81] =	vst.msk $0xffff, v3  }
.Ltmp4:
0x3a: {  	_ = 	snop;
	(pc) =	sbr.rel .LBB1_4-.Ltmp4, $1  }
0x3b: {  	_ =	sdelay $0x3  }
.LBB1_6:
0x3c: {  	_ =	sfence.sel $0x180000  }
0x3d: {  	s2 =	simm.s32 $0x1;
	[bflag:$0x0] =	sbarrier.arrive $0xFFFF  }
0x3e: {  	s31 =	simm.s32 $0x2;
	[sflag:s2] =	ssyncpa.u1 $0x1  }
0x3f: {  	[sflag:s31] =	ssyncpa.u1 $0x1  }
0x40: {  	p0 =	sne.s32 s0, $0x0;
	_ =	strace $0x9000004D  }
0x41: {  	s0 =	sadd.s32 @!p0 $0x100000, s1;
	[bflag:$0x2] =	sbarrier.arrive $0xFFFF  }
0x42: {  	[sflag:s0] =	ssyncadd.tile.s32 @!p0 $0x1;
	_ =	shalt  }
.Lfunc_end1:
_tile_overlayer_lowered:
.L_overlay_start_2:
0x43: {  	(tag) =	ssettag $0x2  }
0x44: {  	s0 =	rddreg [dreg:$0x0];
	s2 =	stileid.u32  }
0x45: {  	s1 =	rddreg [dreg:$0x1];
	p0 =	sne.s32 s2, $0x0  }
0x46: {  	s3 =	rddreg [dreg:$0x2];
	[bflag:$0x3] =	sbarrier.arrive $0xFFFF;
	s2 =	simm.s32 @!p0 $0x1C01  }
0x47: {  	[timem:s3], [sflag:s2] =	dma.local @!p0 [hbm:s0], s1  }
0x48: {  	s0 =	simm.s32 @!p0 $0x1  }
0x49: {  	_ =	swait.ge @!p0 [sflag:s0], s1  }
0x4a: {  	s1 =	ssub.s32 @!p0 $0x0, s1;
	[sflag:s0] =	ssyncset.done @!p0 $0x0  }
0x4b: {  	[sflag:s0] =	ssyncadd.s32 @!p0 s1  }
0x4c: {  	[bflag:$0x3] =	sbarrier.arrive $0xFFFF  }
0x4d: {  	_ =	shalt  }

</sc_bundles>
